<compile_context>
chip_gen: v7x
topology: tpu7x:2x2x1
jax: 0.10.2.dev20260603
libtpu: 0.0.44.dev20260713+nightly
codegen_flags: <defaults>
</compile_context>

<pallas_src>
import dataclasses
import functools

import jax
import jax.numpy as jnp
from jax import lax
from jax.experimental import pallas as pl
from jax.experimental.pallas import tpu as pltpu
from jax.experimental.pallas import tpu_sc as plsc

_K = 256
_N = 32768
_B = 128
_SCALE = 128.0
_RB = 8
_NW = 32
_RPW = _B // _NW
_QCAP = 4096
_QSTRIDE = _QCAP + 16
_SAMP = 64


def _monokey(x):
    u = lax.bitcast_convert_type(x, jnp.uint32)
    return jnp.where(u >= jnp.uint32(0x80000000), ~u,
                     u | jnp.uint32(0x80000000))


def _ikey(x):
    b = lax.bitcast_convert_type(x, jnp.int32)
    return b ^ ((b >> 31) & jnp.int32(0x7FFFFFFF))


def _ikey_inv(ik):
    b = jnp.where(ik < 0, ik ^ jnp.int32(0x7FFFFFFF), ik)
    return lax.bitcast_convert_type(b, jnp.float32)


def _tie_index_cutoff(eq, t, r):
    idx = lax.broadcasted_iota(jnp.int32, eq.shape, 1)
    lo0 = jnp.zeros((r, 1), jnp.int32)
    hi0 = jnp.full((r, 1), _N, jnp.int32)

    def bs_idx(_, carry):
        lo, hi = carry
        mid = (lo + hi) // 2
        cnt = jnp.sum((eq & (idx >= mid)).astype(jnp.int32), axis=1,
                      keepdims=True)
        ge = cnt >= t
        return jnp.where(ge, mid, lo), jnp.where(ge, hi, mid)

    lo, _ = lax.fori_loop(0, 15, bs_idx, (lo0, hi0))
    return lo


def _exact_mask(x):
    r = x.shape[0]
    key = _monokey(x)

    lo0 = jnp.zeros((r, 1), jnp.uint32)
    hi0 = jnp.full((r, 1), 0xFFFFFFFF, jnp.uint32)

    def bs_val(_, carry):
        lo, hi = carry
        mid = lo + (hi - lo) // 2
        cnt = jnp.sum((key > mid).astype(jnp.int32), axis=1, keepdims=True)
        ge = cnt >= _K
        return jnp.where(ge, mid + 1, lo), jnp.where(ge, hi, mid)

    lo, _ = lax.fori_loop(0, 32, bs_val, (lo0, hi0))
    thresh = lo

    gt = key > thresh
    c = jnp.sum(gt.astype(jnp.int32), axis=1, keepdims=True)
    t = _K - c
    eq = key == thresh
    cnt_eq = jnp.sum(eq.astype(jnp.int32), axis=1, keepdims=True)

    istar = lax.cond(jnp.any(cnt_eq > t),
                     lambda _: _tie_index_cutoff(eq, t, r),
                     lambda _: jnp.zeros((r, 1), jnp.int32), None)
    idx = lax.broadcasted_iota(jnp.int32, x.shape, 1)
    mask = gt | (eq & (idx >= istar))
    return jnp.where(mask, x * _SCALE, 0.0)


def _tc_mask_body(feat_ref, par_ref, out_ref):
    x = feat_ref[...]
    p = par_ref[...]
    r = x.shape[0]

    def fast(_):
        tf = p[:, 0:1]
        t = p[:, 1:2].astype(jnp.int32)
        cnt_eq = p[:, 3:4].astype(jnp.int32)
        gt = x > tf
        eq = x == tf
        istar = lax.cond(jnp.any(cnt_eq > t),
                         lambda _: _tie_index_cutoff(eq, t, r),
                         lambda _: jnp.zeros((r, 1), jnp.int32), None)
        idx = lax.broadcasted_iota(jnp.int32, x.shape, 1)
        mask = gt | (eq & (idx >= istar))
        return jnp.where(mask, x * _SCALE, 0.0)

    all_valid = jnp.all(p[:, 2:3] > 0.5)
    out_ref[...] = lax.cond(all_valid, fast, lambda _: _exact_mask(x), None)


def _sc_body(feat_hbm, par_hbm, row_a, row_b, key_v, par_v, sem_a, sem_b):
    cid = lax.axis_index("c")
    sid = lax.axis_index("s")
    base = (sid * 2 + cid) * _RPW
    zero16i = jnp.zeros((16,), jnp.int32)
    lane = lax.iota(jnp.int32, 16)

    bufs = (row_a, row_b)
    sems = (sem_a, sem_b)
    pending = pltpu.async_copy(feat_hbm.at[base], row_a, sem_a)
    for rr in range(_RPW):
        row_v = bufs[rr % 2]
        pending.wait()
        if rr + 1 < _RPW:
            pending = pltpu.async_copy(feat_hbm.at[base + rr + 1],
                                       bufs[(rr + 1) % 2],
                                       sems[(rr + 1) % 2])

        def stat_body(i, carry):
            s1, s2 = carry
            v = row_v[pl.ds(i * (_N // _SAMP), 16)]
            return s1 + v, s2 + v * v

        s1, s2 = lax.fori_loop(0, _SAMP, stat_body,
                               (jnp.zeros((16,), jnp.float32),
                                jnp.zeros((16,), jnp.float32)))
        inv = jnp.float32(1.0 / (16 * _SAMP))
        mu = jnp.sum(s1) * inv
        var = jnp.minimum(jnp.maximum(jnp.sum(s2) * inv - mu * mu,
                                      jnp.float32(1e-12)), jnp.float32(2.0))
        var_v = jnp.broadcast_to(var, (16,))
        y = lax.fori_loop(
            0, 12, lambda i, y: y * (1.5 - 0.5 * var_v * y * y),
            jnp.ones((16,), jnp.float32))
        sig_v = var_v * y
        thr_v = jnp.broadcast_to(mu, (16,)) + 2.0 * sig_v

        qn = _N // 16
        thrkey_v = _ikey(thr_v)
        qcap_v = jnp.full((16,), _QCAP, jnp.int32)

        def filt(i, carry):
            ptr_v, mx = carry
            for u in range(4):
                v = row_v[pl.ds((i * 4 + u) * 16, 16)]
                k = _ikey(v)
                mx = jnp.maximum(mx, k)
                m = v > thr_v
                off = plsc.cumsum(m.astype(jnp.int32)) - 1
                idx = jnp.minimum(ptr_v + off, qcap_v)
                plsc.store_scatter(key_v, [idx], k, mask=m)
                ptr_v = ptr_v + plsc.all_reduce_population_count(m)
            return ptr_v, mx

        ptr_v, maxkey_v = lax.fori_loop(
            0, qn // 4, filt,
            (jnp.zeros((16,), jnp.int32),
             jnp.full((16,), -0x80000000, jnp.int32)))
        c_total = jnp.max(ptr_v)
        maxkey_v = jnp.broadcast_to(jnp.max(maxkey_v), (16,))
        valid = (c_total >= _K) & (c_total <= _QCAP)
        pad16 = jnp.full((16,), -0x80000000, jnp.int32)
        pc = jnp.minimum(c_total, _QCAP)
        for z in range(4):
            plsc.store_compressed(key_v.at[pl.ds(pc + z * 16, 16)],
                                  pad16, mask=pad16 < 0)
        nch4 = (pc + 63) >> 6

        def count_gt(mid_v):
            def cb(j, acc):
                for u in range(4):
                    k = key_v[pl.ds(j * 64 + u * 16, 16)]
                    acc = acc + (k > mid_v).astype(jnp.int32)
                return acc
            return jnp.sum(lax.fori_loop(0, nch4, cb, zero16i))

        def bs(i, lohi):
            lo, hi = lohi
            mid = (lo >> 1) + (hi >> 1) + (lo & hi & 1)
            big = jnp.broadcast_to(count_gt(mid) >= _K, (16,))
            return (jnp.where(big, mid + 1, lo), jnp.where(big, hi, mid))

        lo, hi = lax.fori_loop(0, 27, bs, (thrkey_v, maxkey_v))
        tkey_v = lo
        valid = valid & jnp.all(lo == hi)

        def cnt2(j, carry):
            aa, ee = carry
            for u in range(4):
                k = key_v[pl.ds(j * 64 + u * 16, 16)]
                aa = aa + (k > tkey_v).astype(jnp.int32)
                ee = ee + (k == tkey_v).astype(jnp.int32)
            return aa, ee

        a, e = lax.fori_loop(0, nch4, cnt2, (zero16i, zero16i))
        c_above = jnp.sum(a)
        cnt_eq = jnp.sum(e)
        t = _K - c_above

        tf_v = _ikey_inv(tkey_v)

        pvec = jnp.where(lane == 0, tf_v, 0.0)
        pvec = jnp.where(lane == 1,
                         jnp.broadcast_to(t.astype(jnp.float32), (16,)), pvec)
        pvec = jnp.where(lane == 2,
                         jnp.broadcast_to(
                             jnp.where(valid, jnp.float32(1.0),
                                       jnp.float32(0.0)), (16,)), pvec)
        pvec = jnp.where(lane == 3,
                         jnp.broadcast_to(cnt_eq.astype(jnp.float32), (16,)),
                         pvec)
        par_v[rr, :] = pvec

    pltpu.async_copy(par_v, par_hbm.at[pl.ds(base, _RPW)], sem_a).wait()


def _sc_params(feat):
    mesh = plsc.VectorSubcoreMesh(core_axis_name="c", subcore_axis_name="s",
                                  num_cores=2, num_subcores=16)
    cp = pltpu.CompilerParams()
    if "needs_layout_passes" in pltpu.CompilerParams.__dataclass_fields__:
        cp = dataclasses.replace(cp, needs_layout_passes=False)
    return pl.kernel(
        _sc_body,
        compiler_params=cp,
        out_type=jax.ShapeDtypeStruct((_B, 16), jnp.float32),
        mesh=mesh,
        scratch_types=[
            pltpu.VMEM((_N,), jnp.float32),
            pltpu.VMEM((_N,), jnp.float32),
            pltpu.VMEM((4 * _QSTRIDE,), jnp.int32),
            pltpu.VMEM((_RPW, 16), jnp.float32),
            pltpu.SemaphoreType.DMA,
            pltpu.SemaphoreType.DMA,
        ],
    )(feat)


def kernel(feat):
    b, n = feat.shape
    params = _sc_params(feat)
    return pl.pallas_call(
        _tc_mask_body,
        grid=(b // _RB,),
        in_specs=[
            pl.BlockSpec((_RB, n), lambda i: (i, 0)),
            pl.BlockSpec((_RB, 16), lambda i: (i, 0)),
        ],
        out_specs=pl.BlockSpec((_RB, n), lambda i: (i, 0)),
        out_shape=jax.ShapeDtypeStruct(feat.shape, feat.dtype),
    )(feat, params)

# --- scband reference (transcript-rebuilt; emitter-appended) ---
"""Pipeline reference for scband-norm-active-3891240370805 (READ-ONLY COPY).

The authoritative reference and input builder live on the scoring server;
editing this copy changes nothing except your own understanding.
"""

import jax, jax.numpy as jnp
import numpy as np

NACTIVE = 256
FEATSIZE = 32768
SCALE = 1.0


def setup_inputs(seed: int = 0) -> dict:
    key = jax.random.key(seed)
    feat = jax.random.normal(key, (128, FEATSIZE), dtype=jnp.float32)
    return {"feat": feat}


def reference(feat):
    # Faithful translation of NormActive.forward:
    # argsort each row ascending, zero out the smallest (featsize - nactive)
    # entries in-place, then scale everything by scale / (1 - proportion).
    proportion = (FEATSIZE - NACTIVE) / FEATSIZE
    scale_eff = SCALE / (1.0 - proportion)  # = scale * featsize / nactive
    batchsize = feat.shape[0]
    sortind = jnp.argsort(feat, axis=1)  # ascending, same as torch.argsort(descending=False)
    # indices of the (featsize - nactive) smallest elements per row
    drop = sortind[:, : FEATSIZE - NACTIVE]
    rows = jnp.arange(batchsize, dtype=jnp.int32)[:, None]
    out = feat.at[rows, drop].set(0.0)
    out = out * scale_eff
    return out

if __name__ == "__main__":
    import jax
    _d = setup_inputs()
    print(jax.jit(kernel)(*tuple(_d.values())))

</pallas_src>

<mosaic_0001>
#map = affine_map<(d0, d1) -> (0, 0)>
module attributes {stable_mosaic.version = 14 : i64} {
  func.func @_sc_body(%arg0: i32, %arg1: i32, %arg2: memref<128x32768xf32, #tpu.memory_space<hbm>>, %arg3: memref<128x16xf32, #tpu.memory_space<hbm>>, %arg4: memref<32768xf32, #tpu.memory_space<vmem>>, %arg5: memref<32768xf32, #tpu.memory_space<vmem>>, %arg6: memref<16448xi32, #tpu.memory_space<vmem>>, %arg7: memref<4x16xf32, #tpu.memory_space<vmem>>, %arg8: memref<!tpu.dma_semaphore, #tpu.memory_space<semaphore_mem>>, %arg9: memref<!tpu.dma_semaphore, #tpu.memory_space<semaphore_mem>>) attributes {dimension_semantics = [#tpu.dimension_semantics<core_parallel>, #tpu.dimension_semantics<subcore_parallel>], iteration_bounds = array<i64: 2, 16>, scalar_prefetch = 0 : i64, scratch_operands = 6 : i64, tpu.core_type = #tpu.core_type<sc_vector_subcore>, window_params = [{transform_indices = #map}, {transform_indices = #map}]} {
    %mul3A = arith.constant 2 : i32
    %mul3A_0 = arith.muli %arg1, %mul3A : i32
    %add3A = arith.addi %mul3A_0, %arg0 : i32
    %mul3A_1 = arith.constant 4 : i32
    %mul3A_2 = arith.muli %add3A, %mul3A_1 : i32
    %broadcast_in_dim3A = arith.constant 0 : i32
    %broadcast_in_dim3A_3 = vector.broadcast %broadcast_in_dim3A : i32 to vector<16xi32>
    %iota3A = tpu.iota {dimensions = array<i32: 0>} : vector<16xi32>
    %dma_start3A = arith.constant 0 : i32
    %dma_start3A_4 = tpu.memref_slice %arg2[%mul3A_2, %dma_start3A] : memref<128x32768xf32, #tpu.memory_space<hbm>> -> memref<1x32768xf32, #tpu.memory_space<hbm>>
    %dma_start3A_5 = tpu.memref_squeeze %dma_start3A_4 : memref<1x32768xf32, #tpu.memory_space<hbm>> -> memref<32768xf32, #tpu.memory_space<hbm>>
    %dma_start3A_6 = arith.constant 0 : i32
    %dma_start3A_7 = tpu.memref_slice %arg2[%mul3A_2, %dma_start3A_6] : memref<128x32768xf32, #tpu.memory_space<hbm>> -> memref<1x32768xf32, #tpu.memory_space<hbm>>
    %dma_start3A_8 = tpu.memref_squeeze %dma_start3A_7 : memref<1x32768xf32, #tpu.memory_space<hbm>> -> memref<32768xf32, #tpu.memory_space<hbm>>
    tpu.enqueue_dma source(%dma_start3A_8 : memref<32768xf32, #tpu.memory_space<hbm>>) target(%arg4 : memref<32768xf32, #tpu.memory_space<vmem>>) target_semaphore(%arg8 : memref<!tpu.dma_semaphore, #tpu.memory_space<semaphore_mem>>)
    %dma_wait3A = arith.constant 0 : i32
    %dma_wait3A_9 = tpu.memref_slice %arg2[%mul3A_2, %dma_wait3A] : memref<128x32768xf32, #tpu.memory_space<hbm>> -> memref<1x32768xf32, #tpu.memory_space<hbm>>
    %dma_wait3A_10 = tpu.memref_squeeze %dma_wait3A_9 : memref<1x32768xf32, #tpu.memory_space<hbm>> -> memref<32768xf32, #tpu.memory_space<hbm>>
    %dma_wait3A_11 = arith.constant 0 : i32
    %dma_wait3A_12 = tpu.memref_slice %arg2[%mul3A_2, %dma_wait3A_11] : memref<128x32768xf32, #tpu.memory_space<hbm>> -> memref<1x32768xf32, #tpu.memory_space<hbm>>
    %dma_wait3A_13 = tpu.memref_squeeze %dma_wait3A_12 : memref<1x32768xf32, #tpu.memory_space<hbm>> -> memref<32768xf32, #tpu.memory_space<hbm>>
    tpu.wait_dma2 semaphore(%arg8 : memref<!tpu.dma_semaphore, #tpu.memory_space<semaphore_mem>>) src(%dma_wait3A_13 : memref<32768xf32, #tpu.memory_space<hbm>>) dst(%arg4 : memref<32768xf32, #tpu.memory_space<vmem>>)
    %add3A_14 = arith.constant 0 : i32
    %add3A_15 = arith.addi %mul3A_2, %add3A_14 : i32
    %add3A_16 = arith.constant 1 : i32
    %add3A_17 = arith.addi %add3A_15, %add3A_16 : i32
    %dma_start3A_18 = arith.constant 0 : i32
    %dma_start3A_19 = tpu.memref_slice %arg2[%add3A_17, %dma_start3A_18] : memref<128x32768xf32, #tpu.memory_space<hbm>> -> memref<1x32768xf32, #tpu.memory_space<hbm>>
    %dma_start3A_20 = tpu.memref_squeeze %dma_start3A_19 : memref<1x32768xf32, #tpu.memory_space<hbm>> -> memref<32768xf32, #tpu.memory_space<hbm>>
    %dma_start3A_21 = arith.constant 0 : i32
    %dma_start3A_22 = tpu.memref_slice %arg2[%add3A_17, %dma_start3A_21] : memref<128x32768xf32, #tpu.memory_space<hbm>> -> memref<1x32768xf32, #tpu.memory_space<hbm>>
    %dma_start3A_23 = tpu.memref_squeeze %dma_start3A_22 : memref<1x32768xf32, #tpu.memory_space<hbm>> -> memref<32768xf32, #tpu.memory_space<hbm>>
    tpu.enqueue_dma source(%dma_start3A_23 : memref<32768xf32, #tpu.memory_space<hbm>>) target(%arg5 : memref<32768xf32, #tpu.memory_space<vmem>>) target_semaphore(%arg9 : memref<!tpu.dma_semaphore, #tpu.memory_space<semaphore_mem>>)
    %broadcast_in_dim3A_24 = arith.constant 0.000000e+00 : f32
    %broadcast_in_dim3A_25 = vector.broadcast %broadcast_in_dim3A_24 : f32 to vector<16xf32>
    %broadcast_in_dim3A_26 = arith.constant 0.000000e+00 : f32
    %broadcast_in_dim3A_27 = vector.broadcast %broadcast_in_dim3A_26 : f32 to vector<16xf32>
    %scan3A = arith.constant 0 : i32
    %scan3A_28 = arith.constant 64 : i32
    %scan3A_29 = arith.addi %scan3A, %scan3A_28 : i32
    %scan3A_30 = arith.constant 1 : i32
    %scan3A_31:2 = scf.for %scan3A_846 = %scan3A to %scan3A_29 step %scan3A_30 iter_args(%scan3A_847 = %broadcast_in_dim3A_25, %scan3A_848 = %broadcast_in_dim3A_27) -> (vector<16xf32>, vector<16xf32>)  : i32 {
      %mul3A_849 = arith.constant 512 : i32
      %mul3A_850 = arith.muli %scan3A_846, %mul3A_849 : i32
      %get3A = arith.index_cast %mul3A_850 : i32 to index
      %get3A_851 = tpu.vector_load %arg4[%get3A] {strides = array<i32>} : memref<32768xf32, #tpu.memory_space<vmem>>, vector<16xf32>,
      %add3A_852 = arith.addf %scan3A_847, %get3A_851 : vector<16xf32>
      %mul3A_853 = arith.mulf %get3A_851, %get3A_851 : vector<16xf32>
      %add3A_854 = arith.addf %scan3A_848, %mul3A_853 : vector<16xf32>
      scf.yield %add3A_852, %add3A_854 : vector<16xf32>, vector<16xf32>
    }
    %scan3A_32 = arith.constant 64 : i32
    %reduce_sum3A = arith.constant true
    %reduce_sum3A_33 = vector.broadcast %reduce_sum3A : i1 to vector<16xi1>
    %reduce_sum3A_34 = tpu.scan <sum>, %scan3A_31#0 masked %reduce_sum3A_33 : vector<16xf32>, vector<16xi1> -> vector<16xf32>
    %reduce_sum3A_35 = vector.extract %reduce_sum3A_34[15] : f32 from vector<16xf32>
    %mul3A_36 = arith.constant 9.765625E-4 : f32
    %mul3A_37 = arith.mulf %reduce_sum3A_35, %mul3A_36 : f32
    %reduce_sum3A_38 = arith.constant true
    %reduce_sum3A_39 = vector.broadcast %reduce_sum3A_38 : i1 to vector<16xi1>
    %reduce_sum3A_40 = tpu.scan <sum>, %scan3A_31#1 masked %reduce_sum3A_39 : vector<16xf32>, vector<16xi1> -> vector<16xf32>
    %reduce_sum3A_41 = vector.extract %reduce_sum3A_40[15] : f32 from vector<16xf32>
    %mul3A_42 = arith.constant 9.765625E-4 : f32
    %mul3A_43 = arith.mulf %reduce_sum3A_41, %mul3A_42 : f32
    %mul3A_44 = arith.mulf %mul3A_37, %mul3A_37 : f32
    %sub3A = arith.subf %mul3A_43, %mul3A_44 : f32
    %max3A = arith.constant 9.99999996E-13 : f32
    %max3A_45 = arith.maximumf %sub3A, %max3A : f32
    %min3A = arith.constant 2.000000e+00 : f32
    %min3A_46 = arith.minimumf %max3A_45, %min3A : f32
    %broadcast_in_dim3A_47 = vector.broadcast %min3A_46 : f32 to vector<16xf32>
    %broadcast_in_dim3A_48 = arith.constant 1.000000e+00 : f32
    %broadcast_in_dim3A_49 = vector.broadcast %broadcast_in_dim3A_48 : f32 to vector<16xf32>
    %scan3A_50 = arith.constant 0 : i32
    %scan3A_51 = arith.constant 12 : i32
    %scan3A_52 = arith.addi %scan3A_50, %scan3A_51 : i32
    %scan3A_53 = arith.constant 1 : i32
    %scan3A_54 = scf.for %scan3A_846 = %scan3A_50 to %scan3A_52 step %scan3A_53 iter_args(%scan3A_847 = %broadcast_in_dim3A_49) -> (vector<16xf32>)  : i32 {
      %mul3A_848 = arith.constant 5.000000e-01 : f32
      %mul3A_849 = vector.broadcast %mul3A_848 : f32 to vector<16xf32>
      %mul3A_850 = arith.mulf %mul3A_849, %broadcast_in_dim3A_47 : vector<16xf32>
      %mul3A_851 = arith.mulf %mul3A_850, %scan3A_847 : vector<16xf32>
      %mul3A_852 = arith.mulf %mul3A_851, %scan3A_847 : vector<16xf32>
      %sub3A_853 = arith.constant 1.500000e+00 : f32
      %sub3A_854 = vector.broadcast %sub3A_853 : f32 to vector<16xf32>
      %sub3A_855 = arith.subf %sub3A_854, %mul3A_852 : vector<16xf32>
      %mul3A_856 = arith.mulf %scan3A_847, %sub3A_855 : vector<16xf32>
      scf.yield %mul3A_856 : vector<16xf32>
    }
    %scan3A_55 = arith.constant 12 : i32
    %mul3A_56 = arith.mulf %broadcast_in_dim3A_47, %scan3A_54 : vector<16xf32>
    %broadcast_in_dim3A_57 = vector.broadcast %mul3A_37 : f32 to vector<16xf32>
    %mul3A_58 = arith.constant 2.000000e+00 : f32
    %mul3A_59 = vector.broadcast %mul3A_58 : f32 to vector<16xf32>
    %mul3A_60 = arith.mulf %mul3A_59, %mul3A_56 : vector<16xf32>
    %add3A_61 = arith.addf %broadcast_in_dim3A_57, %mul3A_60 : vector<16xf32>
    %bitcast_convert_type3A = tpu.bitcast %add3A_61 : vector<16xf32> -> vector<16xi32>
    %shift_right_arithmetic3A = arith.constant 31 : i32
    %shift_right_arithmetic3A_62 = vector.broadcast %shift_right_arithmetic3A : i32 to vector<16xi32>
    %shift_right_arithmetic3A_63 = arith.shrsi %bitcast_convert_type3A, %shift_right_arithmetic3A_62 : vector<16xi32>
    %and3A = arith.constant 2147483647 : i32
    %and3A_64 = vector.broadcast %and3A : i32 to vector<16xi32>
    %and3A_65 = arith.andi %shift_right_arithmetic3A_63, %and3A_64 : vector<16xi32>
    %xor3A = arith.xori %bitcast_convert_type3A, %and3A_65 : vector<16xi32>
    %broadcast_in_dim3A_66 = arith.constant 4096 : i32
    %broadcast_in_dim3A_67 = vector.broadcast %broadcast_in_dim3A_66 : i32 to vector<16xi32>
    %broadcast_in_dim3A_68 = arith.constant 0 : i32
    %broadcast_in_dim3A_69 = vector.broadcast %broadcast_in_dim3A_68 : i32 to vector<16xi32>
    %broadcast_in_dim3A_70 = arith.constant -2147483648 : i32
    %broadcast_in_dim3A_71 = vector.broadcast %broadcast_in_dim3A_70 : i32 to vector<16xi32>
    %scan3A_72 = arith.constant 0 : i32
    %scan3A_73 = arith.constant 512 : i32
    %scan3A_74 = arith.addi %scan3A_72, %scan3A_73 : i32
    %scan3A_75 = arith.constant 1 : i32
    %scan3A_76:2 = scf.for %scan3A_846 = %scan3A_72 to %scan3A_74 step %scan3A_75 iter_args(%scan3A_847 = %broadcast_in_dim3A_69, %scan3A_848 = %broadcast_in_dim3A_71) -> (vector<16xi32>, vector<16xi32>)  : i32 {
      %mul3A_849 = arith.constant 4 : i32
      %mul3A_850 = arith.muli %scan3A_846, %mul3A_849 : i32
      %add3A_851 = arith.constant 0 : i32
      %add3A_852 = arith.addi %mul3A_850, %add3A_851 : i32
      %mul3A_853 = arith.constant 16 : i32
      %mul3A_854 = arith.muli %add3A_852, %mul3A_853 : i32
      %get3A = arith.index_cast %mul3A_854 : i32 to index
      %get3A_855 = tpu.vector_load %arg4[%get3A] {strides = array<i32>} : memref<32768xf32, #tpu.memory_space<vmem>>, vector<16xf32>,
      %bitcast_convert_type3A_856 = tpu.bitcast %get3A_855 : vector<16xf32> -> vector<16xi32>
      %shift_right_arithmetic3A_857 = arith.constant 31 : i32
      %shift_right_arithmetic3A_858 = vector.broadcast %shift_right_arithmetic3A_857 : i32 to vector<16xi32>
      %shift_right_arithmetic3A_859 = arith.shrsi %bitcast_convert_type3A_856, %shift_right_arithmetic3A_858 : vector<16xi32>
      %and3A_860 = arith.constant 2147483647 : i32
      %and3A_861 = vector.broadcast %and3A_860 : i32 to vector<16xi32>
      %and3A_862 = arith.andi %shift_right_arithmetic3A_859, %and3A_861 : vector<16xi32>
      %xor3A_863 = arith.xori %bitcast_convert_type3A_856, %and3A_862 : vector<16xi32>
      %max3A_864 = arith.maxsi %scan3A_848, %xor3A_863 : vector<16xi32>
      %gt3A = arith.cmpf ogt, %get3A_855, %add3A_61 : vector<16xf32>
      %convert_element_type3A_865 = arith.extui %gt3A : vector<16xi1> to vector<16xi32>
      %broadcast_in_dim3A_866 = arith.constant true
      %broadcast_in_dim3A_867 = vector.broadcast %broadcast_in_dim3A_866 : i1 to vector<16xi1>
      %masked_cumsum3A = tpu.scan <sum>, %convert_element_type3A_865 masked %broadcast_in_dim3A_867 : vector<16xi32>, vector<16xi1> -> vector<16xi32>
      %sub3A_868 = arith.constant 1 : i32
      %sub3A_869 = vector.broadcast %sub3A_868 : i32 to vector<16xi32>
      %sub3A_870 = arith.subi %masked_cumsum3A, %sub3A_869 : vector<16xi32>
      %add3A_871 = arith.addi %scan3A_847, %sub3A_870 : vector<16xi32>
      %min3A_872 = arith.minsi %add3A_871, %broadcast_in_dim3A_67 : vector<16xi32>
      tpu.vector_store_idx %arg6[%min3A_872], %xor3A_863 masked %gt3A : memref<16448xi32, #tpu.memory_space<vmem>>[vector<16xi32>], vector<16xi32>, vector<16xi1>
      %all_reduce_population_count3A = tpu.all_reduce %gt3A {dim = 0 : i64, kind = #tpu.reduction_kind<sum>} : vector<16xi1> -> vector<16xi32>
      %add3A_873 = arith.addi %scan3A_847, %all_reduce_population_count3A : vector<16xi32>
      %mul3A_874 = arith.constant 4 : i32
      %mul3A_875 = arith.muli %scan3A_846, %mul3A_874 : i32
      %add3A_876 = arith.constant 1 : i32
      %add3A_877 = arith.addi %mul3A_875, %add3A_876 : i32
      %mul3A_878 = arith.constant 16 : i32
      %mul3A_879 = arith.muli %add3A_877, %mul3A_878 : i32
      %get3A_880 = arith.index_cast %mul3A_879 : i32 to index
      %get3A_881 = tpu.vector_load %arg4[%get3A_880] {strides = array<i32>} : memref<32768xf32, #tpu.memory_space<vmem>>, vector<16xf32>,
      %bitcast_convert_type3A_882 = tpu.bitcast %get3A_881 : vector<16xf32> -> vector<16xi32>
      %shift_right_arithmetic3A_883 = arith.constant 31 : i32
      %shift_right_arithmetic3A_884 = vector.broadcast %shift_right_arithmetic3A_883 : i32 to vector<16xi32>
      %shift_right_arithmetic3A_885 = arith.shrsi %bitcast_convert_type3A_882, %shift_right_arithmetic3A_884 : vector<16xi32>
      %and3A_886 = arith.constant 2147483647 : i32
      %and3A_887 = vector.broadcast %and3A_886 : i32 to vector<16xi32>
      %and3A_888 = arith.andi %shift_right_arithmetic3A_885, %and3A_887 : vector<16xi32>
      %xor3A_889 = arith.xori %bitcast_convert_type3A_882, %and3A_888 : vector<16xi32>
      %max3A_890 = arith.maxsi %max3A_864, %xor3A_889 : vector<16xi32>
      %gt3A_891 = arith.cmpf ogt, %get3A_881, %add3A_61 : vector<16xf32>
      %convert_element_type3A_892 = arith.extui %gt3A_891 : vector<16xi1> to vector<16xi32>
      %broadcast_in_dim3A_893 = arith.constant true
      %broadcast_in_dim3A_894 = vector.broadcast %broadcast_in_dim3A_893 : i1 to vector<16xi1>
      %masked_cumsum3A_895 = tpu.scan <sum>, %convert_element_type3A_892 masked %broadcast_in_dim3A_894 : vector<16xi32>, vector<16xi1> -> vector<16xi32>
      %sub3A_896 = arith.constant 1 : i32
      %sub3A_897 = vector.broadcast %sub3A_896 : i32 to vector<16xi32>
      %sub3A_898 = arith.subi %masked_cumsum3A_895, %sub3A_897 : vector<16xi32>
      %add3A_899 = arith.addi %add3A_873, %sub3A_898 : vector<16xi32>
      %min3A_900 = arith.minsi %add3A_899, %broadcast_in_dim3A_67 : vector<16xi32>
      tpu.vector_store_idx %arg6[%min3A_900], %xor3A_889 masked %gt3A_891 : memref<16448xi32, #tpu.memory_space<vmem>>[vector<16xi32>], vector<16xi32>, vector<16xi1>
      %all_reduce_population_count3A_901 = tpu.all_reduce %gt3A_891 {dim = 0 : i64, kind = #tpu.reduction_kind<sum>} : vector<16xi1> -> vector<16xi32>
      %add3A_902 = arith.addi %add3A_873, %all_reduce_population_count3A_901 : vector<16xi32>
      %mul3A_903 = arith.constant 4 : i32
      %mul3A_904 = arith.muli %scan3A_846, %mul3A_903 : i32
      %add3A_905 = arith.constant 2 : i32
      %add3A_906 = arith.addi %mul3A_904, %add3A_905 : i32
      %mul3A_907 = arith.constant 16 : i32
      %mul3A_908 = arith.muli %add3A_906, %mul3A_907 : i32
      %get3A_909 = arith.index_cast %mul3A_908 : i32 to index
      %get3A_910 = tpu.vector_load %arg4[%get3A_909] {strides = array<i32>} : memref<32768xf32, #tpu.memory_space<vmem>>, vector<16xf32>,
      %bitcast_convert_type3A_911 = tpu.bitcast %get3A_910 : vector<16xf32> -> vector<16xi32>
      %shift_right_arithmetic3A_912 = arith.constant 31 : i32
      %shift_right_arithmetic3A_913 = vector.broadcast %shift_right_arithmetic3A_912 : i32 to vector<16xi32>
      %shift_right_arithmetic3A_914 = arith.shrsi %bitcast_convert_type3A_911, %shift_right_arithmetic3A_913 : vector<16xi32>
      %and3A_915 = arith.constant 2147483647 : i32
      %and3A_916 = vector.broadcast %and3A_915 : i32 to vector<16xi32>
      %and3A_917 = arith.andi %shift_right_arithmetic3A_914, %and3A_916 : vector<16xi32>
      %xor3A_918 = arith.xori %bitcast_convert_type3A_911, %and3A_917 : vector<16xi32>
      %max3A_919 = arith.maxsi %max3A_890, %xor3A_918 : vector<16xi32>
      %gt3A_920 = arith.cmpf ogt, %get3A_910, %add3A_61 : vector<16xf32>
      %convert_element_type3A_921 = arith.extui %gt3A_920 : vector<16xi1> to vector<16xi32>
      %broadcast_in_dim3A_922 = arith.constant true
      %broadcast_in_dim3A_923 = vector.broadcast %broadcast_in_dim3A_922 : i1 to vector<16xi1>
      %masked_cumsum3A_924 = tpu.scan <sum>, %convert_element_type3A_921 masked %broadcast_in_dim3A_923 : vector<16xi32>, vector<16xi1> -> vector<16xi32>
      %sub3A_925 = arith.constant 1 : i32
      %sub3A_926 = vector.broadcast %sub3A_925 : i32 to vector<16xi32>
      %sub3A_927 = arith.subi %masked_cumsum3A_924, %sub3A_926 : vector<16xi32>
      %add3A_928 = arith.addi %add3A_902, %sub3A_927 : vector<16xi32>
      %min3A_929 = arith.minsi %add3A_928, %broadcast_in_dim3A_67 : vector<16xi32>
      tpu.vector_store_idx %arg6[%min3A_929], %xor3A_918 masked %gt3A_920 : memref<16448xi32, #tpu.memory_space<vmem>>[vector<16xi32>], vector<16xi32>, vector<16xi1>
      %all_reduce_population_count3A_930 = tpu.all_reduce %gt3A_920 {dim = 0 : i64, kind = #tpu.reduction_kind<sum>} : vector<16xi1> -> vector<16xi32>
      %add3A_931 = arith.addi %add3A_902, %all_reduce_population_count3A_930 : vector<16xi32>
      %mul3A_932 = arith.constant 4 : i32
      %mul3A_933 = arith.muli %scan3A_846, %mul3A_932 : i32
      %add3A_934 = arith.constant 3 : i32
      %add3A_935 = arith.addi %mul3A_933, %add3A_934 : i32
      %mul3A_936 = arith.constant 16 : i32
      %mul3A_937 = arith.muli %add3A_935, %mul3A_936 : i32
      %get3A_938 = arith.index_cast %mul3A_937 : i32 to index
      %get3A_939 = tpu.vector_load %arg4[%get3A_938] {strides = array<i32>} : memref<32768xf32, #tpu.memory_space<vmem>>, vector<16xf32>,
      %bitcast_convert_type3A_940 = tpu.bitcast %get3A_939 : vector<16xf32> -> vector<16xi32>
      %shift_right_arithmetic3A_941 = arith.constant 31 : i32
      %shift_right_arithmetic3A_942 = vector.broadcast %shift_right_arithmetic3A_941 : i32 to vector<16xi32>
      %shift_right_arithmetic3A_943 = arith.shrsi %bitcast_convert_type3A_940, %shift_right_arithmetic3A_942 : vector<16xi32>
      %and3A_944 = arith.constant 2147483647 : i32
      %and3A_945 = vector.broadcast %and3A_944 : i32 to vector<16xi32>
      %and3A_946 = arith.andi %shift_right_arithmetic3A_943, %and3A_945 : vector<16xi32>
      %xor3A_947 = arith.xori %bitcast_convert_type3A_940, %and3A_946 : vector<16xi32>
      %max3A_948 = arith.maxsi %max3A_919, %xor3A_947 : vector<16xi32>
      %gt3A_949 = arith.cmpf ogt, %get3A_939, %add3A_61 : vector<16xf32>
      %convert_element_type3A_950 = arith.extui %gt3A_949 : vector<16xi1> to vector<16xi32>
      %broadcast_in_dim3A_951 = arith.constant true
      %broadcast_in_dim3A_952 = vector.broadcast %broadcast_in_dim3A_951 : i1 to vector<16xi1>
      %masked_cumsum3A_953 = tpu.scan <sum>, %convert_element_type3A_950 masked %broadcast_in_dim3A_952 : vector<16xi32>, vector<16xi1> -> vector<16xi32>
      %sub3A_954 = arith.constant 1 : i32
      %sub3A_955 = vector.broadcast %sub3A_954 : i32 to vector<16xi32>
      %sub3A_956 = arith.subi %masked_cumsum3A_953, %sub3A_955 : vector<16xi32>
      %add3A_957 = arith.addi %add3A_931, %sub3A_956 : vector<16xi32>
      %min3A_958 = arith.minsi %add3A_957, %broadcast_in_dim3A_67 : vector<16xi32>
      tpu.vector_store_idx %arg6[%min3A_958], %xor3A_947 masked %gt3A_949 : memref<16448xi32, #tpu.memory_space<vmem>>[vector<16xi32>], vector<16xi32>, vector<16xi1>
      %all_reduce_population_count3A_959 = tpu.all_reduce %gt3A_949 {dim = 0 : i64, kind = #tpu.reduction_kind<sum>} : vector<16xi1> -> vector<16xi32>
      %add3A_960 = arith.addi %add3A_931, %all_reduce_population_count3A_959 : vector<16xi32>
      scf.yield %add3A_960, %max3A_948 : vector<16xi32>, vector<16xi32>
    }
    %scan3A_77 = arith.constant 512 : i32
    %reduce_max3A = arith.constant true
    %reduce_max3A_78 = vector.broadcast %reduce_max3A : i1 to vector<16xi1>
    %reduce_max3A_79 = arith.constant -2147483648 : i32
    %reduce_max3A_80 = vector.broadcast %reduce_max3A_79 : i32 to vector<16xi32>
    %reduce_max3A_81 = arith.xori %scan3A_76#0, %reduce_max3A_80 : vector<16xi32>
    %reduce_max3A_82 = tpu.scan <max>, %reduce_max3A_81 masked %reduce_max3A_78 : vector<16xi32>, vector<16xi1> -> vector<16xi32>
    %reduce_max3A_83 = arith.xori %reduce_max3A_82, %reduce_max3A_80 : vector<16xi32>
    %reduce_max3A_84 = vector.extract %reduce_max3A_83[15] : i32 from vector<16xi32>
    %reduce_max3A_85 = arith.constant true
    %reduce_max3A_86 = vector.broadcast %reduce_max3A_85 : i1 to vector<16xi1>
    %reduce_max3A_87 = arith.constant -2147483648 : i32
    %reduce_max3A_88 = vector.broadcast %reduce_max3A_87 : i32 to vector<16xi32>
    %reduce_max3A_89 = arith.xori %scan3A_76#1, %reduce_max3A_88 : vector<16xi32>
    %reduce_max3A_90 = tpu.scan <max>, %reduce_max3A_89 masked %reduce_max3A_86 : vector<16xi32>, vector<16xi1> -> vector<16xi32>
    %reduce_max3A_91 = arith.xori %reduce_max3A_90, %reduce_max3A_88 : vector<16xi32>
    %reduce_max3A_92 = vector.extract %reduce_max3A_91[15] : i32 from vector<16xi32>
    %broadcast_in_dim3A_93 = vector.broadcast %reduce_max3A_92 : i32 to vector<16xi32>
    %ge3A = arith.constant 256 : i32
    %ge3A_94 = arith.cmpi sge, %reduce_max3A_84, %ge3A : i32
    %le3A = arith.constant 4096 : i32
    %le3A_95 = arith.cmpi sle, %reduce_max3A_84, %le3A : i32
    %and3A_96 = arith.andi %ge3A_94, %le3A_95 : i1
    %broadcast_in_dim3A_97 = arith.constant -2147483648 : i32
    %broadcast_in_dim3A_98 = vector.broadcast %broadcast_in_dim3A_97 : i32 to vector<16xi32>
    %min3A_99 = arith.constant 4096 : i32
    %min3A_100 = arith.minsi %reduce_max3A_84, %min3A_99 : i32
    %add3A_101 = arith.constant 0 : i32
    %add3A_102 = arith.addi %min3A_100, %add3A_101 : i32
    %lt3A = arith.constant 0 : i32
    %lt3A_103 = vector.broadcast %lt3A : i32 to vector<16xi32>
    %lt3A_104 = arith.cmpi slt, %broadcast_in_dim3A_98, %lt3A_103 : vector<16xi32>
    %swap3A = arith.index_cast %add3A_102 : i32 to index
    %swap3A_105 = tpu.vector_load %arg6[%swap3A] masked %lt3A_104 {strides = array<i32>} : memref<16448xi32, #tpu.memory_space<vmem>>, vector<16xi32>, vector<16xi1>
    tpu.vector_store %arg6[%swap3A], %broadcast_in_dim3A_98 masked %lt3A_104 {strides = array<i32>} : memref<16448xi32, #tpu.memory_space<vmem>>, vector<16xi32>, vector<16xi1>
    %add3A_106 = arith.constant 16 : i32
    %add3A_107 = arith.addi %min3A_100, %add3A_106 : i32
    %lt3A_108 = arith.constant 0 : i32
    %lt3A_109 = vector.broadcast %lt3A_108 : i32 to vector<16xi32>
    %lt3A_110 = arith.cmpi slt, %broadcast_in_dim3A_98, %lt3A_109 : vector<16xi32>
    %swap3A_111 = arith.index_cast %add3A_107 : i32 to index
    %swap3A_112 = tpu.vector_load %arg6[%swap3A_111] masked %lt3A_110 {strides = array<i32>} : memref<16448xi32, #tpu.memory_space<vmem>>, vector<16xi32>, vector<16xi1>
    tpu.vector_store %arg6[%swap3A_111], %broadcast_in_dim3A_98 masked %lt3A_110 {strides = array<i32>} : memref<16448xi32, #tpu.memory_space<vmem>>, vector<16xi32>, vector<16xi1>
    %add3A_113 = arith.constant 32 : i32
    %add3A_114 = arith.addi %min3A_100, %add3A_113 : i32
    %lt3A_115 = arith.constant 0 : i32
    %lt3A_116 = vector.broadcast %lt3A_115 : i32 to vector<16xi32>
    %lt3A_117 = arith.cmpi slt, %broadcast_in_dim3A_98, %lt3A_116 : vector<16xi32>
    %swap3A_118 = arith.index_cast %add3A_114 : i32 to index
    %swap3A_119 = tpu.vector_load %arg6[%swap3A_118] masked %lt3A_117 {strides = array<i32>} : memref<16448xi32, #tpu.memory_space<vmem>>, vector<16xi32>, vector<16xi1>
    tpu.vector_store %arg6[%swap3A_118], %broadcast_in_dim3A_98 masked %lt3A_117 {strides = array<i32>} : memref<16448xi32, #tpu.memory_space<vmem>>, vector<16xi32>, vector<16xi1>
    %add3A_120 = arith.constant 48 : i32
    %add3A_121 = arith.addi %min3A_100, %add3A_120 : i32
    %lt3A_122 = arith.constant 0 : i32
    %lt3A_123 = vector.broadcast %lt3A_122 : i32 to vector<16xi32>
    %lt3A_124 = arith.cmpi slt, %broadcast_in_dim3A_98, %lt3A_123 : vector<16xi32>
    %swap3A_125 = arith.index_cast %add3A_121 : i32 to index
    %swap3A_126 = tpu.vector_load %arg6[%swap3A_125] masked %lt3A_124 {strides = array<i32>} : memref<16448xi32, #tpu.memory_space<vmem>>, vector<16xi32>, vector<16xi1>
    tpu.vector_store %arg6[%swap3A_125], %broadcast_in_dim3A_98 masked %lt3A_124 {strides = array<i32>} : memref<16448xi32, #tpu.memory_space<vmem>>, vector<16xi32>, vector<16xi1>
    %add3A_127 = arith.constant 63 : i32
    %add3A_128 = arith.addi %min3A_100, %add3A_127 : i32
    %shift_right_arithmetic3A_129 = arith.constant 6 : i32
    %shift_right_arithmetic3A_130 = arith.shrsi %add3A_128, %shift_right_arithmetic3A_129 : i32
    %scan3A_131 = arith.constant 0 : i32
    %scan3A_132 = arith.constant 27 : i32
    %scan3A_133 = arith.addi %scan3A_131, %scan3A_132 : i32
    %scan3A_134 = arith.constant 1 : i32
    %scan3A_135:2 = scf.for %scan3A_846 = %scan3A_131 to %scan3A_133 step %scan3A_134 iter_args(%scan3A_847 = %xor3A, %scan3A_848 = %broadcast_in_dim3A_93) -> (vector<16xi32>, vector<16xi32>)  : i32 {
      %shift_right_arithmetic3A_849 = arith.constant 1 : i32
      %shift_right_arithmetic3A_850 = vector.broadcast %shift_right_arithmetic3A_849 : i32 to vector<16xi32>
      %shift_right_arithmetic3A_851 = arith.shrsi %scan3A_847, %shift_right_arithmetic3A_850 : vector<16xi32>
      %shift_right_arithmetic3A_852 = arith.constant 1 : i32
      %shift_right_arithmetic3A_853 = vector.broadcast %shift_right_arithmetic3A_852 : i32 to vector<16xi32>
      %shift_right_arithmetic3A_854 = arith.shrsi %scan3A_848, %shift_right_arithmetic3A_853 : vector<16xi32>
      %add3A_855 = arith.addi %shift_right_arithmetic3A_851, %shift_right_arithmetic3A_854 : vector<16xi32>
      %and3A_856 = arith.andi %scan3A_847, %scan3A_848 : vector<16xi32>
      %and3A_857 = arith.constant 1 : i32
      %and3A_858 = vector.broadcast %and3A_857 : i32 to vector<16xi32>
      %and3A_859 = arith.andi %and3A_856, %and3A_858 : vector<16xi32>
      %add3A_860 = arith.addi %add3A_855, %and3A_859 : vector<16xi32>
      %while3A_861 = arith.constant 0 : i32
      %while3A_862 = arith.subi %shift_right_arithmetic3A_130, %while3A_861 : i32
      %while3A_863 = arith.addi %while3A_861, %while3A_862 : i32
      %while3A_864 = arith.constant 1 : i32
      %while3A_865 = arith.divsi %while3A_862, %while3A_864 : i32
      %while3A_866 = arith.muli %while3A_865, %while3A_864 : i32
      %while3A_867 = arith.addi %while3A_861, %while3A_866 : i32
      %while3A_868 = arith.constant 1 : i32
      %while3A_869 = scf.for %while3A_884 = %while3A_861 to %while3A_867 step %while3A_868 iter_args(%while3A_885 = %broadcast_in_dim3A_3) -> (vector<16xi32>)  : i32 {
        %mul3A_886 = arith.constant 64 : i32
        %mul3A_887 = arith.muli %while3A_884, %mul3A_886 : i32
        %add3A_888 = arith.constant 0 : i32
        %add3A_889 = arith.addi %mul3A_887, %add3A_888 : i32
        %get3A = arith.index_cast %add3A_889 : i32 to index
        %get3A_890 = tpu.vector_load %arg6[%get3A] {strides = array<i32>} : memref<16448xi32, #tpu.memory_space<vmem>>, vector<16xi32>,
        %gt3A = arith.cmpi sgt, %get3A_890, %add3A_860 : vector<16xi32>
        %convert_element_type3A_891 = arith.extui %gt3A : vector<16xi1> to vector<16xi32>
        %add3A_892 = arith.addi %while3A_885, %convert_element_type3A_891 : vector<16xi32>
        %mul3A_893 = arith.constant 64 : i32
        %mul3A_894 = arith.muli %while3A_884, %mul3A_893 : i32
        %add3A_895 = arith.constant 16 : i32
        %add3A_896 = arith.addi %mul3A_894, %add3A_895 : i32
        %get3A_897 = arith.index_cast %add3A_896 : i32 to index
        %get3A_898 = tpu.vector_load %arg6[%get3A_897] {strides = array<i32>} : memref<16448xi32, #tpu.memory_space<vmem>>, vector<16xi32>,
        %gt3A_899 = arith.cmpi sgt, %get3A_898, %add3A_860 : vector<16xi32>
        %convert_element_type3A_900 = arith.extui %gt3A_899 : vector<16xi1> to vector<16xi32>
        %add3A_901 = arith.addi %add3A_892, %convert_element_type3A_900 : vector<16xi32>
        %mul3A_902 = arith.constant 64 : i32
        %mul3A_903 = arith.muli %while3A_884, %mul3A_902 : i32
        %add3A_904 = arith.constant 32 : i32
        %add3A_905 = arith.addi %mul3A_903, %add3A_904 : i32
        %get3A_906 = arith.index_cast %add3A_905 : i32 to index
        %get3A_907 = tpu.vector_load %arg6[%get3A_906] {strides = array<i32>} : memref<16448xi32, #tpu.memory_space<vmem>>, vector<16xi32>,
        %gt3A_908 = arith.cmpi sgt, %get3A_907, %add3A_860 : vector<16xi32>
        %convert_element_type3A_909 = arith.extui %gt3A_908 : vector<16xi1> to vector<16xi32>
        %add3A_910 = arith.addi %add3A_901, %convert_element_type3A_909 : vector<16xi32>
        %mul3A_911 = arith.constant 64 : i32
        %mul3A_912 = arith.muli %while3A_884, %mul3A_911 : i32
        %add3A_913 = arith.constant 48 : i32
        %add3A_914 = arith.addi %mul3A_912, %add3A_913 : i32
        %get3A_915 = arith.index_cast %add3A_914 : i32 to index
        %get3A_916 = tpu.vector_load %arg6[%get3A_915] {strides = array<i32>} : memref<16448xi32, #tpu.memory_space<vmem>>, vector<16xi32>,
        %gt3A_917 = arith.cmpi sgt, %get3A_916, %add3A_860 : vector<16xi32>
        %convert_element_type3A_918 = arith.extui %gt3A_917 : vector<16xi1> to vector<16xi32>
        %add3A_919 = arith.addi %add3A_910, %convert_element_type3A_918 : vector<16xi32>
        scf.yield %add3A_919 : vector<16xi32>
      }
      %while3A_870 = arith.constant 1 : i32
      %while3A_871 = scf.for %while3A_884 = %while3A_867 to %while3A_863 step %while3A_870 iter_args(%while3A_885 = %while3A_869) -> (vector<16xi32>)  : i32 {
        %mul3A_886 = arith.constant 64 : i32
        %mul3A_887 = arith.muli %while3A_884, %mul3A_886 : i32
        %add3A_888 = arith.constant 0 : i32
        %add3A_889 = arith.addi %mul3A_887, %add3A_888 : i32
        %get3A = arith.index_cast %add3A_889 : i32 to index
        %get3A_890 = tpu.vector_load %arg6[%get3A] {strides = array<i32>} : memref<16448xi32, #tpu.memory_space<vmem>>, vector<16xi32>,
        %gt3A = arith.cmpi sgt, %get3A_890, %add3A_860 : vector<16xi32>
        %convert_element_type3A_891 = arith.extui %gt3A : vector<16xi1> to vector<16xi32>
        %add3A_892 = arith.addi %while3A_885, %convert_element_type3A_891 : vector<16xi32>
        %mul3A_893 = arith.constant 64 : i32
        %mul3A_894 = arith.muli %while3A_884, %mul3A_893 : i32
        %add3A_895 = arith.constant 16 : i32
        %add3A_896 = arith.addi %mul3A_894, %add3A_895 : i32
        %get3A_897 = arith.index_cast %add3A_896 : i32 to index
        %get3A_898 = tpu.vector_load %arg6[%get3A_897] {strides = array<i32>} : memref<16448xi32, #tpu.memory_space<vmem>>, vector<16xi32>,
        %gt3A_899 = arith.cmpi sgt, %get3A_898, %add3A_860 : vector<16xi32>
        %convert_element_type3A_900 = arith.extui %gt3A_899 : vector<16xi1> to vector<16xi32>
        %add3A_901 = arith.addi %add3A_892, %convert_element_type3A_900 : vector<16xi32>
        %mul3A_902 = arith.constant 64 : i32
        %mul3A_903 = arith.muli %while3A_884, %mul3A_902 : i32
        %add3A_904 = arith.constant 32 : i32
        %add3A_905 = arith.addi %mul3A_903, %add3A_904 : i32
        %get3A_906 = arith.index_cast %add3A_905 : i32 to index
        %get3A_907 = tpu.vector_load %arg6[%get3A_906] {strides = array<i32>} : memref<16448xi32, #tpu.memory_space<vmem>>, vector<16xi32>,
        %gt3A_908 = arith.cmpi sgt, %get3A_907, %add3A_860 : vector<16xi32>
        %convert_element_type3A_909 = arith.extui %gt3A_908 : vector<16xi1> to vector<16xi32>
        %add3A_910 = arith.addi %add3A_901, %convert_element_type3A_909 : vector<16xi32>
        %mul3A_911 = arith.constant 64 : i32
        %mul3A_912 = arith.muli %while3A_884, %mul3A_911 : i32
        %add3A_913 = arith.constant 48 : i32
        %add3A_914 = arith.addi %mul3A_912, %add3A_913 : i32
        %get3A_915 = arith.index_cast %add3A_914 : i32 to index
        %get3A_916 = tpu.vector_load %arg6[%get3A_915] {strides = array<i32>} : memref<16448xi32, #tpu.memory_space<vmem>>, vector<16xi32>,
        %gt3A_917 = arith.cmpi sgt, %get3A_916, %add3A_860 : vector<16xi32>
        %convert_element_type3A_918 = arith.extui %gt3A_917 : vector<16xi1> to vector<16xi32>
        %add3A_919 = arith.addi %add3A_910, %convert_element_type3A_918 : vector<16xi32>
        scf.yield %add3A_919 : vector<16xi32>
      }
      %reduce_sum3A_872 = arith.constant true
      %reduce_sum3A_873 = vector.broadcast %reduce_sum3A_872 : i1 to vector<16xi1>
      %reduce_sum3A_874 = tpu.scan <sum>, %while3A_871 masked %reduce_sum3A_873 : vector<16xi32>, vector<16xi1> -> vector<16xi32>
      %reduce_sum3A_875 = vector.extract %reduce_sum3A_874[15] : i32 from vector<16xi32>
      %ge3A_876 = arith.constant 256 : i32
      %ge3A_877 = arith.cmpi sge, %reduce_sum3A_875, %ge3A_876 : i32
      %broadcast_in_dim3A_878 = vector.broadcast %ge3A_877 : i1 to vector<16xi1>
      %add3A_879 = arith.constant 1 : i32
      %add3A_880 = vector.broadcast %add3A_879 : i32 to vector<16xi32>
      %add3A_881 = arith.addi %add3A_860, %add3A_880 : vector<16xi32>
      %select_n3A_882 = arith.select %broadcast_in_dim3A_878, %add3A_881, %scan3A_847 : vector<16xi1>, vector<16xi32>
      %select_n3A_883 = arith.select %broadcast_in_dim3A_878, %scan3A_848, %add3A_860 : vector<16xi1>, vector<16xi32>
      scf.yield %select_n3A_882, %select_n3A_883 : vector<16xi32>, vector<16xi32>
    }
    %scan3A_136 = arith.constant 27 : i32
    %eq3A = arith.cmpi eq, %scan3A_135#0, %scan3A_135#1 : vector<16xi32>
    %reduce_and3A = arith.constant 1.000000e+00 : f32
    %reduce_and3A_137 = arith.constant 0.000000e+00 : f32
    %reduce_and3A_138 = vector.broadcast %reduce_and3A : f32 to vector<16xf32>
    %reduce_and3A_139 = vector.broadcast %reduce_and3A_137 : f32 to vector<16xf32>
    %reduce_and3A_140 = arith.select %eq3A, %reduce_and3A_138, %reduce_and3A_139 : vector<16xi1>, vector<16xf32>
    %reduce_and3A_141 = arith.constant true
    %reduce_and3A_142 = vector.broadcast %reduce_and3A_141 : i1 to vector<16xi1>
    %reduce_and3A_143 = tpu.scan <min>, %reduce_and3A_140 masked %reduce_and3A_142 : vector<16xf32>, vector<16xi1> -> vector<16xf32>
    %reduce_and3A_144 = vector.extract %reduce_and3A_143[15] : f32 from vector<16xf32>
    %reduce_and3A_145 = arith.constant 0.000000e+00 : f32
    %reduce_and3A_146 = arith.cmpf ogt, %reduce_and3A_144, %reduce_and3A_145 : f32
    %and3A_147 = arith.andi %and3A_96, %reduce_and3A_146 : i1
    %while3A = arith.constant 0 : i32
    %while3A_148 = arith.subi %shift_right_arithmetic3A_130, %while3A : i32
    %while3A_149 = arith.addi %while3A, %while3A_148 : i32
    %while3A_150 = arith.constant 1 : i32
    %while3A_151 = arith.divsi %while3A_148, %while3A_150 : i32
    %while3A_152 = arith.muli %while3A_151, %while3A_150 : i32
    %while3A_153 = arith.addi %while3A, %while3A_152 : i32
    %while3A_154 = arith.constant 1 : i32
    %while3A_155:2 = scf.for %while3A_846 = %while3A to %while3A_153 step %while3A_154 iter_args(%while3A_847 = %broadcast_in_dim3A_3, %while3A_848 = %broadcast_in_dim3A_3) -> (vector<16xi32>, vector<16xi32>)  : i32 {
      %mul3A_849 = arith.constant 64 : i32
      %mul3A_850 = arith.muli %while3A_846, %mul3A_849 : i32
      %add3A_851 = arith.constant 0 : i32
      %add3A_852 = arith.addi %mul3A_850, %add3A_851 : i32
      %get3A = arith.index_cast %add3A_852 : i32 to index
      %get3A_853 = tpu.vector_load %arg6[%get3A] {strides = array<i32>} : memref<16448xi32, #tpu.memory_space<vmem>>, vector<16xi32>,
      %gt3A = arith.cmpi sgt, %get3A_853, %scan3A_135#0 : vector<16xi32>
      %convert_element_type3A_854 = arith.extui %gt3A : vector<16xi1> to vector<16xi32>
      %add3A_855 = arith.addi %while3A_847, %convert_element_type3A_854 : vector<16xi32>
      %eq3A_856 = arith.cmpi eq, %get3A_853, %scan3A_135#0 : vector<16xi32>
      %convert_element_type3A_857 = arith.extui %eq3A_856 : vector<16xi1> to vector<16xi32>
      %add3A_858 = arith.addi %while3A_848, %convert_element_type3A_857 : vector<16xi32>
      %mul3A_859 = arith.constant 64 : i32
      %mul3A_860 = arith.muli %while3A_846, %mul3A_859 : i32
      %add3A_861 = arith.constant 16 : i32
      %add3A_862 = arith.addi %mul3A_860, %add3A_861 : i32
      %get3A_863 = arith.index_cast %add3A_862 : i32 to index
      %get3A_864 = tpu.vector_load %arg6[%get3A_863] {strides = array<i32>} : memref<16448xi32, #tpu.memory_space<vmem>>, vector<16xi32>,
      %gt3A_865 = arith.cmpi sgt, %get3A_864, %scan3A_135#0 : vector<16xi32>
      %convert_element_type3A_866 = arith.extui %gt3A_865 : vector<16xi1> to vector<16xi32>
      %add3A_867 = arith.addi %add3A_855, %convert_element_type3A_866 : vector<16xi32>
      %eq3A_868 = arith.cmpi eq, %get3A_864, %scan3A_135#0 : vector<16xi32>
      %convert_element_type3A_869 = arith.extui %eq3A_868 : vector<16xi1> to vector<16xi32>
      %add3A_870 = arith.addi %add3A_858, %convert_element_type3A_869 : vector<16xi32>
      %mul3A_871 = arith.constant 64 : i32
      %mul3A_872 = arith.muli %while3A_846, %mul3A_871 : i32
      %add3A_873 = arith.constant 32 : i32
      %add3A_874 = arith.addi %mul3A_872, %add3A_873 : i32
      %get3A_875 = arith.index_cast %add3A_874 : i32 to index
      %get3A_876 = tpu.vector_load %arg6[%get3A_875] {strides = array<i32>} : memref<16448xi32, #tpu.memory_space<vmem>>, vector<16xi32>,
      %gt3A_877 = arith.cmpi sgt, %get3A_876, %scan3A_135#0 : vector<16xi32>
      %convert_element_type3A_878 = arith.extui %gt3A_877 : vector<16xi1> to vector<16xi32>
      %add3A_879 = arith.addi %add3A_867, %convert_element_type3A_878 : vector<16xi32>
      %eq3A_880 = arith.cmpi eq, %get3A_876, %scan3A_135#0 : vector<16xi32>
      %convert_element_type3A_881 = arith.extui %eq3A_880 : vector<16xi1> to vector<16xi32>
      %add3A_882 = arith.addi %add3A_870, %convert_element_type3A_881 : vector<16xi32>
      %mul3A_883 = arith.constant 64 : i32
      %mul3A_884 = arith.muli %while3A_846, %mul3A_883 : i32
      %add3A_885 = arith.constant 48 : i32
      %add3A_886 = arith.addi %mul3A_884, %add3A_885 : i32
      %get3A_887 = arith.index_cast %add3A_886 : i32 to index
      %get3A_888 = tpu.vector_load %arg6[%get3A_887] {strides = array<i32>} : memref<16448xi32, #tpu.memory_space<vmem>>, vector<16xi32>,
      %gt3A_889 = arith.cmpi sgt, %get3A_888, %scan3A_135#0 : vector<16xi32>
      %convert_element_type3A_890 = arith.extui %gt3A_889 : vector<16xi1> to vector<16xi32>
      %add3A_891 = arith.addi %add3A_879, %convert_element_type3A_890 : vector<16xi32>
      %eq3A_892 = arith.cmpi eq, %get3A_888, %scan3A_135#0 : vector<16xi32>
      %convert_element_type3A_893 = arith.extui %eq3A_892 : vector<16xi1> to vector<16xi32>
      %add3A_894 = arith.addi %add3A_882, %convert_element_type3A_893 : vector<16xi32>
      scf.yield %add3A_891, %add3A_894 : vector<16xi32>, vector<16xi32>
    }
    %while3A_156 = arith.constant 1 : i32
    %while3A_157:2 = scf.for %while3A_846 = %while3A_153 to %while3A_149 step %while3A_156 iter_args(%while3A_847 = %while3A_155#0, %while3A_848 = %while3A_155#1) -> (vector<16xi32>, vector<16xi32>)  : i32 {
      %mul3A_849 = arith.constant 64 : i32
      %mul3A_850 = arith.muli %while3A_846, %mul3A_849 : i32
      %add3A_851 = arith.constant 0 : i32
      %add3A_852 = arith.addi %mul3A_850, %add3A_851 : i32
      %get3A = arith.index_cast %add3A_852 : i32 to index
      %get3A_853 = tpu.vector_load %arg6[%get3A] {strides = array<i32>} : memref<16448xi32, #tpu.memory_space<vmem>>, vector<16xi32>,
      %gt3A = arith.cmpi sgt, %get3A_853, %scan3A_135#0 : vector<16xi32>
      %convert_element_type3A_854 = arith.extui %gt3A : vector<16xi1> to vector<16xi32>
      %add3A_855 = arith.addi %while3A_847, %convert_element_type3A_854 : vector<16xi32>
      %eq3A_856 = arith.cmpi eq, %get3A_853, %scan3A_135#0 : vector<16xi32>
      %convert_element_type3A_857 = arith.extui %eq3A_856 : vector<16xi1> to vector<16xi32>
      %add3A_858 = arith.addi %while3A_848, %convert_element_type3A_857 : vector<16xi32>
      %mul3A_859 = arith.constant 64 : i32
      %mul3A_860 = arith.muli %while3A_846, %mul3A_859 : i32
      %add3A_861 = arith.constant 16 : i32
      %add3A_862 = arith.addi %mul3A_860, %add3A_861 : i32
      %get3A_863 = arith.index_cast %add3A_862 : i32 to index
      %get3A_864 = tpu.vector_load %arg6[%get3A_863] {strides = array<i32>} : memref<16448xi32, #tpu.memory_space<vmem>>, vector<16xi32>,
      %gt3A_865 = arith.cmpi sgt, %get3A_864, %scan3A_135#0 : vector<16xi32>
      %convert_element_type3A_866 = arith.extui %gt3A_865 : vector<16xi1> to vector<16xi32>
      %add3A_867 = arith.addi %add3A_855, %convert_element_type3A_866 : vector<16xi32>
      %eq3A_868 = arith.cmpi eq, %get3A_864, %scan3A_135#0 : vector<16xi32>
      %convert_element_type3A_869 = arith.extui %eq3A_868 : vector<16xi1> to vector<16xi32>
      %add3A_870 = arith.addi %add3A_858, %convert_element_type3A_869 : vector<16xi32>
      %mul3A_871 = arith.constant 64 : i32
      %mul3A_872 = arith.muli %while3A_846, %mul3A_871 : i32
      %add3A_873 = arith.constant 32 : i32
      %add3A_874 = arith.addi %mul3A_872, %add3A_873 : i32
      %get3A_875 = arith.index_cast %add3A_874 : i32 to index
      %get3A_876 = tpu.vector_load %arg6[%get3A_875] {strides = array<i32>} : memref<16448xi32, #tpu.memory_space<vmem>>, vector<16xi32>,
      %gt3A_877 = arith.cmpi sgt, %get3A_876, %scan3A_135#0 : vector<16xi32>
      %convert_element_type3A_878 = arith.extui %gt3A_877 : vector<16xi1> to vector<16xi32>
      %add3A_879 = arith.addi %add3A_867, %convert_element_type3A_878 : vector<16xi32>
      %eq3A_880 = arith.cmpi eq, %get3A_876, %scan3A_135#0 : vector<16xi32>
      %convert_element_type3A_881 = arith.extui %eq3A_880 : vector<16xi1> to vector<16xi32>
      %add3A_882 = arith.addi %add3A_870, %convert_element_type3A_881 : vector<16xi32>
      %mul3A_883 = arith.constant 64 : i32
      %mul3A_884 = arith.muli %while3A_846, %mul3A_883 : i32
      %add3A_885 = arith.constant 48 : i32
      %add3A_886 = arith.addi %mul3A_884, %add3A_885 : i32
      %get3A_887 = arith.index_cast %add3A_886 : i32 to index
      %get3A_888 = tpu.vector_load %arg6[%get3A_887] {strides = array<i32>} : memref<16448xi32, #tpu.memory_space<vmem>>, vector<16xi32>,
      %gt3A_889 = arith.cmpi sgt, %get3A_888, %scan3A_135#0 : vector<16xi32>
      %convert_element_type3A_890 = arith.extui %gt3A_889 : vector<16xi1> to vector<16xi32>
      %add3A_891 = arith.addi %add3A_879, %convert_element_type3A_890 : vector<16xi32>
      %eq3A_892 = arith.cmpi eq, %get3A_888, %scan3A_135#0 : vector<16xi32>
      %convert_element_type3A_893 = arith.extui %eq3A_892 : vector<16xi1> to vector<16xi32>
      %add3A_894 = arith.addi %add3A_882, %convert_element_type3A_893 : vector<16xi32>
      scf.yield %add3A_891, %add3A_894 : vector<16xi32>, vector<16xi32>
    }
    %reduce_sum3A_158 = arith.constant true
    %reduce_sum3A_159 = vector.broadcast %reduce_sum3A_158 : i1 to vector<16xi1>
    %reduce_sum3A_160 = tpu.scan <sum>, %while3A_157#0 masked %reduce_sum3A_159 : vector<16xi32>, vector<16xi1> -> vector<16xi32>
    %reduce_sum3A_161 = vector.extract %reduce_sum3A_160[15] : i32 from vector<16xi32>
    %reduce_sum3A_162 = arith.constant true
    %reduce_sum3A_163 = vector.broadcast %reduce_sum3A_162 : i1 to vector<16xi1>
    %reduce_sum3A_164 = tpu.scan <sum>, %while3A_157#1 masked %reduce_sum3A_163 : vector<16xi32>, vector<16xi1> -> vector<16xi32>
    %reduce_sum3A_165 = vector.extract %reduce_sum3A_164[15] : i32 from vector<16xi32>
    %sub3A_166 = arith.constant 256 : i32
    %sub3A_167 = arith.subi %sub3A_166, %reduce_sum3A_161 : i32
    %lt3A_168 = arith.constant 0 : i32
    %lt3A_169 = vector.broadcast %lt3A_168 : i32 to vector<16xi32>
    %lt3A_170 = arith.cmpi slt, %scan3A_135#0, %lt3A_169 : vector<16xi32>
    %xor3A_171 = arith.constant 2147483647 : i32
    %xor3A_172 = vector.broadcast %xor3A_171 : i32 to vector<16xi32>
    %xor3A_173 = arith.xori %scan3A_135#0, %xor3A_172 : vector<16xi32>
    %select_n3A = arith.select %lt3A_170, %xor3A_173, %scan3A_135#0 : vector<16xi1>, vector<16xi32>
    %bitcast_convert_type3A_174 = tpu.bitcast %select_n3A : vector<16xi32> -> vector<16xf32>
    %eq3A_175 = arith.constant 0 : i32
    %eq3A_176 = vector.broadcast %eq3A_175 : i32 to vector<16xi32>
    %eq3A_177 = arith.cmpi eq, %iota3A, %eq3A_176 : vector<16xi32>
    %jit3A = arith.constant 0.000000e+00 : f32
    %broadcast_in_dim3A_178 = vector.broadcast %jit3A : f32 to vector<16xf32>
    %select_n3A_179 = arith.select %eq3A_177, %bitcast_convert_type3A_174, %broadcast_in_dim3A_178 : vector<16xi1>, vector<16xf32>
    %eq3A_180 = arith.constant 1 : i32
    %eq3A_181 = vector.broadcast %eq3A_180 : i32 to vector<16xi32>
    %eq3A_182 = arith.cmpi eq, %iota3A, %eq3A_181 : vector<16xi32>
    %convert_element_type3A = arith.sitofp %sub3A_167 : i32 to f32
    %broadcast_in_dim3A_183 = vector.broadcast %convert_element_type3A : f32 to vector<16xf32>
    %select_n3A_184 = arith.select %eq3A_182, %broadcast_in_dim3A_183, %select_n3A_179 : vector<16xi1>, vector<16xf32>
    %eq3A_185 = arith.constant 2 : i32
    %eq3A_186 = vector.broadcast %eq3A_185 : i32 to vector<16xi32>
    %eq3A_187 = arith.cmpi eq, %iota3A, %eq3A_186 : vector<16xi32>
    %jit3A_188 = arith.constant 1.000000e+00 : f32
    %jit3A_189 = arith.constant 0.000000e+00 : f32
    %select_n3A_190 = arith.select %and3A_147, %jit3A_188, %jit3A_189 : f32
    %broadcast_in_dim3A_191 = vector.broadcast %select_n3A_190 : f32 to vector<16xf32>
    %select_n3A_192 = arith.select %eq3A_187, %broadcast_in_dim3A_191, %select_n3A_184 : vector<16xi1>, vector<16xf32>
    %eq3A_193 = arith.constant 3 : i32
    %eq3A_194 = vector.broadcast %eq3A_193 : i32 to vector<16xi32>
    %eq3A_195 = arith.cmpi eq, %iota3A, %eq3A_194 : vector<16xi32>
    %convert_element_type3A_196 = arith.sitofp %reduce_sum3A_165 : i32 to f32
    %broadcast_in_dim3A_197 = vector.broadcast %convert_element_type3A_196 : f32 to vector<16xf32>
    %select_n3A_198 = arith.select %eq3A_195, %broadcast_in_dim3A_197, %select_n3A_192 : vector<16xi1>, vector<16xf32>
    %swap3A_199 = arith.constant 0 : i32
    %swap3A_200 = arith.index_cast %swap3A_199 : i32 to index
    %swap3A_201 = arith.constant 0 : index
    %swap3A_202 = tpu.vector_load %arg7[%swap3A_200, %swap3A_201] {strides = array<i32>} : memref<4x16xf32, #tpu.memory_space<vmem>>, vector<16xf32>,
    tpu.vector_store %arg7[%swap3A_200, %swap3A_201], %select_n3A_198 {strides = array<i32>} : memref<4x16xf32, #tpu.memory_space<vmem>>, vector<16xf32>,
    %dma_wait3A_203 = arith.constant 0 : i32
    %dma_wait3A_204 = tpu.memref_slice %arg2[%add3A_17, %dma_wait3A_203] : memref<128x32768xf32, #tpu.memory_space<hbm>> -> memref<1x32768xf32, #tpu.memory_space<hbm>>
    %dma_wait3A_205 = tpu.memref_squeeze %dma_wait3A_204 : memref<1x32768xf32, #tpu.memory_space<hbm>> -> memref<32768xf32, #tpu.memory_space<hbm>>
    %dma_wait3A_206 = arith.constant 0 : i32
    %dma_wait3A_207 = tpu.memref_slice %arg2[%add3A_17, %dma_wait3A_206] : memref<128x32768xf32, #tpu.memory_space<hbm>> -> memref<1x32768xf32, #tpu.memory_space<hbm>>
    %dma_wait3A_208 = tpu.memref_squeeze %dma_wait3A_207 : memref<1x32768xf32, #tpu.memory_space<hbm>> -> memref<32768xf32, #tpu.memory_space<hbm>>
    tpu.wait_dma2 semaphore(%arg9 : memref<!tpu.dma_semaphore, #tpu.memory_space<semaphore_mem>>) src(%dma_wait3A_208 : memref<32768xf32, #tpu.memory_space<hbm>>) dst(%arg5 : memref<32768xf32, #tpu.memory_space<vmem>>)
    %add3A_209 = arith.constant 1 : i32
    %add3A_210 = arith.addi %mul3A_2, %add3A_209 : i32
    %add3A_211 = arith.constant 1 : i32
    %add3A_212 = arith.addi %add3A_210, %add3A_211 : i32
    %dma_start3A_213 = arith.constant 0 : i32
    %dma_start3A_214 = tpu.memref_slice %arg2[%add3A_212, %dma_start3A_213] : memref<128x32768xf32, #tpu.memory_space<hbm>> -> memref<1x32768xf32, #tpu.memory_space<hbm>>
    %dma_start3A_215 = tpu.memref_squeeze %dma_start3A_214 : memref<1x32768xf32, #tpu.memory_space<hbm>> -> memref<32768xf32, #tpu.memory_space<hbm>>
    %dma_start3A_216 = arith.constant 0 : i32
    %dma_start3A_217 = tpu.memref_slice %arg2[%add3A_212, %dma_start3A_216] : memref<128x32768xf32, #tpu.memory_space<hbm>> -> memref<1x32768xf32, #tpu.memory_space<hbm>>
    %dma_start3A_218 = tpu.memref_squeeze %dma_start3A_217 : memref<1x32768xf32, #tpu.memory_space<hbm>> -> memref<32768xf32, #tpu.memory_space<hbm>>
    tpu.enqueue_dma source(%dma_start3A_218 : memref<32768xf32, #tpu.memory_space<hbm>>) target(%arg4 : memref<32768xf32, #tpu.memory_space<vmem>>) target_semaphore(%arg8 : memref<!tpu.dma_semaphore, #tpu.memory_space<semaphore_mem>>)
    %broadcast_in_dim3A_219 = arith.constant 0.000000e+00 : f32
    %broadcast_in_dim3A_220 = vector.broadcast %broadcast_in_dim3A_219 : f32 to vector<16xf32>
    %broadcast_in_dim3A_221 = arith.constant 0.000000e+00 : f32
    %broadcast_in_dim3A_222 = vector.broadcast %broadcast_in_dim3A_221 : f32 to vector<16xf32>
    %scan3A_223 = arith.constant 0 : i32
    %scan3A_224 = arith.constant 64 : i32
    %scan3A_225 = arith.addi %scan3A_223, %scan3A_224 : i32
    %scan3A_226 = arith.constant 1 : i32
    %scan3A_227:2 = scf.for %scan3A_846 = %scan3A_223 to %scan3A_225 step %scan3A_226 iter_args(%scan3A_847 = %broadcast_in_dim3A_220, %scan3A_848 = %broadcast_in_dim3A_222) -> (vector<16xf32>, vector<16xf32>)  : i32 {
      %mul3A_849 = arith.constant 512 : i32
      %mul3A_850 = arith.muli %scan3A_846, %mul3A_849 : i32
      %get3A = arith.index_cast %mul3A_850 : i32 to index
      %get3A_851 = tpu.vector_load %arg5[%get3A] {strides = array<i32>} : memref<32768xf32, #tpu.memory_space<vmem>>, vector<16xf32>,
      %add3A_852 = arith.addf %scan3A_847, %get3A_851 : vector<16xf32>
      %mul3A_853 = arith.mulf %get3A_851, %get3A_851 : vector<16xf32>
      %add3A_854 = arith.addf %scan3A_848, %mul3A_853 : vector<16xf32>
      scf.yield %add3A_852, %add3A_854 : vector<16xf32>, vector<16xf32>
    }
    %scan3A_228 = arith.constant 64 : i32
    %reduce_sum3A_229 = arith.constant true
    %reduce_sum3A_230 = vector.broadcast %reduce_sum3A_229 : i1 to vector<16xi1>
    %reduce_sum3A_231 = tpu.scan <sum>, %scan3A_227#0 masked %reduce_sum3A_230 : vector<16xf32>, vector<16xi1> -> vector<16xf32>
    %reduce_sum3A_232 = vector.extract %reduce_sum3A_231[15] : f32 from vector<16xf32>
    %mul3A_233 = arith.constant 9.765625E-4 : f32
    %mul3A_234 = arith.mulf %reduce_sum3A_232, %mul3A_233 : f32
    %reduce_sum3A_235 = arith.constant true
    %reduce_sum3A_236 = vector.broadcast %reduce_sum3A_235 : i1 to vector<16xi1>
    %reduce_sum3A_237 = tpu.scan <sum>, %scan3A_227#1 masked %reduce_sum3A_236 : vector<16xf32>, vector<16xi1> -> vector<16xf32>
    %reduce_sum3A_238 = vector.extract %reduce_sum3A_237[15] : f32 from vector<16xf32>
    %mul3A_239 = arith.constant 9.765625E-4 : f32
    %mul3A_240 = arith.mulf %reduce_sum3A_238, %mul3A_239 : f32
    %mul3A_241 = arith.mulf %mul3A_234, %mul3A_234 : f32
    %sub3A_242 = arith.subf %mul3A_240, %mul3A_241 : f32
    %max3A_243 = arith.constant 9.99999996E-13 : f32
    %max3A_244 = arith.maximumf %sub3A_242, %max3A_243 : f32
    %min3A_245 = arith.constant 2.000000e+00 : f32
    %min3A_246 = arith.minimumf %max3A_244, %min3A_245 : f32
    %broadcast_in_dim3A_247 = vector.broadcast %min3A_246 : f32 to vector<16xf32>
    %broadcast_in_dim3A_248 = arith.constant 1.000000e+00 : f32
    %broadcast_in_dim3A_249 = vector.broadcast %broadcast_in_dim3A_248 : f32 to vector<16xf32>
    %scan3A_250 = arith.constant 0 : i32
    %scan3A_251 = arith.constant 12 : i32
    %scan3A_252 = arith.addi %scan3A_250, %scan3A_251 : i32
    %scan3A_253 = arith.constant 1 : i32
    %scan3A_254 = scf.for %scan3A_846 = %scan3A_250 to %scan3A_252 step %scan3A_253 iter_args(%scan3A_847 = %broadcast_in_dim3A_249) -> (vector<16xf32>)  : i32 {
      %mul3A_848 = arith.constant 5.000000e-01 : f32
      %mul3A_849 = vector.broadcast %mul3A_848 : f32 to vector<16xf32>
      %mul3A_850 = arith.mulf %mul3A_849, %broadcast_in_dim3A_247 : vector<16xf32>
      %mul3A_851 = arith.mulf %mul3A_850, %scan3A_847 : vector<16xf32>
      %mul3A_852 = arith.mulf %mul3A_851, %scan3A_847 : vector<16xf32>
      %sub3A_853 = arith.constant 1.500000e+00 : f32
      %sub3A_854 = vector.broadcast %sub3A_853 : f32 to vector<16xf32>
      %sub3A_855 = arith.subf %sub3A_854, %mul3A_852 : vector<16xf32>
      %mul3A_856 = arith.mulf %scan3A_847, %sub3A_855 : vector<16xf32>
      scf.yield %mul3A_856 : vector<16xf32>
    }
    %scan3A_255 = arith.constant 12 : i32
    %mul3A_256 = arith.mulf %broadcast_in_dim3A_247, %scan3A_254 : vector<16xf32>
    %broadcast_in_dim3A_257 = vector.broadcast %mul3A_234 : f32 to vector<16xf32>
    %mul3A_258 = arith.constant 2.000000e+00 : f32
    %mul3A_259 = vector.broadcast %mul3A_258 : f32 to vector<16xf32>
    %mul3A_260 = arith.mulf %mul3A_259, %mul3A_256 : vector<16xf32>
    %add3A_261 = arith.addf %broadcast_in_dim3A_257, %mul3A_260 : vector<16xf32>
    %bitcast_convert_type3A_262 = tpu.bitcast %add3A_261 : vector<16xf32> -> vector<16xi32>
    %shift_right_arithmetic3A_263 = arith.constant 31 : i32
    %shift_right_arithmetic3A_264 = vector.broadcast %shift_right_arithmetic3A_263 : i32 to vector<16xi32>
    %shift_right_arithmetic3A_265 = arith.shrsi %bitcast_convert_type3A_262, %shift_right_arithmetic3A_264 : vector<16xi32>
    %and3A_266 = arith.constant 2147483647 : i32
    %and3A_267 = vector.broadcast %and3A_266 : i32 to vector<16xi32>
    %and3A_268 = arith.andi %shift_right_arithmetic3A_265, %and3A_267 : vector<16xi32>
    %xor3A_269 = arith.xori %bitcast_convert_type3A_262, %and3A_268 : vector<16xi32>
    %broadcast_in_dim3A_270 = arith.constant 4096 : i32
    %broadcast_in_dim3A_271 = vector.broadcast %broadcast_in_dim3A_270 : i32 to vector<16xi32>
    %broadcast_in_dim3A_272 = arith.constant 0 : i32
    %broadcast_in_dim3A_273 = vector.broadcast %broadcast_in_dim3A_272 : i32 to vector<16xi32>
    %broadcast_in_dim3A_274 = arith.constant -2147483648 : i32
    %broadcast_in_dim3A_275 = vector.broadcast %broadcast_in_dim3A_274 : i32 to vector<16xi32>
    %scan3A_276 = arith.constant 0 : i32
    %scan3A_277 = arith.constant 512 : i32
    %scan3A_278 = arith.addi %scan3A_276, %scan3A_277 : i32
    %scan3A_279 = arith.constant 1 : i32
    %scan3A_280:2 = scf.for %scan3A_846 = %scan3A_276 to %scan3A_278 step %scan3A_279 iter_args(%scan3A_847 = %broadcast_in_dim3A_273, %scan3A_848 = %broadcast_in_dim3A_275) -> (vector<16xi32>, vector<16xi32>)  : i32 {
      %mul3A_849 = arith.constant 4 : i32
      %mul3A_850 = arith.muli %scan3A_846, %mul3A_849 : i32
      %add3A_851 = arith.constant 0 : i32
      %add3A_852 = arith.addi %mul3A_850, %add3A_851 : i32
      %mul3A_853 = arith.constant 16 : i32
      %mul3A_854 = arith.muli %add3A_852, %mul3A_853 : i32
      %get3A = arith.index_cast %mul3A_854 : i32 to index
      %get3A_855 = tpu.vector_load %arg5[%get3A] {strides = array<i32>} : memref<32768xf32, #tpu.memory_space<vmem>>, vector<16xf32>,
      %bitcast_convert_type3A_856 = tpu.bitcast %get3A_855 : vector<16xf32> -> vector<16xi32>
      %shift_right_arithmetic3A_857 = arith.constant 31 : i32
      %shift_right_arithmetic3A_858 = vector.broadcast %shift_right_arithmetic3A_857 : i32 to vector<16xi32>
      %shift_right_arithmetic3A_859 = arith.shrsi %bitcast_convert_type3A_856, %shift_right_arithmetic3A_858 : vector<16xi32>
      %and3A_860 = arith.constant 2147483647 : i32
      %and3A_861 = vector.broadcast %and3A_860 : i32 to vector<16xi32>
      %and3A_862 = arith.andi %shift_right_arithmetic3A_859, %and3A_861 : vector<16xi32>
      %xor3A_863 = arith.xori %bitcast_convert_type3A_856, %and3A_862 : vector<16xi32>
      %max3A_864 = arith.maxsi %scan3A_848, %xor3A_863 : vector<16xi32>
      %gt3A = arith.cmpf ogt, %get3A_855, %add3A_261 : vector<16xf32>
      %convert_element_type3A_865 = arith.extui %gt3A : vector<16xi1> to vector<16xi32>
      %broadcast_in_dim3A_866 = arith.constant true
      %broadcast_in_dim3A_867 = vector.broadcast %broadcast_in_dim3A_866 : i1 to vector<16xi1>
      %masked_cumsum3A = tpu.scan <sum>, %convert_element_type3A_865 masked %broadcast_in_dim3A_867 : vector<16xi32>, vector<16xi1> -> vector<16xi32>
      %sub3A_868 = arith.constant 1 : i32
      %sub3A_869 = vector.broadcast %sub3A_868 : i32 to vector<16xi32>
      %sub3A_870 = arith.subi %masked_cumsum3A, %sub3A_869 : vector<16xi32>
      %add3A_871 = arith.addi %scan3A_847, %sub3A_870 : vector<16xi32>
      %min3A_872 = arith.minsi %add3A_871, %broadcast_in_dim3A_271 : vector<16xi32>
      tpu.vector_store_idx %arg6[%min3A_872], %xor3A_863 masked %gt3A : memref<16448xi32, #tpu.memory_space<vmem>>[vector<16xi32>], vector<16xi32>, vector<16xi1>
      %all_reduce_population_count3A = tpu.all_reduce %gt3A {dim = 0 : i64, kind = #tpu.reduction_kind<sum>} : vector<16xi1> -> vector<16xi32>
      %add3A_873 = arith.addi %scan3A_847, %all_reduce_population_count3A : vector<16xi32>
      %mul3A_874 = arith.constant 4 : i32
      %mul3A_875 = arith.muli %scan3A_846, %mul3A_874 : i32
      %add3A_876 = arith.constant 1 : i32
      %add3A_877 = arith.addi %mul3A_875, %add3A_876 : i32
      %mul3A_878 = arith.constant 16 : i32
      %mul3A_879 = arith.muli %add3A_877, %mul3A_878 : i32
      %get3A_880 = arith.index_cast %mul3A_879 : i32 to index
      %get3A_881 = tpu.vector_load %arg5[%get3A_880] {strides = array<i32>} : memref<32768xf32, #tpu.memory_space<vmem>>, vector<16xf32>,
      %bitcast_convert_type3A_882 = tpu.bitcast %get3A_881 : vector<16xf32> -> vector<16xi32>
      %shift_right_arithmetic3A_883 = arith.constant 31 : i32
      %shift_right_arithmetic3A_884 = vector.broadcast %shift_right_arithmetic3A_883 : i32 to vector<16xi32>
      %shift_right_arithmetic3A_885 = arith.shrsi %bitcast_convert_type3A_882, %shift_right_arithmetic3A_884 : vector<16xi32>
      %and3A_886 = arith.constant 2147483647 : i32
      %and3A_887 = vector.broadcast %and3A_886 : i32 to vector<16xi32>
      %and3A_888 = arith.andi %shift_right_arithmetic3A_885, %and3A_887 : vector<16xi32>
      %xor3A_889 = arith.xori %bitcast_convert_type3A_882, %and3A_888 : vector<16xi32>
      %max3A_890 = arith.maxsi %max3A_864, %xor3A_889 : vector<16xi32>
      %gt3A_891 = arith.cmpf ogt, %get3A_881, %add3A_261 : vector<16xf32>
      %convert_element_type3A_892 = arith.extui %gt3A_891 : vector<16xi1> to vector<16xi32>
      %broadcast_in_dim3A_893 = arith.constant true
      %broadcast_in_dim3A_894 = vector.broadcast %broadcast_in_dim3A_893 : i1 to vector<16xi1>
      %masked_cumsum3A_895 = tpu.scan <sum>, %convert_element_type3A_892 masked %broadcast_in_dim3A_894 : vector<16xi32>, vector<16xi1> -> vector<16xi32>
      %sub3A_896 = arith.constant 1 : i32
      %sub3A_897 = vector.broadcast %sub3A_896 : i32 to vector<16xi32>
      %sub3A_898 = arith.subi %masked_cumsum3A_895, %sub3A_897 : vector<16xi32>
      %add3A_899 = arith.addi %add3A_873, %sub3A_898 : vector<16xi32>
      %min3A_900 = arith.minsi %add3A_899, %broadcast_in_dim3A_271 : vector<16xi32>
      tpu.vector_store_idx %arg6[%min3A_900], %xor3A_889 masked %gt3A_891 : memref<16448xi32, #tpu.memory_space<vmem>>[vector<16xi32>], vector<16xi32>, vector<16xi1>
      %all_reduce_population_count3A_901 = tpu.all_reduce %gt3A_891 {dim = 0 : i64, kind = #tpu.reduction_kind<sum>} : vector<16xi1> -> vector<16xi32>
      %add3A_902 = arith.addi %add3A_873, %all_reduce_population_count3A_901 : vector<16xi32>
      %mul3A_903 = arith.constant 4 : i32
      %mul3A_904 = arith.muli %scan3A_846, %mul3A_903 : i32
      %add3A_905 = arith.constant 2 : i32
      %add3A_906 = arith.addi %mul3A_904, %add3A_905 : i32
      %mul3A_907 = arith.constant 16 : i32
      %mul3A_908 = arith.muli %add3A_906, %mul3A_907 : i32
      %get3A_909 = arith.index_cast %mul3A_908 : i32 to index
      %get3A_910 = tpu.vector_load %arg5[%get3A_909] {strides = array<i32>} : memref<32768xf32, #tpu.memory_space<vmem>>, vector<16xf32>,
      %bitcast_convert_type3A_911 = tpu.bitcast %get3A_910 : vector<16xf32> -> vector<16xi32>
      %shift_right_arithmetic3A_912 = arith.constant 31 : i32
      %shift_right_arithmetic3A_913 = vector.broadcast %shift_right_arithmetic3A_912 : i32 to vector<16xi32>
      %shift_right_arithmetic3A_914 = arith.shrsi %bitcast_convert_type3A_911, %shift_right_arithmetic3A_913 : vector<16xi32>
      %and3A_915 = arith.constant 2147483647 : i32
      %and3A_916 = vector.broadcast %and3A_915 : i32 to vector<16xi32>
      %and3A_917 = arith.andi %shift_right_arithmetic3A_914, %and3A_916 : vector<16xi32>
      %xor3A_918 = arith.xori %bitcast_convert_type3A_911, %and3A_917 : vector<16xi32>
      %max3A_919 = arith.maxsi %max3A_890, %xor3A_918 : vector<16xi32>
      %gt3A_920 = arith.cmpf ogt, %get3A_910, %add3A_261 : vector<16xf32>
      %convert_element_type3A_921 = arith.extui %gt3A_920 : vector<16xi1> to vector<16xi32>
      %broadcast_in_dim3A_922 = arith.constant true
      %broadcast_in_dim3A_923 = vector.broadcast %broadcast_in_dim3A_922 : i1 to vector<16xi1>
      %masked_cumsum3A_924 = tpu.scan <sum>, %convert_element_type3A_921 masked %broadcast_in_dim3A_923 : vector<16xi32>, vector<16xi1> -> vector<16xi32>
      %sub3A_925 = arith.constant 1 : i32
      %sub3A_926 = vector.broadcast %sub3A_925 : i32 to vector<16xi32>
      %sub3A_927 = arith.subi %masked_cumsum3A_924, %sub3A_926 : vector<16xi32>
      %add3A_928 = arith.addi %add3A_902, %sub3A_927 : vector<16xi32>
      %min3A_929 = arith.minsi %add3A_928, %broadcast_in_dim3A_271 : vector<16xi32>
      tpu.vector_store_idx %arg6[%min3A_929], %xor3A_918 masked %gt3A_920 : memref<16448xi32, #tpu.memory_space<vmem>>[vector<16xi32>], vector<16xi32>, vector<16xi1>
      %all_reduce_population_count3A_930 = tpu.all_reduce %gt3A_920 {dim = 0 : i64, kind = #tpu.reduction_kind<sum>} : vector<16xi1> -> vector<16xi32>
      %add3A_931 = arith.addi %add3A_902, %all_reduce_population_count3A_930 : vector<16xi32>
      %mul3A_932 = arith.constant 4 : i32
      %mul3A_933 = arith.muli %scan3A_846, %mul3A_932 : i32
      %add3A_934 = arith.constant 3 : i32
      %add3A_935 = arith.addi %mul3A_933, %add3A_934 : i32
      %mul3A_936 = arith.constant 16 : i32
      %mul3A_937 = arith.muli %add3A_935, %mul3A_936 : i32
      %get3A_938 = arith.index_cast %mul3A_937 : i32 to index
      %get3A_939 = tpu.vector_load %arg5[%get3A_938] {strides = array<i32>} : memref<32768xf32, #tpu.memory_space<vmem>>, vector<16xf32>,
      %bitcast_convert_type3A_940 = tpu.bitcast %get3A_939 : vector<16xf32> -> vector<16xi32>
      %shift_right_arithmetic3A_941 = arith.constant 31 : i32
      %shift_right_arithmetic3A_942 = vector.broadcast %shift_right_arithmetic3A_941 : i32 to vector<16xi32>
      %shift_right_arithmetic3A_943 = arith.shrsi %bitcast_convert_type3A_940, %shift_right_arithmetic3A_942 : vector<16xi32>
      %and3A_944 = arith.constant 2147483647 : i32
      %and3A_945 = vector.broadcast %and3A_944 : i32 to vector<16xi32>
      %and3A_946 = arith.andi %shift_right_arithmetic3A_943, %and3A_945 : vector<16xi32>
      %xor3A_947 = arith.xori %bitcast_convert_type3A_940, %and3A_946 : vector<16xi32>
      %max3A_948 = arith.maxsi %max3A_919, %xor3A_947 : vector<16xi32>
      %gt3A_949 = arith.cmpf ogt, %get3A_939, %add3A_261 : vector<16xf32>
      %convert_element_type3A_950 = arith.extui %gt3A_949 : vector<16xi1> to vector<16xi32>
      %broadcast_in_dim3A_951 = arith.constant true
      %broadcast_in_dim3A_952 = vector.broadcast %broadcast_in_dim3A_951 : i1 to vector<16xi1>
      %masked_cumsum3A_953 = tpu.scan <sum>, %convert_element_type3A_950 masked %broadcast_in_dim3A_952 : vector<16xi32>, vector<16xi1> -> vector<16xi32>
      %sub3A_954 = arith.constant 1 : i32
      %sub3A_955 = vector.broadcast %sub3A_954 : i32 to vector<16xi32>
      %sub3A_956 = arith.subi %masked_cumsum3A_953, %sub3A_955 : vector<16xi32>
      %add3A_957 = arith.addi %add3A_931, %sub3A_956 : vector<16xi32>
      %min3A_958 = arith.minsi %add3A_957, %broadcast_in_dim3A_271 : vector<16xi32>
      tpu.vector_store_idx %arg6[%min3A_958], %xor3A_947 masked %gt3A_949 : memref<16448xi32, #tpu.memory_space<vmem>>[vector<16xi32>], vector<16xi32>, vector<16xi1>
      %all_reduce_population_count3A_959 = tpu.all_reduce %gt3A_949 {dim = 0 : i64, kind = #tpu.reduction_kind<sum>} : vector<16xi1> -> vector<16xi32>
      %add3A_960 = arith.addi %add3A_931, %all_reduce_population_count3A_959 : vector<16xi32>
      scf.yield %add3A_960, %max3A_948 : vector<16xi32>, vector<16xi32>
    }
    %scan3A_281 = arith.constant 512 : i32
    %reduce_max3A_282 = arith.constant true
    %reduce_max3A_283 = vector.broadcast %reduce_max3A_282 : i1 to vector<16xi1>
    %reduce_max3A_284 = arith.constant -2147483648 : i32
    %reduce_max3A_285 = vector.broadcast %reduce_max3A_284 : i32 to vector<16xi32>
    %reduce_max3A_286 = arith.xori %scan3A_280#0, %reduce_max3A_285 : vector<16xi32>
    %reduce_max3A_287 = tpu.scan <max>, %reduce_max3A_286 masked %reduce_max3A_283 : vector<16xi32>, vector<16xi1> -> vector<16xi32>
    %reduce_max3A_288 = arith.xori %reduce_max3A_287, %reduce_max3A_285 : vector<16xi32>
    %reduce_max3A_289 = vector.extract %reduce_max3A_288[15] : i32 from vector<16xi32>
    %reduce_max3A_290 = arith.constant true
    %reduce_max3A_291 = vector.broadcast %reduce_max3A_290 : i1 to vector<16xi1>
    %reduce_max3A_292 = arith.constant -2147483648 : i32
    %reduce_max3A_293 = vector.broadcast %reduce_max3A_292 : i32 to vector<16xi32>
    %reduce_max3A_294 = arith.xori %scan3A_280#1, %reduce_max3A_293 : vector<16xi32>
    %reduce_max3A_295 = tpu.scan <max>, %reduce_max3A_294 masked %reduce_max3A_291 : vector<16xi32>, vector<16xi1> -> vector<16xi32>
    %reduce_max3A_296 = arith.xori %reduce_max3A_295, %reduce_max3A_293 : vector<16xi32>
    %reduce_max3A_297 = vector.extract %reduce_max3A_296[15] : i32 from vector<16xi32>
    %broadcast_in_dim3A_298 = vector.broadcast %reduce_max3A_297 : i32 to vector<16xi32>
    %ge3A_299 = arith.constant 256 : i32
    %ge3A_300 = arith.cmpi sge, %reduce_max3A_289, %ge3A_299 : i32
    %le3A_301 = arith.constant 4096 : i32
    %le3A_302 = arith.cmpi sle, %reduce_max3A_289, %le3A_301 : i32
    %and3A_303 = arith.andi %ge3A_300, %le3A_302 : i1
    %broadcast_in_dim3A_304 = arith.constant -2147483648 : i32
    %broadcast_in_dim3A_305 = vector.broadcast %broadcast_in_dim3A_304 : i32 to vector<16xi32>
    %min3A_306 = arith.constant 4096 : i32
    %min3A_307 = arith.minsi %reduce_max3A_289, %min3A_306 : i32
    %add3A_308 = arith.constant 0 : i32
    %add3A_309 = arith.addi %min3A_307, %add3A_308 : i32
    %lt3A_310 = arith.constant 0 : i32
    %lt3A_311 = vector.broadcast %lt3A_310 : i32 to vector<16xi32>
    %lt3A_312 = arith.cmpi slt, %broadcast_in_dim3A_305, %lt3A_311 : vector<16xi32>
    %swap3A_313 = arith.index_cast %add3A_309 : i32 to index
    %swap3A_314 = tpu.vector_load %arg6[%swap3A_313] masked %lt3A_312 {strides = array<i32>} : memref<16448xi32, #tpu.memory_space<vmem>>, vector<16xi32>, vector<16xi1>
    tpu.vector_store %arg6[%swap3A_313], %broadcast_in_dim3A_305 masked %lt3A_312 {strides = array<i32>} : memref<16448xi32, #tpu.memory_space<vmem>>, vector<16xi32>, vector<16xi1>
    %add3A_315 = arith.constant 16 : i32
    %add3A_316 = arith.addi %min3A_307, %add3A_315 : i32
    %lt3A_317 = arith.constant 0 : i32
    %lt3A_318 = vector.broadcast %lt3A_317 : i32 to vector<16xi32>
    %lt3A_319 = arith.cmpi slt, %broadcast_in_dim3A_305, %lt3A_318 : vector<16xi32>
    %swap3A_320 = arith.index_cast %add3A_316 : i32 to index
    %swap3A_321 = tpu.vector_load %arg6[%swap3A_320] masked %lt3A_319 {strides = array<i32>} : memref<16448xi32, #tpu.memory_space<vmem>>, vector<16xi32>, vector<16xi1>
    tpu.vector_store %arg6[%swap3A_320], %broadcast_in_dim3A_305 masked %lt3A_319 {strides = array<i32>} : memref<16448xi32, #tpu.memory_space<vmem>>, vector<16xi32>, vector<16xi1>
    %add3A_322 = arith.constant 32 : i32
    %add3A_323 = arith.addi %min3A_307, %add3A_322 : i32
    %lt3A_324 = arith.constant 0 : i32
    %lt3A_325 = vector.broadcast %lt3A_324 : i32 to vector<16xi32>
    %lt3A_326 = arith.cmpi slt, %broadcast_in_dim3A_305, %lt3A_325 : vector<16xi32>
    %swap3A_327 = arith.index_cast %add3A_323 : i32 to index
    %swap3A_328 = tpu.vector_load %arg6[%swap3A_327] masked %lt3A_326 {strides = array<i32>} : memref<16448xi32, #tpu.memory_space<vmem>>, vector<16xi32>, vector<16xi1>
    tpu.vector_store %arg6[%swap3A_327], %broadcast_in_dim3A_305 masked %lt3A_326 {strides = array<i32>} : memref<16448xi32, #tpu.memory_space<vmem>>, vector<16xi32>, vector<16xi1>
    %add3A_329 = arith.constant 48 : i32
    %add3A_330 = arith.addi %min3A_307, %add3A_329 : i32
    %lt3A_331 = arith.constant 0 : i32
    %lt3A_332 = vector.broadcast %lt3A_331 : i32 to vector<16xi32>
    %lt3A_333 = arith.cmpi slt, %broadcast_in_dim3A_305, %lt3A_332 : vector<16xi32>
    %swap3A_334 = arith.index_cast %add3A_330 : i32 to index
    %swap3A_335 = tpu.vector_load %arg6[%swap3A_334] masked %lt3A_333 {strides = array<i32>} : memref<16448xi32, #tpu.memory_space<vmem>>, vector<16xi32>, vector<16xi1>
    tpu.vector_store %arg6[%swap3A_334], %broadcast_in_dim3A_305 masked %lt3A_333 {strides = array<i32>} : memref<16448xi32, #tpu.memory_space<vmem>>, vector<16xi32>, vector<16xi1>
    %add3A_336 = arith.constant 63 : i32
    %add3A_337 = arith.addi %min3A_307, %add3A_336 : i32
    %shift_right_arithmetic3A_338 = arith.constant 6 : i32
    %shift_right_arithmetic3A_339 = arith.shrsi %add3A_337, %shift_right_arithmetic3A_338 : i32
    %scan3A_340 = arith.constant 0 : i32
    %scan3A_341 = arith.constant 27 : i32
    %scan3A_342 = arith.addi %scan3A_340, %scan3A_341 : i32
    %scan3A_343 = arith.constant 1 : i32
    %scan3A_344:2 = scf.for %scan3A_846 = %scan3A_340 to %scan3A_342 step %scan3A_343 iter_args(%scan3A_847 = %xor3A_269, %scan3A_848 = %broadcast_in_dim3A_298) -> (vector<16xi32>, vector<16xi32>)  : i32 {
      %shift_right_arithmetic3A_849 = arith.constant 1 : i32
      %shift_right_arithmetic3A_850 = vector.broadcast %shift_right_arithmetic3A_849 : i32 to vector<16xi32>
      %shift_right_arithmetic3A_851 = arith.shrsi %scan3A_847, %shift_right_arithmetic3A_850 : vector<16xi32>
      %shift_right_arithmetic3A_852 = arith.constant 1 : i32
      %shift_right_arithmetic3A_853 = vector.broadcast %shift_right_arithmetic3A_852 : i32 to vector<16xi32>
      %shift_right_arithmetic3A_854 = arith.shrsi %scan3A_848, %shift_right_arithmetic3A_853 : vector<16xi32>
      %add3A_855 = arith.addi %shift_right_arithmetic3A_851, %shift_right_arithmetic3A_854 : vector<16xi32>
      %and3A_856 = arith.andi %scan3A_847, %scan3A_848 : vector<16xi32>
      %and3A_857 = arith.constant 1 : i32
      %and3A_858 = vector.broadcast %and3A_857 : i32 to vector<16xi32>
      %and3A_859 = arith.andi %and3A_856, %and3A_858 : vector<16xi32>
      %add3A_860 = arith.addi %add3A_855, %and3A_859 : vector<16xi32>
      %while3A_861 = arith.constant 0 : i32
      %while3A_862 = arith.subi %shift_right_arithmetic3A_339, %while3A_861 : i32
      %while3A_863 = arith.addi %while3A_861, %while3A_862 : i32
      %while3A_864 = arith.constant 1 : i32
      %while3A_865 = arith.divsi %while3A_862, %while3A_864 : i32
      %while3A_866 = arith.muli %while3A_865, %while3A_864 : i32
      %while3A_867 = arith.addi %while3A_861, %while3A_866 : i32
      %while3A_868 = arith.constant 1 : i32
      %while3A_869 = scf.for %while3A_884 = %while3A_861 to %while3A_867 step %while3A_868 iter_args(%while3A_885 = %broadcast_in_dim3A_3) -> (vector<16xi32>)  : i32 {
        %mul3A_886 = arith.constant 64 : i32
        %mul3A_887 = arith.muli %while3A_884, %mul3A_886 : i32
        %add3A_888 = arith.constant 0 : i32
        %add3A_889 = arith.addi %mul3A_887, %add3A_888 : i32
        %get3A = arith.index_cast %add3A_889 : i32 to index
        %get3A_890 = tpu.vector_load %arg6[%get3A] {strides = array<i32>} : memref<16448xi32, #tpu.memory_space<vmem>>, vector<16xi32>,
        %gt3A = arith.cmpi sgt, %get3A_890, %add3A_860 : vector<16xi32>
        %convert_element_type3A_891 = arith.extui %gt3A : vector<16xi1> to vector<16xi32>
        %add3A_892 = arith.addi %while3A_885, %convert_element_type3A_891 : vector<16xi32>
        %mul3A_893 = arith.constant 64 : i32
        %mul3A_894 = arith.muli %while3A_884, %mul3A_893 : i32
        %add3A_895 = arith.constant 16 : i32
        %add3A_896 = arith.addi %mul3A_894, %add3A_895 : i32
        %get3A_897 = arith.index_cast %add3A_896 : i32 to index
        %get3A_898 = tpu.vector_load %arg6[%get3A_897] {strides = array<i32>} : memref<16448xi32, #tpu.memory_space<vmem>>, vector<16xi32>,
        %gt3A_899 = arith.cmpi sgt, %get3A_898, %add3A_860 : vector<16xi32>
        %convert_element_type3A_900 = arith.extui %gt3A_899 : vector<16xi1> to vector<16xi32>
        %add3A_901 = arith.addi %add3A_892, %convert_element_type3A_900 : vector<16xi32>
        %mul3A_902 = arith.constant 64 : i32
        %mul3A_903 = arith.muli %while3A_884, %mul3A_902 : i32
        %add3A_904 = arith.constant 32 : i32
        %add3A_905 = arith.addi %mul3A_903, %add3A_904 : i32
        %get3A_906 = arith.index_cast %add3A_905 : i32 to index
        %get3A_907 = tpu.vector_load %arg6[%get3A_906] {strides = array<i32>} : memref<16448xi32, #tpu.memory_space<vmem>>, vector<16xi32>,
        %gt3A_908 = arith.cmpi sgt, %get3A_907, %add3A_860 : vector<16xi32>
        %convert_element_type3A_909 = arith.extui %gt3A_908 : vector<16xi1> to vector<16xi32>
        %add3A_910 = arith.addi %add3A_901, %convert_element_type3A_909 : vector<16xi32>
        %mul3A_911 = arith.constant 64 : i32
        %mul3A_912 = arith.muli %while3A_884, %mul3A_911 : i32
        %add3A_913 = arith.constant 48 : i32
        %add3A_914 = arith.addi %mul3A_912, %add3A_913 : i32
        %get3A_915 = arith.index_cast %add3A_914 : i32 to index
        %get3A_916 = tpu.vector_load %arg6[%get3A_915] {strides = array<i32>} : memref<16448xi32, #tpu.memory_space<vmem>>, vector<16xi32>,
        %gt3A_917 = arith.cmpi sgt, %get3A_916, %add3A_860 : vector<16xi32>
        %convert_element_type3A_918 = arith.extui %gt3A_917 : vector<16xi1> to vector<16xi32>
        %add3A_919 = arith.addi %add3A_910, %convert_element_type3A_918 : vector<16xi32>
        scf.yield %add3A_919 : vector<16xi32>
      }
      %while3A_870 = arith.constant 1 : i32
      %while3A_871 = scf.for %while3A_884 = %while3A_867 to %while3A_863 step %while3A_870 iter_args(%while3A_885 = %while3A_869) -> (vector<16xi32>)  : i32 {
        %mul3A_886 = arith.constant 64 : i32
        %mul3A_887 = arith.muli %while3A_884, %mul3A_886 : i32
        %add3A_888 = arith.constant 0 : i32
        %add3A_889 = arith.addi %mul3A_887, %add3A_888 : i32
        %get3A = arith.index_cast %add3A_889 : i32 to index
        %get3A_890 = tpu.vector_load %arg6[%get3A] {strides = array<i32>} : memref<16448xi32, #tpu.memory_space<vmem>>, vector<16xi32>,
        %gt3A = arith.cmpi sgt, %get3A_890, %add3A_860 : vector<16xi32>
        %convert_element_type3A_891 = arith.extui %gt3A : vector<16xi1> to vector<16xi32>
        %add3A_892 = arith.addi %while3A_885, %convert_element_type3A_891 : vector<16xi32>
        %mul3A_893 = arith.constant 64 : i32
        %mul3A_894 = arith.muli %while3A_884, %mul3A_893 : i32
        %add3A_895 = arith.constant 16 : i32
        %add3A_896 = arith.addi %mul3A_894, %add3A_895 : i32
        %get3A_897 = arith.index_cast %add3A_896 : i32 to index
        %get3A_898 = tpu.vector_load %arg6[%get3A_897] {strides = array<i32>} : memref<16448xi32, #tpu.memory_space<vmem>>, vector<16xi32>,
        %gt3A_899 = arith.cmpi sgt, %get3A_898, %add3A_860 : vector<16xi32>
        %convert_element_type3A_900 = arith.extui %gt3A_899 : vector<16xi1> to vector<16xi32>
        %add3A_901 = arith.addi %add3A_892, %convert_element_type3A_900 : vector<16xi32>
        %mul3A_902 = arith.constant 64 : i32
        %mul3A_903 = arith.muli %while3A_884, %mul3A_902 : i32
        %add3A_904 = arith.constant 32 : i32
        %add3A_905 = arith.addi %mul3A_903, %add3A_904 : i32
        %get3A_906 = arith.index_cast %add3A_905 : i32 to index
        %get3A_907 = tpu.vector_load %arg6[%get3A_906] {strides = array<i32>} : memref<16448xi32, #tpu.memory_space<vmem>>, vector<16xi32>,
        %gt3A_908 = arith.cmpi sgt, %get3A_907, %add3A_860 : vector<16xi32>
        %convert_element_type3A_909 = arith.extui %gt3A_908 : vector<16xi1> to vector<16xi32>
        %add3A_910 = arith.addi %add3A_901, %convert_element_type3A_909 : vector<16xi32>
        %mul3A_911 = arith.constant 64 : i32
        %mul3A_912 = arith.muli %while3A_884, %mul3A_911 : i32
        %add3A_913 = arith.constant 48 : i32
        %add3A_914 = arith.addi %mul3A_912, %add3A_913 : i32
        %get3A_915 = arith.index_cast %add3A_914 : i32 to index
        %get3A_916 = tpu.vector_load %arg6[%get3A_915] {strides = array<i32>} : memref<16448xi32, #tpu.memory_space<vmem>>, vector<16xi32>,
        %gt3A_917 = arith.cmpi sgt, %get3A_916, %add3A_860 : vector<16xi32>
        %convert_element_type3A_918 = arith.extui %gt3A_917 : vector<16xi1> to vector<16xi32>
        %add3A_919 = arith.addi %add3A_910, %convert_element_type3A_918 : vector<16xi32>
        scf.yield %add3A_919 : vector<16xi32>
      }
      %reduce_sum3A_872 = arith.constant true
      %reduce_sum3A_873 = vector.broadcast %reduce_sum3A_872 : i1 to vector<16xi1>
      %reduce_sum3A_874 = tpu.scan <sum>, %while3A_871 masked %reduce_sum3A_873 : vector<16xi32>, vector<16xi1> -> vector<16xi32>
      %reduce_sum3A_875 = vector.extract %reduce_sum3A_874[15] : i32 from vector<16xi32>
      %ge3A_876 = arith.constant 256 : i32
      %ge3A_877 = arith.cmpi sge, %reduce_sum3A_875, %ge3A_876 : i32
      %broadcast_in_dim3A_878 = vector.broadcast %ge3A_877 : i1 to vector<16xi1>
      %add3A_879 = arith.constant 1 : i32
      %add3A_880 = vector.broadcast %add3A_879 : i32 to vector<16xi32>
      %add3A_881 = arith.addi %add3A_860, %add3A_880 : vector<16xi32>
      %select_n3A_882 = arith.select %broadcast_in_dim3A_878, %add3A_881, %scan3A_847 : vector<16xi1>, vector<16xi32>
      %select_n3A_883 = arith.select %broadcast_in_dim3A_878, %scan3A_848, %add3A_860 : vector<16xi1>, vector<16xi32>
      scf.yield %select_n3A_882, %select_n3A_883 : vector<16xi32>, vector<16xi32>
    }
    %scan3A_345 = arith.constant 27 : i32
    %eq3A_346 = arith.cmpi eq, %scan3A_344#0, %scan3A_344#1 : vector<16xi32>
    %reduce_and3A_347 = arith.constant 1.000000e+00 : f32
    %reduce_and3A_348 = arith.constant 0.000000e+00 : f32
    %reduce_and3A_349 = vector.broadcast %reduce_and3A_347 : f32 to vector<16xf32>
    %reduce_and3A_350 = vector.broadcast %reduce_and3A_348 : f32 to vector<16xf32>
    %reduce_and3A_351 = arith.select %eq3A_346, %reduce_and3A_349, %reduce_and3A_350 : vector<16xi1>, vector<16xf32>
    %reduce_and3A_352 = arith.constant true
    %reduce_and3A_353 = vector.broadcast %reduce_and3A_352 : i1 to vector<16xi1>
    %reduce_and3A_354 = tpu.scan <min>, %reduce_and3A_351 masked %reduce_and3A_353 : vector<16xf32>, vector<16xi1> -> vector<16xf32>
    %reduce_and3A_355 = vector.extract %reduce_and3A_354[15] : f32 from vector<16xf32>
    %reduce_and3A_356 = arith.constant 0.000000e+00 : f32
    %reduce_and3A_357 = arith.cmpf ogt, %reduce_and3A_355, %reduce_and3A_356 : f32
    %and3A_358 = arith.andi %and3A_303, %reduce_and3A_357 : i1
    %while3A_359 = arith.constant 0 : i32
    %while3A_360 = arith.subi %shift_right_arithmetic3A_339, %while3A_359 : i32
    %while3A_361 = arith.addi %while3A_359, %while3A_360 : i32
    %while3A_362 = arith.constant 1 : i32
    %while3A_363 = arith.divsi %while3A_360, %while3A_362 : i32
    %while3A_364 = arith.muli %while3A_363, %while3A_362 : i32
    %while3A_365 = arith.addi %while3A_359, %while3A_364 : i32
    %while3A_366 = arith.constant 1 : i32
    %while3A_367:2 = scf.for %while3A_846 = %while3A_359 to %while3A_365 step %while3A_366 iter_args(%while3A_847 = %broadcast_in_dim3A_3, %while3A_848 = %broadcast_in_dim3A_3) -> (vector<16xi32>, vector<16xi32>)  : i32 {
      %mul3A_849 = arith.constant 64 : i32
      %mul3A_850 = arith.muli %while3A_846, %mul3A_849 : i32
      %add3A_851 = arith.constant 0 : i32
      %add3A_852 = arith.addi %mul3A_850, %add3A_851 : i32
      %get3A = arith.index_cast %add3A_852 : i32 to index
      %get3A_853 = tpu.vector_load %arg6[%get3A] {strides = array<i32>} : memref<16448xi32, #tpu.memory_space<vmem>>, vector<16xi32>,
      %gt3A = arith.cmpi sgt, %get3A_853, %scan3A_344#0 : vector<16xi32>
      %convert_element_type3A_854 = arith.extui %gt3A : vector<16xi1> to vector<16xi32>
      %add3A_855 = arith.addi %while3A_847, %convert_element_type3A_854 : vector<16xi32>
      %eq3A_856 = arith.cmpi eq, %get3A_853, %scan3A_344#0 : vector<16xi32>
      %convert_element_type3A_857 = arith.extui %eq3A_856 : vector<16xi1> to vector<16xi32>
      %add3A_858 = arith.addi %while3A_848, %convert_element_type3A_857 : vector<16xi32>
      %mul3A_859 = arith.constant 64 : i32
      %mul3A_860 = arith.muli %while3A_846, %mul3A_859 : i32
      %add3A_861 = arith.constant 16 : i32
      %add3A_862 = arith.addi %mul3A_860, %add3A_861 : i32
      %get3A_863 = arith.index_cast %add3A_862 : i32 to index
      %get3A_864 = tpu.vector_load %arg6[%get3A_863] {strides = array<i32>} : memref<16448xi32, #tpu.memory_space<vmem>>, vector<16xi32>,
      %gt3A_865 = arith.cmpi sgt, %get3A_864, %scan3A_344#0 : vector<16xi32>
      %convert_element_type3A_866 = arith.extui %gt3A_865 : vector<16xi1> to vector<16xi32>
      %add3A_867 = arith.addi %add3A_855, %convert_element_type3A_866 : vector<16xi32>
      %eq3A_868 = arith.cmpi eq, %get3A_864, %scan3A_344#0 : vector<16xi32>
      %convert_element_type3A_869 = arith.extui %eq3A_868 : vector<16xi1> to vector<16xi32>
      %add3A_870 = arith.addi %add3A_858, %convert_element_type3A_869 : vector<16xi32>
      %mul3A_871 = arith.constant 64 : i32
      %mul3A_872 = arith.muli %while3A_846, %mul3A_871 : i32
      %add3A_873 = arith.constant 32 : i32
      %add3A_874 = arith.addi %mul3A_872, %add3A_873 : i32
      %get3A_875 = arith.index_cast %add3A_874 : i32 to index
      %get3A_876 = tpu.vector_load %arg6[%get3A_875] {strides = array<i32>} : memref<16448xi32, #tpu.memory_space<vmem>>, vector<16xi32>,
      %gt3A_877 = arith.cmpi sgt, %get3A_876, %scan3A_344#0 : vector<16xi32>
      %convert_element_type3A_878 = arith.extui %gt3A_877 : vector<16xi1> to vector<16xi32>
      %add3A_879 = arith.addi %add3A_867, %convert_element_type3A_878 : vector<16xi32>
      %eq3A_880 = arith.cmpi eq, %get3A_876, %scan3A_344#0 : vector<16xi32>
      %convert_element_type3A_881 = arith.extui %eq3A_880 : vector<16xi1> to vector<16xi32>
      %add3A_882 = arith.addi %add3A_870, %convert_element_type3A_881 : vector<16xi32>
      %mul3A_883 = arith.constant 64 : i32
      %mul3A_884 = arith.muli %while3A_846, %mul3A_883 : i32
      %add3A_885 = arith.constant 48 : i32
      %add3A_886 = arith.addi %mul3A_884, %add3A_885 : i32
      %get3A_887 = arith.index_cast %add3A_886 : i32 to index
      %get3A_888 = tpu.vector_load %arg6[%get3A_887] {strides = array<i32>} : memref<16448xi32, #tpu.memory_space<vmem>>, vector<16xi32>,
      %gt3A_889 = arith.cmpi sgt, %get3A_888, %scan3A_344#0 : vector<16xi32>
      %convert_element_type3A_890 = arith.extui %gt3A_889 : vector<16xi1> to vector<16xi32>
      %add3A_891 = arith.addi %add3A_879, %convert_element_type3A_890 : vector<16xi32>
      %eq3A_892 = arith.cmpi eq, %get3A_888, %scan3A_344#0 : vector<16xi32>
      %convert_element_type3A_893 = arith.extui %eq3A_892 : vector<16xi1> to vector<16xi32>
      %add3A_894 = arith.addi %add3A_882, %convert_element_type3A_893 : vector<16xi32>
      scf.yield %add3A_891, %add3A_894 : vector<16xi32>, vector<16xi32>
    }
    %while3A_368 = arith.constant 1 : i32
    %while3A_369:2 = scf.for %while3A_846 = %while3A_365 to %while3A_361 step %while3A_368 iter_args(%while3A_847 = %while3A_367#0, %while3A_848 = %while3A_367#1) -> (vector<16xi32>, vector<16xi32>)  : i32 {
      %mul3A_849 = arith.constant 64 : i32
      %mul3A_850 = arith.muli %while3A_846, %mul3A_849 : i32
      %add3A_851 = arith.constant 0 : i32
      %add3A_852 = arith.addi %mul3A_850, %add3A_851 : i32
      %get3A = arith.index_cast %add3A_852 : i32 to index
      %get3A_853 = tpu.vector_load %arg6[%get3A] {strides = array<i32>} : memref<16448xi32, #tpu.memory_space<vmem>>, vector<16xi32>,
      %gt3A = arith.cmpi sgt, %get3A_853, %scan3A_344#0 : vector<16xi32>
      %convert_element_type3A_854 = arith.extui %gt3A : vector<16xi1> to vector<16xi32>
      %add3A_855 = arith.addi %while3A_847, %convert_element_type3A_854 : vector<16xi32>
      %eq3A_856 = arith.cmpi eq, %get3A_853, %scan3A_344#0 : vector<16xi32>
      %convert_element_type3A_857 = arith.extui %eq3A_856 : vector<16xi1> to vector<16xi32>
      %add3A_858 = arith.addi %while3A_848, %convert_element_type3A_857 : vector<16xi32>
      %mul3A_859 = arith.constant 64 : i32
      %mul3A_860 = arith.muli %while3A_846, %mul3A_859 : i32
      %add3A_861 = arith.constant 16 : i32
      %add3A_862 = arith.addi %mul3A_860, %add3A_861 : i32
      %get3A_863 = arith.index_cast %add3A_862 : i32 to index
      %get3A_864 = tpu.vector_load %arg6[%get3A_863] {strides = array<i32>} : memref<16448xi32, #tpu.memory_space<vmem>>, vector<16xi32>,
      %gt3A_865 = arith.cmpi sgt, %get3A_864, %scan3A_344#0 : vector<16xi32>
      %convert_element_type3A_866 = arith.extui %gt3A_865 : vector<16xi1> to vector<16xi32>
      %add3A_867 = arith.addi %add3A_855, %convert_element_type3A_866 : vector<16xi32>
      %eq3A_868 = arith.cmpi eq, %get3A_864, %scan3A_344#0 : vector<16xi32>
      %convert_element_type3A_869 = arith.extui %eq3A_868 : vector<16xi1> to vector<16xi32>
      %add3A_870 = arith.addi %add3A_858, %convert_element_type3A_869 : vector<16xi32>
      %mul3A_871 = arith.constant 64 : i32
      %mul3A_872 = arith.muli %while3A_846, %mul3A_871 : i32
      %add3A_873 = arith.constant 32 : i32
      %add3A_874 = arith.addi %mul3A_872, %add3A_873 : i32
      %get3A_875 = arith.index_cast %add3A_874 : i32 to index
      %get3A_876 = tpu.vector_load %arg6[%get3A_875] {strides = array<i32>} : memref<16448xi32, #tpu.memory_space<vmem>>, vector<16xi32>,
      %gt3A_877 = arith.cmpi sgt, %get3A_876, %scan3A_344#0 : vector<16xi32>
      %convert_element_type3A_878 = arith.extui %gt3A_877 : vector<16xi1> to vector<16xi32>
      %add3A_879 = arith.addi %add3A_867, %convert_element_type3A_878 : vector<16xi32>
      %eq3A_880 = arith.cmpi eq, %get3A_876, %scan3A_344#0 : vector<16xi32>
      %convert_element_type3A_881 = arith.extui %eq3A_880 : vector<16xi1> to vector<16xi32>
      %add3A_882 = arith.addi %add3A_870, %convert_element_type3A_881 : vector<16xi32>
      %mul3A_883 = arith.constant 64 : i32
      %mul3A_884 = arith.muli %while3A_846, %mul3A_883 : i32
      %add3A_885 = arith.constant 48 : i32
      %add3A_886 = arith.addi %mul3A_884, %add3A_885 : i32
      %get3A_887 = arith.index_cast %add3A_886 : i32 to index
      %get3A_888 = tpu.vector_load %arg6[%get3A_887] {strides = array<i32>} : memref<16448xi32, #tpu.memory_space<vmem>>, vector<16xi32>,
      %gt3A_889 = arith.cmpi sgt, %get3A_888, %scan3A_344#0 : vector<16xi32>
      %convert_element_type3A_890 = arith.extui %gt3A_889 : vector<16xi1> to vector<16xi32>
      %add3A_891 = arith.addi %add3A_879, %convert_element_type3A_890 : vector<16xi32>
      %eq3A_892 = arith.cmpi eq, %get3A_888, %scan3A_344#0 : vector<16xi32>
      %convert_element_type3A_893 = arith.extui %eq3A_892 : vector<16xi1> to vector<16xi32>
      %add3A_894 = arith.addi %add3A_882, %convert_element_type3A_893 : vector<16xi32>
      scf.yield %add3A_891, %add3A_894 : vector<16xi32>, vector<16xi32>
    }
    %reduce_sum3A_370 = arith.constant true
    %reduce_sum3A_371 = vector.broadcast %reduce_sum3A_370 : i1 to vector<16xi1>
    %reduce_sum3A_372 = tpu.scan <sum>, %while3A_369#0 masked %reduce_sum3A_371 : vector<16xi32>, vector<16xi1> -> vector<16xi32>
    %reduce_sum3A_373 = vector.extract %reduce_sum3A_372[15] : i32 from vector<16xi32>
    %reduce_sum3A_374 = arith.constant true
    %reduce_sum3A_375 = vector.broadcast %reduce_sum3A_374 : i1 to vector<16xi1>
    %reduce_sum3A_376 = tpu.scan <sum>, %while3A_369#1 masked %reduce_sum3A_375 : vector<16xi32>, vector<16xi1> -> vector<16xi32>
    %reduce_sum3A_377 = vector.extract %reduce_sum3A_376[15] : i32 from vector<16xi32>
    %sub3A_378 = arith.constant 256 : i32
    %sub3A_379 = arith.subi %sub3A_378, %reduce_sum3A_373 : i32
    %lt3A_380 = arith.constant 0 : i32
    %lt3A_381 = vector.broadcast %lt3A_380 : i32 to vector<16xi32>
    %lt3A_382 = arith.cmpi slt, %scan3A_344#0, %lt3A_381 : vector<16xi32>
    %xor3A_383 = arith.constant 2147483647 : i32
    %xor3A_384 = vector.broadcast %xor3A_383 : i32 to vector<16xi32>
    %xor3A_385 = arith.xori %scan3A_344#0, %xor3A_384 : vector<16xi32>
    %select_n3A_386 = arith.select %lt3A_382, %xor3A_385, %scan3A_344#0 : vector<16xi1>, vector<16xi32>
    %bitcast_convert_type3A_387 = tpu.bitcast %select_n3A_386 : vector<16xi32> -> vector<16xf32>
    %eq3A_388 = arith.constant 0 : i32
    %eq3A_389 = vector.broadcast %eq3A_388 : i32 to vector<16xi32>
    %eq3A_390 = arith.cmpi eq, %iota3A, %eq3A_389 : vector<16xi32>
    %jit3A_391 = arith.constant 0.000000e+00 : f32
    %broadcast_in_dim3A_392 = vector.broadcast %jit3A_391 : f32 to vector<16xf32>
    %select_n3A_393 = arith.select %eq3A_390, %bitcast_convert_type3A_387, %broadcast_in_dim3A_392 : vector<16xi1>, vector<16xf32>
    %eq3A_394 = arith.constant 1 : i32
    %eq3A_395 = vector.broadcast %eq3A_394 : i32 to vector<16xi32>
    %eq3A_396 = arith.cmpi eq, %iota3A, %eq3A_395 : vector<16xi32>
    %convert_element_type3A_397 = arith.sitofp %sub3A_379 : i32 to f32
    %broadcast_in_dim3A_398 = vector.broadcast %convert_element_type3A_397 : f32 to vector<16xf32>
    %select_n3A_399 = arith.select %eq3A_396, %broadcast_in_dim3A_398, %select_n3A_393 : vector<16xi1>, vector<16xf32>
    %eq3A_400 = arith.constant 2 : i32
    %eq3A_401 = vector.broadcast %eq3A_400 : i32 to vector<16xi32>
    %eq3A_402 = arith.cmpi eq, %iota3A, %eq3A_401 : vector<16xi32>
    %jit3A_403 = arith.constant 1.000000e+00 : f32
    %jit3A_404 = arith.constant 0.000000e+00 : f32
    %select_n3A_405 = arith.select %and3A_358, %jit3A_403, %jit3A_404 : f32
    %broadcast_in_dim3A_406 = vector.broadcast %select_n3A_405 : f32 to vector<16xf32>
    %select_n3A_407 = arith.select %eq3A_402, %broadcast_in_dim3A_406, %select_n3A_399 : vector<16xi1>, vector<16xf32>
    %eq3A_408 = arith.constant 3 : i32
    %eq3A_409 = vector.broadcast %eq3A_408 : i32 to vector<16xi32>
    %eq3A_410 = arith.cmpi eq, %iota3A, %eq3A_409 : vector<16xi32>
    %convert_element_type3A_411 = arith.sitofp %reduce_sum3A_377 : i32 to f32
    %broadcast_in_dim3A_412 = vector.broadcast %convert_element_type3A_411 : f32 to vector<16xf32>
    %select_n3A_413 = arith.select %eq3A_410, %broadcast_in_dim3A_412, %select_n3A_407 : vector<16xi1>, vector<16xf32>
    %swap3A_414 = arith.constant 1 : i32
    %swap3A_415 = arith.index_cast %swap3A_414 : i32 to index
    %swap3A_416 = arith.constant 0 : index
    %swap3A_417 = tpu.vector_load %arg7[%swap3A_415, %swap3A_416] {strides = array<i32>} : memref<4x16xf32, #tpu.memory_space<vmem>>, vector<16xf32>,
    tpu.vector_store %arg7[%swap3A_415, %swap3A_416], %select_n3A_413 {strides = array<i32>} : memref<4x16xf32, #tpu.memory_space<vmem>>, vector<16xf32>,
    %dma_wait3A_418 = arith.constant 0 : i32
    %dma_wait3A_419 = tpu.memref_slice %arg2[%add3A_212, %dma_wait3A_418] : memref<128x32768xf32, #tpu.memory_space<hbm>> -> memref<1x32768xf32, #tpu.memory_space<hbm>>
    %dma_wait3A_420 = tpu.memref_squeeze %dma_wait3A_419 : memref<1x32768xf32, #tpu.memory_space<hbm>> -> memref<32768xf32, #tpu.memory_space<hbm>>
    %dma_wait3A_421 = arith.constant 0 : i32
    %dma_wait3A_422 = tpu.memref_slice %arg2[%add3A_212, %dma_wait3A_421] : memref<128x32768xf32, #tpu.memory_space<hbm>> -> memref<1x32768xf32, #tpu.memory_space<hbm>>
    %dma_wait3A_423 = tpu.memref_squeeze %dma_wait3A_422 : memref<1x32768xf32, #tpu.memory_space<hbm>> -> memref<32768xf32, #tpu.memory_space<hbm>>
    tpu.wait_dma2 semaphore(%arg8 : memref<!tpu.dma_semaphore, #tpu.memory_space<semaphore_mem>>) src(%dma_wait3A_423 : memref<32768xf32, #tpu.memory_space<hbm>>) dst(%arg4 : memref<32768xf32, #tpu.memory_space<vmem>>)
    %add3A_424 = arith.constant 2 : i32
    %add3A_425 = arith.addi %mul3A_2, %add3A_424 : i32
    %add3A_426 = arith.constant 1 : i32
    %add3A_427 = arith.addi %add3A_425, %add3A_426 : i32
    %dma_start3A_428 = arith.constant 0 : i32
    %dma_start3A_429 = tpu.memref_slice %arg2[%add3A_427, %dma_start3A_428] : memref<128x32768xf32, #tpu.memory_space<hbm>> -> memref<1x32768xf32, #tpu.memory_space<hbm>>
    %dma_start3A_430 = tpu.memref_squeeze %dma_start3A_429 : memref<1x32768xf32, #tpu.memory_space<hbm>> -> memref<32768xf32, #tpu.memory_space<hbm>>
    %dma_start3A_431 = arith.constant 0 : i32
    %dma_start3A_432 = tpu.memref_slice %arg2[%add3A_427, %dma_start3A_431] : memref<128x32768xf32, #tpu.memory_space<hbm>> -> memref<1x32768xf32, #tpu.memory_space<hbm>>
    %dma_start3A_433 = tpu.memref_squeeze %dma_start3A_432 : memref<1x32768xf32, #tpu.memory_space<hbm>> -> memref<32768xf32, #tpu.memory_space<hbm>>
    tpu.enqueue_dma source(%dma_start3A_433 : memref<32768xf32, #tpu.memory_space<hbm>>) target(%arg5 : memref<32768xf32, #tpu.memory_space<vmem>>) target_semaphore(%arg9 : memref<!tpu.dma_semaphore, #tpu.memory_space<semaphore_mem>>)
    %broadcast_in_dim3A_434 = arith.constant 0.000000e+00 : f32
    %broadcast_in_dim3A_435 = vector.broadcast %broadcast_in_dim3A_434 : f32 to vector<16xf32>
    %broadcast_in_dim3A_436 = arith.constant 0.000000e+00 : f32
    %broadcast_in_dim3A_437 = vector.broadcast %broadcast_in_dim3A_436 : f32 to vector<16xf32>
    %scan3A_438 = arith.constant 0 : i32
    %scan3A_439 = arith.constant 64 : i32
    %scan3A_440 = arith.addi %scan3A_438, %scan3A_439 : i32
    %scan3A_441 = arith.constant 1 : i32
    %scan3A_442:2 = scf.for %scan3A_846 = %scan3A_438 to %scan3A_440 step %scan3A_441 iter_args(%scan3A_847 = %broadcast_in_dim3A_435, %scan3A_848 = %broadcast_in_dim3A_437) -> (vector<16xf32>, vector<16xf32>)  : i32 {
      %mul3A_849 = arith.constant 512 : i32
      %mul3A_850 = arith.muli %scan3A_846, %mul3A_849 : i32
      %get3A = arith.index_cast %mul3A_850 : i32 to index
      %get3A_851 = tpu.vector_load %arg4[%get3A] {strides = array<i32>} : memref<32768xf32, #tpu.memory_space<vmem>>, vector<16xf32>,
      %add3A_852 = arith.addf %scan3A_847, %get3A_851 : vector<16xf32>
      %mul3A_853 = arith.mulf %get3A_851, %get3A_851 : vector<16xf32>
      %add3A_854 = arith.addf %scan3A_848, %mul3A_853 : vector<16xf32>
      scf.yield %add3A_852, %add3A_854 : vector<16xf32>, vector<16xf32>
    }
    %scan3A_443 = arith.constant 64 : i32
    %reduce_sum3A_444 = arith.constant true
    %reduce_sum3A_445 = vector.broadcast %reduce_sum3A_444 : i1 to vector<16xi1>
    %reduce_sum3A_446 = tpu.scan <sum>, %scan3A_442#0 masked %reduce_sum3A_445 : vector<16xf32>, vector<16xi1> -> vector<16xf32>
    %reduce_sum3A_447 = vector.extract %reduce_sum3A_446[15] : f32 from vector<16xf32>
    %mul3A_448 = arith.constant 9.765625E-4 : f32
    %mul3A_449 = arith.mulf %reduce_sum3A_447, %mul3A_448 : f32
    %reduce_sum3A_450 = arith.constant true
    %reduce_sum3A_451 = vector.broadcast %reduce_sum3A_450 : i1 to vector<16xi1>
    %reduce_sum3A_452 = tpu.scan <sum>, %scan3A_442#1 masked %reduce_sum3A_451 : vector<16xf32>, vector<16xi1> -> vector<16xf32>
    %reduce_sum3A_453 = vector.extract %reduce_sum3A_452[15] : f32 from vector<16xf32>
    %mul3A_454 = arith.constant 9.765625E-4 : f32
    %mul3A_455 = arith.mulf %reduce_sum3A_453, %mul3A_454 : f32
    %mul3A_456 = arith.mulf %mul3A_449, %mul3A_449 : f32
    %sub3A_457 = arith.subf %mul3A_455, %mul3A_456 : f32
    %max3A_458 = arith.constant 9.99999996E-13 : f32
    %max3A_459 = arith.maximumf %sub3A_457, %max3A_458 : f32
    %min3A_460 = arith.constant 2.000000e+00 : f32
    %min3A_461 = arith.minimumf %max3A_459, %min3A_460 : f32
    %broadcast_in_dim3A_462 = vector.broadcast %min3A_461 : f32 to vector<16xf32>
    %broadcast_in_dim3A_463 = arith.constant 1.000000e+00 : f32
    %broadcast_in_dim3A_464 = vector.broadcast %broadcast_in_dim3A_463 : f32 to vector<16xf32>
    %scan3A_465 = arith.constant 0 : i32
    %scan3A_466 = arith.constant 12 : i32
    %scan3A_467 = arith.addi %scan3A_465, %scan3A_466 : i32
    %scan3A_468 = arith.constant 1 : i32
    %scan3A_469 = scf.for %scan3A_846 = %scan3A_465 to %scan3A_467 step %scan3A_468 iter_args(%scan3A_847 = %broadcast_in_dim3A_464) -> (vector<16xf32>)  : i32 {
      %mul3A_848 = arith.constant 5.000000e-01 : f32
      %mul3A_849 = vector.broadcast %mul3A_848 : f32 to vector<16xf32>
      %mul3A_850 = arith.mulf %mul3A_849, %broadcast_in_dim3A_462 : vector<16xf32>
      %mul3A_851 = arith.mulf %mul3A_850, %scan3A_847 : vector<16xf32>
      %mul3A_852 = arith.mulf %mul3A_851, %scan3A_847 : vector<16xf32>
      %sub3A_853 = arith.constant 1.500000e+00 : f32
      %sub3A_854 = vector.broadcast %sub3A_853 : f32 to vector<16xf32>
      %sub3A_855 = arith.subf %sub3A_854, %mul3A_852 : vector<16xf32>
      %mul3A_856 = arith.mulf %scan3A_847, %sub3A_855 : vector<16xf32>
      scf.yield %mul3A_856 : vector<16xf32>
    }
    %scan3A_470 = arith.constant 12 : i32
    %mul3A_471 = arith.mulf %broadcast_in_dim3A_462, %scan3A_469 : vector<16xf32>
    %broadcast_in_dim3A_472 = vector.broadcast %mul3A_449 : f32 to vector<16xf32>
    %mul3A_473 = arith.constant 2.000000e+00 : f32
    %mul3A_474 = vector.broadcast %mul3A_473 : f32 to vector<16xf32>
    %mul3A_475 = arith.mulf %mul3A_474, %mul3A_471 : vector<16xf32>
    %add3A_476 = arith.addf %broadcast_in_dim3A_472, %mul3A_475 : vector<16xf32>
    %bitcast_convert_type3A_477 = tpu.bitcast %add3A_476 : vector<16xf32> -> vector<16xi32>
    %shift_right_arithmetic3A_478 = arith.constant 31 : i32
    %shift_right_arithmetic3A_479 = vector.broadcast %shift_right_arithmetic3A_478 : i32 to vector<16xi32>
    %shift_right_arithmetic3A_480 = arith.shrsi %bitcast_convert_type3A_477, %shift_right_arithmetic3A_479 : vector<16xi32>
    %and3A_481 = arith.constant 2147483647 : i32
    %and3A_482 = vector.broadcast %and3A_481 : i32 to vector<16xi32>
    %and3A_483 = arith.andi %shift_right_arithmetic3A_480, %and3A_482 : vector<16xi32>
    %xor3A_484 = arith.xori %bitcast_convert_type3A_477, %and3A_483 : vector<16xi32>
    %broadcast_in_dim3A_485 = arith.constant 4096 : i32
    %broadcast_in_dim3A_486 = vector.broadcast %broadcast_in_dim3A_485 : i32 to vector<16xi32>
    %broadcast_in_dim3A_487 = arith.constant 0 : i32
    %broadcast_in_dim3A_488 = vector.broadcast %broadcast_in_dim3A_487 : i32 to vector<16xi32>
    %broadcast_in_dim3A_489 = arith.constant -2147483648 : i32
    %broadcast_in_dim3A_490 = vector.broadcast %broadcast_in_dim3A_489 : i32 to vector<16xi32>
    %scan3A_491 = arith.constant 0 : i32
    %scan3A_492 = arith.constant 512 : i32
    %scan3A_493 = arith.addi %scan3A_491, %scan3A_492 : i32
    %scan3A_494 = arith.constant 1 : i32
    %scan3A_495:2 = scf.for %scan3A_846 = %scan3A_491 to %scan3A_493 step %scan3A_494 iter_args(%scan3A_847 = %broadcast_in_dim3A_488, %scan3A_848 = %broadcast_in_dim3A_490) -> (vector<16xi32>, vector<16xi32>)  : i32 {
      %mul3A_849 = arith.constant 4 : i32
      %mul3A_850 = arith.muli %scan3A_846, %mul3A_849 : i32
      %add3A_851 = arith.constant 0 : i32
      %add3A_852 = arith.addi %mul3A_850, %add3A_851 : i32
      %mul3A_853 = arith.constant 16 : i32
      %mul3A_854 = arith.muli %add3A_852, %mul3A_853 : i32
      %get3A = arith.index_cast %mul3A_854 : i32 to index
      %get3A_855 = tpu.vector_load %arg4[%get3A] {strides = array<i32>} : memref<32768xf32, #tpu.memory_space<vmem>>, vector<16xf32>,
      %bitcast_convert_type3A_856 = tpu.bitcast %get3A_855 : vector<16xf32> -> vector<16xi32>
      %shift_right_arithmetic3A_857 = arith.constant 31 : i32
      %shift_right_arithmetic3A_858 = vector.broadcast %shift_right_arithmetic3A_857 : i32 to vector<16xi32>
      %shift_right_arithmetic3A_859 = arith.shrsi %bitcast_convert_type3A_856, %shift_right_arithmetic3A_858 : vector<16xi32>
      %and3A_860 = arith.constant 2147483647 : i32
      %and3A_861 = vector.broadcast %and3A_860 : i32 to vector<16xi32>
      %and3A_862 = arith.andi %shift_right_arithmetic3A_859, %and3A_861 : vector<16xi32>
      %xor3A_863 = arith.xori %bitcast_convert_type3A_856, %and3A_862 : vector<16xi32>
      %max3A_864 = arith.maxsi %scan3A_848, %xor3A_863 : vector<16xi32>
      %gt3A = arith.cmpf ogt, %get3A_855, %add3A_476 : vector<16xf32>
      %convert_element_type3A_865 = arith.extui %gt3A : vector<16xi1> to vector<16xi32>
      %broadcast_in_dim3A_866 = arith.constant true
      %broadcast_in_dim3A_867 = vector.broadcast %broadcast_in_dim3A_866 : i1 to vector<16xi1>
      %masked_cumsum3A = tpu.scan <sum>, %convert_element_type3A_865 masked %broadcast_in_dim3A_867 : vector<16xi32>, vector<16xi1> -> vector<16xi32>
      %sub3A_868 = arith.constant 1 : i32
      %sub3A_869 = vector.broadcast %sub3A_868 : i32 to vector<16xi32>
      %sub3A_870 = arith.subi %masked_cumsum3A, %sub3A_869 : vector<16xi32>
      %add3A_871 = arith.addi %scan3A_847, %sub3A_870 : vector<16xi32>
      %min3A_872 = arith.minsi %add3A_871, %broadcast_in_dim3A_486 : vector<16xi32>
      tpu.vector_store_idx %arg6[%min3A_872], %xor3A_863 masked %gt3A : memref<16448xi32, #tpu.memory_space<vmem>>[vector<16xi32>], vector<16xi32>, vector<16xi1>
      %all_reduce_population_count3A = tpu.all_reduce %gt3A {dim = 0 : i64, kind = #tpu.reduction_kind<sum>} : vector<16xi1> -> vector<16xi32>
      %add3A_873 = arith.addi %scan3A_847, %all_reduce_population_count3A : vector<16xi32>
      %mul3A_874 = arith.constant 4 : i32
      %mul3A_875 = arith.muli %scan3A_846, %mul3A_874 : i32
      %add3A_876 = arith.constant 1 : i32
      %add3A_877 = arith.addi %mul3A_875, %add3A_876 : i32
      %mul3A_878 = arith.constant 16 : i32
      %mul3A_879 = arith.muli %add3A_877, %mul3A_878 : i32
      %get3A_880 = arith.index_cast %mul3A_879 : i32 to index
      %get3A_881 = tpu.vector_load %arg4[%get3A_880] {strides = array<i32>} : memref<32768xf32, #tpu.memory_space<vmem>>, vector<16xf32>,
      %bitcast_convert_type3A_882 = tpu.bitcast %get3A_881 : vector<16xf32> -> vector<16xi32>
      %shift_right_arithmetic3A_883 = arith.constant 31 : i32
      %shift_right_arithmetic3A_884 = vector.broadcast %shift_right_arithmetic3A_883 : i32 to vector<16xi32>
      %shift_right_arithmetic3A_885 = arith.shrsi %bitcast_convert_type3A_882, %shift_right_arithmetic3A_884 : vector<16xi32>
      %and3A_886 = arith.constant 2147483647 : i32
      %and3A_887 = vector.broadcast %and3A_886 : i32 to vector<16xi32>
      %and3A_888 = arith.andi %shift_right_arithmetic3A_885, %and3A_887 : vector<16xi32>
      %xor3A_889 = arith.xori %bitcast_convert_type3A_882, %and3A_888 : vector<16xi32>
      %max3A_890 = arith.maxsi %max3A_864, %xor3A_889 : vector<16xi32>
      %gt3A_891 = arith.cmpf ogt, %get3A_881, %add3A_476 : vector<16xf32>
      %convert_element_type3A_892 = arith.extui %gt3A_891 : vector<16xi1> to vector<16xi32>
      %broadcast_in_dim3A_893 = arith.constant true
      %broadcast_in_dim3A_894 = vector.broadcast %broadcast_in_dim3A_893 : i1 to vector<16xi1>
      %masked_cumsum3A_895 = tpu.scan <sum>, %convert_element_type3A_892 masked %broadcast_in_dim3A_894 : vector<16xi32>, vector<16xi1> -> vector<16xi32>
      %sub3A_896 = arith.constant 1 : i32
      %sub3A_897 = vector.broadcast %sub3A_896 : i32 to vector<16xi32>
      %sub3A_898 = arith.subi %masked_cumsum3A_895, %sub3A_897 : vector<16xi32>
      %add3A_899 = arith.addi %add3A_873, %sub3A_898 : vector<16xi32>
      %min3A_900 = arith.minsi %add3A_899, %broadcast_in_dim3A_486 : vector<16xi32>
      tpu.vector_store_idx %arg6[%min3A_900], %xor3A_889 masked %gt3A_891 : memref<16448xi32, #tpu.memory_space<vmem>>[vector<16xi32>], vector<16xi32>, vector<16xi1>
      %all_reduce_population_count3A_901 = tpu.all_reduce %gt3A_891 {dim = 0 : i64, kind = #tpu.reduction_kind<sum>} : vector<16xi1> -> vector<16xi32>
      %add3A_902 = arith.addi %add3A_873, %all_reduce_population_count3A_901 : vector<16xi32>
      %mul3A_903 = arith.constant 4 : i32
      %mul3A_904 = arith.muli %scan3A_846, %mul3A_903 : i32
      %add3A_905 = arith.constant 2 : i32
      %add3A_906 = arith.addi %mul3A_904, %add3A_905 : i32
      %mul3A_907 = arith.constant 16 : i32
      %mul3A_908 = arith.muli %add3A_906, %mul3A_907 : i32
      %get3A_909 = arith.index_cast %mul3A_908 : i32 to index
      %get3A_910 = tpu.vector_load %arg4[%get3A_909] {strides = array<i32>} : memref<32768xf32, #tpu.memory_space<vmem>>, vector<16xf32>,
      %bitcast_convert_type3A_911 = tpu.bitcast %get3A_910 : vector<16xf32> -> vector<16xi32>
      %shift_right_arithmetic3A_912 = arith.constant 31 : i32
      %shift_right_arithmetic3A_913 = vector.broadcast %shift_right_arithmetic3A_912 : i32 to vector<16xi32>
      %shift_right_arithmetic3A_914 = arith.shrsi %bitcast_convert_type3A_911, %shift_right_arithmetic3A_913 : vector<16xi32>
      %and3A_915 = arith.constant 2147483647 : i32
      %and3A_916 = vector.broadcast %and3A_915 : i32 to vector<16xi32>
      %and3A_917 = arith.andi %shift_right_arithmetic3A_914, %and3A_916 : vector<16xi32>
      %xor3A_918 = arith.xori %bitcast_convert_type3A_911, %and3A_917 : vector<16xi32>
      %max3A_919 = arith.maxsi %max3A_890, %xor3A_918 : vector<16xi32>
      %gt3A_920 = arith.cmpf ogt, %get3A_910, %add3A_476 : vector<16xf32>
      %convert_element_type3A_921 = arith.extui %gt3A_920 : vector<16xi1> to vector<16xi32>
      %broadcast_in_dim3A_922 = arith.constant true
      %broadcast_in_dim3A_923 = vector.broadcast %broadcast_in_dim3A_922 : i1 to vector<16xi1>
      %masked_cumsum3A_924 = tpu.scan <sum>, %convert_element_type3A_921 masked %broadcast_in_dim3A_923 : vector<16xi32>, vector<16xi1> -> vector<16xi32>
      %sub3A_925 = arith.constant 1 : i32
      %sub3A_926 = vector.broadcast %sub3A_925 : i32 to vector<16xi32>
      %sub3A_927 = arith.subi %masked_cumsum3A_924, %sub3A_926 : vector<16xi32>
      %add3A_928 = arith.addi %add3A_902, %sub3A_927 : vector<16xi32>
      %min3A_929 = arith.minsi %add3A_928, %broadcast_in_dim3A_486 : vector<16xi32>
      tpu.vector_store_idx %arg6[%min3A_929], %xor3A_918 masked %gt3A_920 : memref<16448xi32, #tpu.memory_space<vmem>>[vector<16xi32>], vector<16xi32>, vector<16xi1>
      %all_reduce_population_count3A_930 = tpu.all_reduce %gt3A_920 {dim = 0 : i64, kind = #tpu.reduction_kind<sum>} : vector<16xi1> -> vector<16xi32>
      %add3A_931 = arith.addi %add3A_902, %all_reduce_population_count3A_930 : vector<16xi32>
      %mul3A_932 = arith.constant 4 : i32
      %mul3A_933 = arith.muli %scan3A_846, %mul3A_932 : i32
      %add3A_934 = arith.constant 3 : i32
      %add3A_935 = arith.addi %mul3A_933, %add3A_934 : i32
      %mul3A_936 = arith.constant 16 : i32
      %mul3A_937 = arith.muli %add3A_935, %mul3A_936 : i32
      %get3A_938 = arith.index_cast %mul3A_937 : i32 to index
      %get3A_939 = tpu.vector_load %arg4[%get3A_938] {strides = array<i32>} : memref<32768xf32, #tpu.memory_space<vmem>>, vector<16xf32>,
      %bitcast_convert_type3A_940 = tpu.bitcast %get3A_939 : vector<16xf32> -> vector<16xi32>
      %shift_right_arithmetic3A_941 = arith.constant 31 : i32
      %shift_right_arithmetic3A_942 = vector.broadcast %shift_right_arithmetic3A_941 : i32 to vector<16xi32>
      %shift_right_arithmetic3A_943 = arith.shrsi %bitcast_convert_type3A_940, %shift_right_arithmetic3A_942 : vector<16xi32>
      %and3A_944 = arith.constant 2147483647 : i32
      %and3A_945 = vector.broadcast %and3A_944 : i32 to vector<16xi32>
      %and3A_946 = arith.andi %shift_right_arithmetic3A_943, %and3A_945 : vector<16xi32>
      %xor3A_947 = arith.xori %bitcast_convert_type3A_940, %and3A_946 : vector<16xi32>
      %max3A_948 = arith.maxsi %max3A_919, %xor3A_947 : vector<16xi32>
      %gt3A_949 = arith.cmpf ogt, %get3A_939, %add3A_476 : vector<16xf32>
      %convert_element_type3A_950 = arith.extui %gt3A_949 : vector<16xi1> to vector<16xi32>
      %broadcast_in_dim3A_951 = arith.constant true
      %broadcast_in_dim3A_952 = vector.broadcast %broadcast_in_dim3A_951 : i1 to vector<16xi1>
      %masked_cumsum3A_953 = tpu.scan <sum>, %convert_element_type3A_950 masked %broadcast_in_dim3A_952 : vector<16xi32>, vector<16xi1> -> vector<16xi32>
      %sub3A_954 = arith.constant 1 : i32
      %sub3A_955 = vector.broadcast %sub3A_954 : i32 to vector<16xi32>
      %sub3A_956 = arith.subi %masked_cumsum3A_953, %sub3A_955 : vector<16xi32>
      %add3A_957 = arith.addi %add3A_931, %sub3A_956 : vector<16xi32>
      %min3A_958 = arith.minsi %add3A_957, %broadcast_in_dim3A_486 : vector<16xi32>
      tpu.vector_store_idx %arg6[%min3A_958], %xor3A_947 masked %gt3A_949 : memref<16448xi32, #tpu.memory_space<vmem>>[vector<16xi32>], vector<16xi32>, vector<16xi1>
      %all_reduce_population_count3A_959 = tpu.all_reduce %gt3A_949 {dim = 0 : i64, kind = #tpu.reduction_kind<sum>} : vector<16xi1> -> vector<16xi32>
      %add3A_960 = arith.addi %add3A_931, %all_reduce_population_count3A_959 : vector<16xi32>
      scf.yield %add3A_960, %max3A_948 : vector<16xi32>, vector<16xi32>
    }
    %scan3A_496 = arith.constant 512 : i32
    %reduce_max3A_497 = arith.constant true
    %reduce_max3A_498 = vector.broadcast %reduce_max3A_497 : i1 to vector<16xi1>
    %reduce_max3A_499 = arith.constant -2147483648 : i32
    %reduce_max3A_500 = vector.broadcast %reduce_max3A_499 : i32 to vector<16xi32>
    %reduce_max3A_501 = arith.xori %scan3A_495#0, %reduce_max3A_500 : vector<16xi32>
    %reduce_max3A_502 = tpu.scan <max>, %reduce_max3A_501 masked %reduce_max3A_498 : vector<16xi32>, vector<16xi1> -> vector<16xi32>
    %reduce_max3A_503 = arith.xori %reduce_max3A_502, %reduce_max3A_500 : vector<16xi32>
    %reduce_max3A_504 = vector.extract %reduce_max3A_503[15] : i32 from vector<16xi32>
    %reduce_max3A_505 = arith.constant true
    %reduce_max3A_506 = vector.broadcast %reduce_max3A_505 : i1 to vector<16xi1>
    %reduce_max3A_507 = arith.constant -2147483648 : i32
    %reduce_max3A_508 = vector.broadcast %reduce_max3A_507 : i32 to vector<16xi32>
    %reduce_max3A_509 = arith.xori %scan3A_495#1, %reduce_max3A_508 : vector<16xi32>
    %reduce_max3A_510 = tpu.scan <max>, %reduce_max3A_509 masked %reduce_max3A_506 : vector<16xi32>, vector<16xi1> -> vector<16xi32>
    %reduce_max3A_511 = arith.xori %reduce_max3A_510, %reduce_max3A_508 : vector<16xi32>
    %reduce_max3A_512 = vector.extract %reduce_max3A_511[15] : i32 from vector<16xi32>
    %broadcast_in_dim3A_513 = vector.broadcast %reduce_max3A_512 : i32 to vector<16xi32>
    %ge3A_514 = arith.constant 256 : i32
    %ge3A_515 = arith.cmpi sge, %reduce_max3A_504, %ge3A_514 : i32
    %le3A_516 = arith.constant 4096 : i32
    %le3A_517 = arith.cmpi sle, %reduce_max3A_504, %le3A_516 : i32
    %and3A_518 = arith.andi %ge3A_515, %le3A_517 : i1
    %broadcast_in_dim3A_519 = arith.constant -2147483648 : i32
    %broadcast_in_dim3A_520 = vector.broadcast %broadcast_in_dim3A_519 : i32 to vector<16xi32>
    %min3A_521 = arith.constant 4096 : i32
    %min3A_522 = arith.minsi %reduce_max3A_504, %min3A_521 : i32
    %add3A_523 = arith.constant 0 : i32
    %add3A_524 = arith.addi %min3A_522, %add3A_523 : i32
    %lt3A_525 = arith.constant 0 : i32
    %lt3A_526 = vector.broadcast %lt3A_525 : i32 to vector<16xi32>
    %lt3A_527 = arith.cmpi slt, %broadcast_in_dim3A_520, %lt3A_526 : vector<16xi32>
    %swap3A_528 = arith.index_cast %add3A_524 : i32 to index
    %swap3A_529 = tpu.vector_load %arg6[%swap3A_528] masked %lt3A_527 {strides = array<i32>} : memref<16448xi32, #tpu.memory_space<vmem>>, vector<16xi32>, vector<16xi1>
    tpu.vector_store %arg6[%swap3A_528], %broadcast_in_dim3A_520 masked %lt3A_527 {strides = array<i32>} : memref<16448xi32, #tpu.memory_space<vmem>>, vector<16xi32>, vector<16xi1>
    %add3A_530 = arith.constant 16 : i32
    %add3A_531 = arith.addi %min3A_522, %add3A_530 : i32
    %lt3A_532 = arith.constant 0 : i32
    %lt3A_533 = vector.broadcast %lt3A_532 : i32 to vector<16xi32>
    %lt3A_534 = arith.cmpi slt, %broadcast_in_dim3A_520, %lt3A_533 : vector<16xi32>
    %swap3A_535 = arith.index_cast %add3A_531 : i32 to index
    %swap3A_536 = tpu.vector_load %arg6[%swap3A_535] masked %lt3A_534 {strides = array<i32>} : memref<16448xi32, #tpu.memory_space<vmem>>, vector<16xi32>, vector<16xi1>
    tpu.vector_store %arg6[%swap3A_535], %broadcast_in_dim3A_520 masked %lt3A_534 {strides = array<i32>} : memref<16448xi32, #tpu.memory_space<vmem>>, vector<16xi32>, vector<16xi1>
    %add3A_537 = arith.constant 32 : i32
    %add3A_538 = arith.addi %min3A_522, %add3A_537 : i32
    %lt3A_539 = arith.constant 0 : i32
    %lt3A_540 = vector.broadcast %lt3A_539 : i32 to vector<16xi32>
    %lt3A_541 = arith.cmpi slt, %broadcast_in_dim3A_520, %lt3A_540 : vector<16xi32>
    %swap3A_542 = arith.index_cast %add3A_538 : i32 to index
    %swap3A_543 = tpu.vector_load %arg6[%swap3A_542] masked %lt3A_541 {strides = array<i32>} : memref<16448xi32, #tpu.memory_space<vmem>>, vector<16xi32>, vector<16xi1>
    tpu.vector_store %arg6[%swap3A_542], %broadcast_in_dim3A_520 masked %lt3A_541 {strides = array<i32>} : memref<16448xi32, #tpu.memory_space<vmem>>, vector<16xi32>, vector<16xi1>
    %add3A_544 = arith.constant 48 : i32
    %add3A_545 = arith.addi %min3A_522, %add3A_544 : i32
    %lt3A_546 = arith.constant 0 : i32
    %lt3A_547 = vector.broadcast %lt3A_546 : i32 to vector<16xi32>
    %lt3A_548 = arith.cmpi slt, %broadcast_in_dim3A_520, %lt3A_547 : vector<16xi32>
    %swap3A_549 = arith.index_cast %add3A_545 : i32 to index
    %swap3A_550 = tpu.vector_load %arg6[%swap3A_549] masked %lt3A_548 {strides = array<i32>} : memref<16448xi32, #tpu.memory_space<vmem>>, vector<16xi32>, vector<16xi1>
    tpu.vector_store %arg6[%swap3A_549], %broadcast_in_dim3A_520 masked %lt3A_548 {strides = array<i32>} : memref<16448xi32, #tpu.memory_space<vmem>>, vector<16xi32>, vector<16xi1>
    %add3A_551 = arith.constant 63 : i32
    %add3A_552 = arith.addi %min3A_522, %add3A_551 : i32
    %shift_right_arithmetic3A_553 = arith.constant 6 : i32
    %shift_right_arithmetic3A_554 = arith.shrsi %add3A_552, %shift_right_arithmetic3A_553 : i32
    %scan3A_555 = arith.constant 0 : i32
    %scan3A_556 = arith.constant 27 : i32
    %scan3A_557 = arith.addi %scan3A_555, %scan3A_556 : i32
    %scan3A_558 = arith.constant 1 : i32
    %scan3A_559:2 = scf.for %scan3A_846 = %scan3A_555 to %scan3A_557 step %scan3A_558 iter_args(%scan3A_847 = %xor3A_484, %scan3A_848 = %broadcast_in_dim3A_513) -> (vector<16xi32>, vector<16xi32>)  : i32 {
      %shift_right_arithmetic3A_849 = arith.constant 1 : i32
      %shift_right_arithmetic3A_850 = vector.broadcast %shift_right_arithmetic3A_849 : i32 to vector<16xi32>
      %shift_right_arithmetic3A_851 = arith.shrsi %scan3A_847, %shift_right_arithmetic3A_850 : vector<16xi32>
      %shift_right_arithmetic3A_852 = arith.constant 1 : i32
      %shift_right_arithmetic3A_853 = vector.broadcast %shift_right_arithmetic3A_852 : i32 to vector<16xi32>
      %shift_right_arithmetic3A_854 = arith.shrsi %scan3A_848, %shift_right_arithmetic3A_853 : vector<16xi32>
      %add3A_855 = arith.addi %shift_right_arithmetic3A_851, %shift_right_arithmetic3A_854 : vector<16xi32>
      %and3A_856 = arith.andi %scan3A_847, %scan3A_848 : vector<16xi32>
      %and3A_857 = arith.constant 1 : i32
      %and3A_858 = vector.broadcast %and3A_857 : i32 to vector<16xi32>
      %and3A_859 = arith.andi %and3A_856, %and3A_858 : vector<16xi32>
      %add3A_860 = arith.addi %add3A_855, %and3A_859 : vector<16xi32>
      %while3A_861 = arith.constant 0 : i32
      %while3A_862 = arith.subi %shift_right_arithmetic3A_554, %while3A_861 : i32
      %while3A_863 = arith.addi %while3A_861, %while3A_862 : i32
      %while3A_864 = arith.constant 1 : i32
      %while3A_865 = arith.divsi %while3A_862, %while3A_864 : i32
      %while3A_866 = arith.muli %while3A_865, %while3A_864 : i32
      %while3A_867 = arith.addi %while3A_861, %while3A_866 : i32
      %while3A_868 = arith.constant 1 : i32
      %while3A_869 = scf.for %while3A_884 = %while3A_861 to %while3A_867 step %while3A_868 iter_args(%while3A_885 = %broadcast_in_dim3A_3) -> (vector<16xi32>)  : i32 {
        %mul3A_886 = arith.constant 64 : i32
        %mul3A_887 = arith.muli %while3A_884, %mul3A_886 : i32
        %add3A_888 = arith.constant 0 : i32
        %add3A_889 = arith.addi %mul3A_887, %add3A_888 : i32
        %get3A = arith.index_cast %add3A_889 : i32 to index
        %get3A_890 = tpu.vector_load %arg6[%get3A] {strides = array<i32>} : memref<16448xi32, #tpu.memory_space<vmem>>, vector<16xi32>,
        %gt3A = arith.cmpi sgt, %get3A_890, %add3A_860 : vector<16xi32>
        %convert_element_type3A_891 = arith.extui %gt3A : vector<16xi1> to vector<16xi32>
        %add3A_892 = arith.addi %while3A_885, %convert_element_type3A_891 : vector<16xi32>
        %mul3A_893 = arith.constant 64 : i32
        %mul3A_894 = arith.muli %while3A_884, %mul3A_893 : i32
        %add3A_895 = arith.constant 16 : i32
        %add3A_896 = arith.addi %mul3A_894, %add3A_895 : i32
        %get3A_897 = arith.index_cast %add3A_896 : i32 to index
        %get3A_898 = tpu.vector_load %arg6[%get3A_897] {strides = array<i32>} : memref<16448xi32, #tpu.memory_space<vmem>>, vector<16xi32>,
        %gt3A_899 = arith.cmpi sgt, %get3A_898, %add3A_860 : vector<16xi32>
        %convert_element_type3A_900 = arith.extui %gt3A_899 : vector<16xi1> to vector<16xi32>
        %add3A_901 = arith.addi %add3A_892, %convert_element_type3A_900 : vector<16xi32>
        %mul3A_902 = arith.constant 64 : i32
        %mul3A_903 = arith.muli %while3A_884, %mul3A_902 : i32
        %add3A_904 = arith.constant 32 : i32
        %add3A_905 = arith.addi %mul3A_903, %add3A_904 : i32
        %get3A_906 = arith.index_cast %add3A_905 : i32 to index
        %get3A_907 = tpu.vector_load %arg6[%get3A_906] {strides = array<i32>} : memref<16448xi32, #tpu.memory_space<vmem>>, vector<16xi32>,
        %gt3A_908 = arith.cmpi sgt, %get3A_907, %add3A_860 : vector<16xi32>
        %convert_element_type3A_909 = arith.extui %gt3A_908 : vector<16xi1> to vector<16xi32>
        %add3A_910 = arith.addi %add3A_901, %convert_element_type3A_909 : vector<16xi32>
        %mul3A_911 = arith.constant 64 : i32
        %mul3A_912 = arith.muli %while3A_884, %mul3A_911 : i32
        %add3A_913 = arith.constant 48 : i32
        %add3A_914 = arith.addi %mul3A_912, %add3A_913 : i32
        %get3A_915 = arith.index_cast %add3A_914 : i32 to index
        %get3A_916 = tpu.vector_load %arg6[%get3A_915] {strides = array<i32>} : memref<16448xi32, #tpu.memory_space<vmem>>, vector<16xi32>,
        %gt3A_917 = arith.cmpi sgt, %get3A_916, %add3A_860 : vector<16xi32>
        %convert_element_type3A_918 = arith.extui %gt3A_917 : vector<16xi1> to vector<16xi32>
        %add3A_919 = arith.addi %add3A_910, %convert_element_type3A_918 : vector<16xi32>
        scf.yield %add3A_919 : vector<16xi32>
      }
      %while3A_870 = arith.constant 1 : i32
      %while3A_871 = scf.for %while3A_884 = %while3A_867 to %while3A_863 step %while3A_870 iter_args(%while3A_885 = %while3A_869) -> (vector<16xi32>)  : i32 {
        %mul3A_886 = arith.constant 64 : i32
        %mul3A_887 = arith.muli %while3A_884, %mul3A_886 : i32
        %add3A_888 = arith.constant 0 : i32
        %add3A_889 = arith.addi %mul3A_887, %add3A_888 : i32
        %get3A = arith.index_cast %add3A_889 : i32 to index
        %get3A_890 = tpu.vector_load %arg6[%get3A] {strides = array<i32>} : memref<16448xi32, #tpu.memory_space<vmem>>, vector<16xi32>,
        %gt3A = arith.cmpi sgt, %get3A_890, %add3A_860 : vector<16xi32>
        %convert_element_type3A_891 = arith.extui %gt3A : vector<16xi1> to vector<16xi32>
        %add3A_892 = arith.addi %while3A_885, %convert_element_type3A_891 : vector<16xi32>
        %mul3A_893 = arith.constant 64 : i32
        %mul3A_894 = arith.muli %while3A_884, %mul3A_893 : i32
        %add3A_895 = arith.constant 16 : i32
        %add3A_896 = arith.addi %mul3A_894, %add3A_895 : i32
        %get3A_897 = arith.index_cast %add3A_896 : i32 to index
        %get3A_898 = tpu.vector_load %arg6[%get3A_897] {strides = array<i32>} : memref<16448xi32, #tpu.memory_space<vmem>>, vector<16xi32>,
        %gt3A_899 = arith.cmpi sgt, %get3A_898, %add3A_860 : vector<16xi32>
        %convert_element_type3A_900 = arith.extui %gt3A_899 : vector<16xi1> to vector<16xi32>
        %add3A_901 = arith.addi %add3A_892, %convert_element_type3A_900 : vector<16xi32>
        %mul3A_902 = arith.constant 64 : i32
        %mul3A_903 = arith.muli %while3A_884, %mul3A_902 : i32
        %add3A_904 = arith.constant 32 : i32
        %add3A_905 = arith.addi %mul3A_903, %add3A_904 : i32
        %get3A_906 = arith.index_cast %add3A_905 : i32 to index
        %get3A_907 = tpu.vector_load %arg6[%get3A_906] {strides = array<i32>} : memref<16448xi32, #tpu.memory_space<vmem>>, vector<16xi32>,
        %gt3A_908 = arith.cmpi sgt, %get3A_907, %add3A_860 : vector<16xi32>
        %convert_element_type3A_909 = arith.extui %gt3A_908 : vector<16xi1> to vector<16xi32>
        %add3A_910 = arith.addi %add3A_901, %convert_element_type3A_909 : vector<16xi32>
        %mul3A_911 = arith.constant 64 : i32
        %mul3A_912 = arith.muli %while3A_884, %mul3A_911 : i32
        %add3A_913 = arith.constant 48 : i32
        %add3A_914 = arith.addi %mul3A_912, %add3A_913 : i32
        %get3A_915 = arith.index_cast %add3A_914 : i32 to index
        %get3A_916 = tpu.vector_load %arg6[%get3A_915] {strides = array<i32>} : memref<16448xi32, #tpu.memory_space<vmem>>, vector<16xi32>,
        %gt3A_917 = arith.cmpi sgt, %get3A_916, %add3A_860 : vector<16xi32>
        %convert_element_type3A_918 = arith.extui %gt3A_917 : vector<16xi1> to vector<16xi32>
        %add3A_919 = arith.addi %add3A_910, %convert_element_type3A_918 : vector<16xi32>
        scf.yield %add3A_919 : vector<16xi32>
      }
      %reduce_sum3A_872 = arith.constant true
      %reduce_sum3A_873 = vector.broadcast %reduce_sum3A_872 : i1 to vector<16xi1>
      %reduce_sum3A_874 = tpu.scan <sum>, %while3A_871 masked %reduce_sum3A_873 : vector<16xi32>, vector<16xi1> -> vector<16xi32>
      %reduce_sum3A_875 = vector.extract %reduce_sum3A_874[15] : i32 from vector<16xi32>
      %ge3A_876 = arith.constant 256 : i32
      %ge3A_877 = arith.cmpi sge, %reduce_sum3A_875, %ge3A_876 : i32
      %broadcast_in_dim3A_878 = vector.broadcast %ge3A_877 : i1 to vector<16xi1>
      %add3A_879 = arith.constant 1 : i32
      %add3A_880 = vector.broadcast %add3A_879 : i32 to vector<16xi32>
      %add3A_881 = arith.addi %add3A_860, %add3A_880 : vector<16xi32>
      %select_n3A_882 = arith.select %broadcast_in_dim3A_878, %add3A_881, %scan3A_847 : vector<16xi1>, vector<16xi32>
      %select_n3A_883 = arith.select %broadcast_in_dim3A_878, %scan3A_848, %add3A_860 : vector<16xi1>, vector<16xi32>
      scf.yield %select_n3A_882, %select_n3A_883 : vector<16xi32>, vector<16xi32>
    }
    %scan3A_560 = arith.constant 27 : i32
    %eq3A_561 = arith.cmpi eq, %scan3A_559#0, %scan3A_559#1 : vector<16xi32>
    %reduce_and3A_562 = arith.constant 1.000000e+00 : f32
    %reduce_and3A_563 = arith.constant 0.000000e+00 : f32
    %reduce_and3A_564 = vector.broadcast %reduce_and3A_562 : f32 to vector<16xf32>
    %reduce_and3A_565 = vector.broadcast %reduce_and3A_563 : f32 to vector<16xf32>
    %reduce_and3A_566 = arith.select %eq3A_561, %reduce_and3A_564, %reduce_and3A_565 : vector<16xi1>, vector<16xf32>
    %reduce_and3A_567 = arith.constant true
    %reduce_and3A_568 = vector.broadcast %reduce_and3A_567 : i1 to vector<16xi1>
    %reduce_and3A_569 = tpu.scan <min>, %reduce_and3A_566 masked %reduce_and3A_568 : vector<16xf32>, vector<16xi1> -> vector<16xf32>
    %reduce_and3A_570 = vector.extract %reduce_and3A_569[15] : f32 from vector<16xf32>
    %reduce_and3A_571 = arith.constant 0.000000e+00 : f32
    %reduce_and3A_572 = arith.cmpf ogt, %reduce_and3A_570, %reduce_and3A_571 : f32
    %and3A_573 = arith.andi %and3A_518, %reduce_and3A_572 : i1
    %while3A_574 = arith.constant 0 : i32
    %while3A_575 = arith.subi %shift_right_arithmetic3A_554, %while3A_574 : i32
    %while3A_576 = arith.addi %while3A_574, %while3A_575 : i32
    %while3A_577 = arith.constant 1 : i32
    %while3A_578 = arith.divsi %while3A_575, %while3A_577 : i32
    %while3A_579 = arith.muli %while3A_578, %while3A_577 : i32
    %while3A_580 = arith.addi %while3A_574, %while3A_579 : i32
    %while3A_581 = arith.constant 1 : i32
    %while3A_582:2 = scf.for %while3A_846 = %while3A_574 to %while3A_580 step %while3A_581 iter_args(%while3A_847 = %broadcast_in_dim3A_3, %while3A_848 = %broadcast_in_dim3A_3) -> (vector<16xi32>, vector<16xi32>)  : i32 {
      %mul3A_849 = arith.constant 64 : i32
      %mul3A_850 = arith.muli %while3A_846, %mul3A_849 : i32
      %add3A_851 = arith.constant 0 : i32
      %add3A_852 = arith.addi %mul3A_850, %add3A_851 : i32
      %get3A = arith.index_cast %add3A_852 : i32 to index
      %get3A_853 = tpu.vector_load %arg6[%get3A] {strides = array<i32>} : memref<16448xi32, #tpu.memory_space<vmem>>, vector<16xi32>,
      %gt3A = arith.cmpi sgt, %get3A_853, %scan3A_559#0 : vector<16xi32>
      %convert_element_type3A_854 = arith.extui %gt3A : vector<16xi1> to vector<16xi32>
      %add3A_855 = arith.addi %while3A_847, %convert_element_type3A_854 : vector<16xi32>
      %eq3A_856 = arith.cmpi eq, %get3A_853, %scan3A_559#0 : vector<16xi32>
      %convert_element_type3A_857 = arith.extui %eq3A_856 : vector<16xi1> to vector<16xi32>
      %add3A_858 = arith.addi %while3A_848, %convert_element_type3A_857 : vector<16xi32>
      %mul3A_859 = arith.constant 64 : i32
      %mul3A_860 = arith.muli %while3A_846, %mul3A_859 : i32
      %add3A_861 = arith.constant 16 : i32
      %add3A_862 = arith.addi %mul3A_860, %add3A_861 : i32
      %get3A_863 = arith.index_cast %add3A_862 : i32 to index
      %get3A_864 = tpu.vector_load %arg6[%get3A_863] {strides = array<i32>} : memref<16448xi32, #tpu.memory_space<vmem>>, vector<16xi32>,
      %gt3A_865 = arith.cmpi sgt, %get3A_864, %scan3A_559#0 : vector<16xi32>
      %convert_element_type3A_866 = arith.extui %gt3A_865 : vector<16xi1> to vector<16xi32>
      %add3A_867 = arith.addi %add3A_855, %convert_element_type3A_866 : vector<16xi32>
      %eq3A_868 = arith.cmpi eq, %get3A_864, %scan3A_559#0 : vector<16xi32>
      %convert_element_type3A_869 = arith.extui %eq3A_868 : vector<16xi1> to vector<16xi32>
      %add3A_870 = arith.addi %add3A_858, %convert_element_type3A_869 : vector<16xi32>
      %mul3A_871 = arith.constant 64 : i32
      %mul3A_872 = arith.muli %while3A_846, %mul3A_871 : i32
      %add3A_873 = arith.constant 32 : i32
      %add3A_874 = arith.addi %mul3A_872, %add3A_873 : i32
      %get3A_875 = arith.index_cast %add3A_874 : i32 to index
      %get3A_876 = tpu.vector_load %arg6[%get3A_875] {strides = array<i32>} : memref<16448xi32, #tpu.memory_space<vmem>>, vector<16xi32>,
      %gt3A_877 = arith.cmpi sgt, %get3A_876, %scan3A_559#0 : vector<16xi32>
      %convert_element_type3A_878 = arith.extui %gt3A_877 : vector<16xi1> to vector<16xi32>
      %add3A_879 = arith.addi %add3A_867, %convert_element_type3A_878 : vector<16xi32>
      %eq3A_880 = arith.cmpi eq, %get3A_876, %scan3A_559#0 : vector<16xi32>
      %convert_element_type3A_881 = arith.extui %eq3A_880 : vector<16xi1> to vector<16xi32>
      %add3A_882 = arith.addi %add3A_870, %convert_element_type3A_881 : vector<16xi32>
      %mul3A_883 = arith.constant 64 : i32
      %mul3A_884 = arith.muli %while3A_846, %mul3A_883 : i32
      %add3A_885 = arith.constant 48 : i32
      %add3A_886 = arith.addi %mul3A_884, %add3A_885 : i32
      %get3A_887 = arith.index_cast %add3A_886 : i32 to index
      %get3A_888 = tpu.vector_load %arg6[%get3A_887] {strides = array<i32>} : memref<16448xi32, #tpu.memory_space<vmem>>, vector<16xi32>,
      %gt3A_889 = arith.cmpi sgt, %get3A_888, %scan3A_559#0 : vector<16xi32>
      %convert_element_type3A_890 = arith.extui %gt3A_889 : vector<16xi1> to vector<16xi32>
      %add3A_891 = arith.addi %add3A_879, %convert_element_type3A_890 : vector<16xi32>
      %eq3A_892 = arith.cmpi eq, %get3A_888, %scan3A_559#0 : vector<16xi32>
      %convert_element_type3A_893 = arith.extui %eq3A_892 : vector<16xi1> to vector<16xi32>
      %add3A_894 = arith.addi %add3A_882, %convert_element_type3A_893 : vector<16xi32>
      scf.yield %add3A_891, %add3A_894 : vector<16xi32>, vector<16xi32>
    }
    %while3A_583 = arith.constant 1 : i32
    %while3A_584:2 = scf.for %while3A_846 = %while3A_580 to %while3A_576 step %while3A_583 iter_args(%while3A_847 = %while3A_582#0, %while3A_848 = %while3A_582#1) -> (vector<16xi32>, vector<16xi32>)  : i32 {
      %mul3A_849 = arith.constant 64 : i32
      %mul3A_850 = arith.muli %while3A_846, %mul3A_849 : i32
      %add3A_851 = arith.constant 0 : i32
      %add3A_852 = arith.addi %mul3A_850, %add3A_851 : i32
      %get3A = arith.index_cast %add3A_852 : i32 to index
      %get3A_853 = tpu.vector_load %arg6[%get3A] {strides = array<i32>} : memref<16448xi32, #tpu.memory_space<vmem>>, vector<16xi32>,
      %gt3A = arith.cmpi sgt, %get3A_853, %scan3A_559#0 : vector<16xi32>
      %convert_element_type3A_854 = arith.extui %gt3A : vector<16xi1> to vector<16xi32>
      %add3A_855 = arith.addi %while3A_847, %convert_element_type3A_854 : vector<16xi32>
      %eq3A_856 = arith.cmpi eq, %get3A_853, %scan3A_559#0 : vector<16xi32>
      %convert_element_type3A_857 = arith.extui %eq3A_856 : vector<16xi1> to vector<16xi32>
      %add3A_858 = arith.addi %while3A_848, %convert_element_type3A_857 : vector<16xi32>
      %mul3A_859 = arith.constant 64 : i32
      %mul3A_860 = arith.muli %while3A_846, %mul3A_859 : i32
      %add3A_861 = arith.constant 16 : i32
      %add3A_862 = arith.addi %mul3A_860, %add3A_861 : i32
      %get3A_863 = arith.index_cast %add3A_862 : i32 to index
      %get3A_864 = tpu.vector_load %arg6[%get3A_863] {strides = array<i32>} : memref<16448xi32, #tpu.memory_space<vmem>>, vector<16xi32>,
      %gt3A_865 = arith.cmpi sgt, %get3A_864, %scan3A_559#0 : vector<16xi32>
      %convert_element_type3A_866 = arith.extui %gt3A_865 : vector<16xi1> to vector<16xi32>
      %add3A_867 = arith.addi %add3A_855, %convert_element_type3A_866 : vector<16xi32>
      %eq3A_868 = arith.cmpi eq, %get3A_864, %scan3A_559#0 : vector<16xi32>
      %convert_element_type3A_869 = arith.extui %eq3A_868 : vector<16xi1> to vector<16xi32>
      %add3A_870 = arith.addi %add3A_858, %convert_element_type3A_869 : vector<16xi32>
      %mul3A_871 = arith.constant 64 : i32
      %mul3A_872 = arith.muli %while3A_846, %mul3A_871 : i32
      %add3A_873 = arith.constant 32 : i32
      %add3A_874 = arith.addi %mul3A_872, %add3A_873 : i32
      %get3A_875 = arith.index_cast %add3A_874 : i32 to index
      %get3A_876 = tpu.vector_load %arg6[%get3A_875] {strides = array<i32>} : memref<16448xi32, #tpu.memory_space<vmem>>, vector<16xi32>,
      %gt3A_877 = arith.cmpi sgt, %get3A_876, %scan3A_559#0 : vector<16xi32>
      %convert_element_type3A_878 = arith.extui %gt3A_877 : vector<16xi1> to vector<16xi32>
      %add3A_879 = arith.addi %add3A_867, %convert_element_type3A_878 : vector<16xi32>
      %eq3A_880 = arith.cmpi eq, %get3A_876, %scan3A_559#0 : vector<16xi32>
      %convert_element_type3A_881 = arith.extui %eq3A_880 : vector<16xi1> to vector<16xi32>
      %add3A_882 = arith.addi %add3A_870, %convert_element_type3A_881 : vector<16xi32>
      %mul3A_883 = arith.constant 64 : i32
      %mul3A_884 = arith.muli %while3A_846, %mul3A_883 : i32
      %add3A_885 = arith.constant 48 : i32
      %add3A_886 = arith.addi %mul3A_884, %add3A_885 : i32
      %get3A_887 = arith.index_cast %add3A_886 : i32 to index
      %get3A_888 = tpu.vector_load %arg6[%get3A_887] {strides = array<i32>} : memref<16448xi32, #tpu.memory_space<vmem>>, vector<16xi32>,
      %gt3A_889 = arith.cmpi sgt, %get3A_888, %scan3A_559#0 : vector<16xi32>
      %convert_element_type3A_890 = arith.extui %gt3A_889 : vector<16xi1> to vector<16xi32>
      %add3A_891 = arith.addi %add3A_879, %convert_element_type3A_890 : vector<16xi32>
      %eq3A_892 = arith.cmpi eq, %get3A_888, %scan3A_559#0 : vector<16xi32>
      %convert_element_type3A_893 = arith.extui %eq3A_892 : vector<16xi1> to vector<16xi32>
      %add3A_894 = arith.addi %add3A_882, %convert_element_type3A_893 : vector<16xi32>
      scf.yield %add3A_891, %add3A_894 : vector<16xi32>, vector<16xi32>
    }
    %reduce_sum3A_585 = arith.constant true
    %reduce_sum3A_586 = vector.broadcast %reduce_sum3A_585 : i1 to vector<16xi1>
    %reduce_sum3A_587 = tpu.scan <sum>, %while3A_584#0 masked %reduce_sum3A_586 : vector<16xi32>, vector<16xi1> -> vector<16xi32>
    %reduce_sum3A_588 = vector.extract %reduce_sum3A_587[15] : i32 from vector<16xi32>
    %reduce_sum3A_589 = arith.constant true
    %reduce_sum3A_590 = vector.broadcast %reduce_sum3A_589 : i1 to vector<16xi1>
    %reduce_sum3A_591 = tpu.scan <sum>, %while3A_584#1 masked %reduce_sum3A_590 : vector<16xi32>, vector<16xi1> -> vector<16xi32>
    %reduce_sum3A_592 = vector.extract %reduce_sum3A_591[15] : i32 from vector<16xi32>
    %sub3A_593 = arith.constant 256 : i32
    %sub3A_594 = arith.subi %sub3A_593, %reduce_sum3A_588 : i32
    %lt3A_595 = arith.constant 0 : i32
    %lt3A_596 = vector.broadcast %lt3A_595 : i32 to vector<16xi32>
    %lt3A_597 = arith.cmpi slt, %scan3A_559#0, %lt3A_596 : vector<16xi32>
    %xor3A_598 = arith.constant 2147483647 : i32
    %xor3A_599 = vector.broadcast %xor3A_598 : i32 to vector<16xi32>
    %xor3A_600 = arith.xori %scan3A_559#0, %xor3A_599 : vector<16xi32>
    %select_n3A_601 = arith.select %lt3A_597, %xor3A_600, %scan3A_559#0 : vector<16xi1>, vector<16xi32>
    %bitcast_convert_type3A_602 = tpu.bitcast %select_n3A_601 : vector<16xi32> -> vector<16xf32>
    %eq3A_603 = arith.constant 0 : i32
    %eq3A_604 = vector.broadcast %eq3A_603 : i32 to vector<16xi32>
    %eq3A_605 = arith.cmpi eq, %iota3A, %eq3A_604 : vector<16xi32>
    %jit3A_606 = arith.constant 0.000000e+00 : f32
    %broadcast_in_dim3A_607 = vector.broadcast %jit3A_606 : f32 to vector<16xf32>
    %select_n3A_608 = arith.select %eq3A_605, %bitcast_convert_type3A_602, %broadcast_in_dim3A_607 : vector<16xi1>, vector<16xf32>
    %eq3A_609 = arith.constant 1 : i32
    %eq3A_610 = vector.broadcast %eq3A_609 : i32 to vector<16xi32>
    %eq3A_611 = arith.cmpi eq, %iota3A, %eq3A_610 : vector<16xi32>
    %convert_element_type3A_612 = arith.sitofp %sub3A_594 : i32 to f32
    %broadcast_in_dim3A_613 = vector.broadcast %convert_element_type3A_612 : f32 to vector<16xf32>
    %select_n3A_614 = arith.select %eq3A_611, %broadcast_in_dim3A_613, %select_n3A_608 : vector<16xi1>, vector<16xf32>
    %eq3A_615 = arith.constant 2 : i32
    %eq3A_616 = vector.broadcast %eq3A_615 : i32 to vector<16xi32>
    %eq3A_617 = arith.cmpi eq, %iota3A, %eq3A_616 : vector<16xi32>
    %jit3A_618 = arith.constant 1.000000e+00 : f32
    %jit3A_619 = arith.constant 0.000000e+00 : f32
    %select_n3A_620 = arith.select %and3A_573, %jit3A_618, %jit3A_619 : f32
    %broadcast_in_dim3A_621 = vector.broadcast %select_n3A_620 : f32 to vector<16xf32>
    %select_n3A_622 = arith.select %eq3A_617, %broadcast_in_dim3A_621, %select_n3A_614 : vector<16xi1>, vector<16xf32>
    %eq3A_623 = arith.constant 3 : i32
    %eq3A_624 = vector.broadcast %eq3A_623 : i32 to vector<16xi32>
    %eq3A_625 = arith.cmpi eq, %iota3A, %eq3A_624 : vector<16xi32>
    %convert_element_type3A_626 = arith.sitofp %reduce_sum3A_592 : i32 to f32
    %broadcast_in_dim3A_627 = vector.broadcast %convert_element_type3A_626 : f32 to vector<16xf32>
    %select_n3A_628 = arith.select %eq3A_625, %broadcast_in_dim3A_627, %select_n3A_622 : vector<16xi1>, vector<16xf32>
    %swap3A_629 = arith.constant 2 : i32
    %swap3A_630 = arith.index_cast %swap3A_629 : i32 to index
    %swap3A_631 = arith.constant 0 : index
    %swap3A_632 = tpu.vector_load %arg7[%swap3A_630, %swap3A_631] {strides = array<i32>} : memref<4x16xf32, #tpu.memory_space<vmem>>, vector<16xf32>,
    tpu.vector_store %arg7[%swap3A_630, %swap3A_631], %select_n3A_628 {strides = array<i32>} : memref<4x16xf32, #tpu.memory_space<vmem>>, vector<16xf32>,
    %dma_wait3A_633 = arith.constant 0 : i32
    %dma_wait3A_634 = tpu.memref_slice %arg2[%add3A_427, %dma_wait3A_633] : memref<128x32768xf32, #tpu.memory_space<hbm>> -> memref<1x32768xf32, #tpu.memory_space<hbm>>
    %dma_wait3A_635 = tpu.memref_squeeze %dma_wait3A_634 : memref<1x32768xf32, #tpu.memory_space<hbm>> -> memref<32768xf32, #tpu.memory_space<hbm>>
    %dma_wait3A_636 = arith.constant 0 : i32
    %dma_wait3A_637 = tpu.memref_slice %arg2[%add3A_427, %dma_wait3A_636] : memref<128x32768xf32, #tpu.memory_space<hbm>> -> memref<1x32768xf32, #tpu.memory_space<hbm>>
    %dma_wait3A_638 = tpu.memref_squeeze %dma_wait3A_637 : memref<1x32768xf32, #tpu.memory_space<hbm>> -> memref<32768xf32, #tpu.memory_space<hbm>>
    tpu.wait_dma2 semaphore(%arg9 : memref<!tpu.dma_semaphore, #tpu.memory_space<semaphore_mem>>) src(%dma_wait3A_638 : memref<32768xf32, #tpu.memory_space<hbm>>) dst(%arg5 : memref<32768xf32, #tpu.memory_space<vmem>>)
    %broadcast_in_dim3A_639 = arith.constant 0.000000e+00 : f32
    %broadcast_in_dim3A_640 = vector.broadcast %broadcast_in_dim3A_639 : f32 to vector<16xf32>
    %broadcast_in_dim3A_641 = arith.constant 0.000000e+00 : f32
    %broadcast_in_dim3A_642 = vector.broadcast %broadcast_in_dim3A_641 : f32 to vector<16xf32>
    %scan3A_643 = arith.constant 0 : i32
    %scan3A_644 = arith.constant 64 : i32
    %scan3A_645 = arith.addi %scan3A_643, %scan3A_644 : i32
    %scan3A_646 = arith.constant 1 : i32
    %scan3A_647:2 = scf.for %scan3A_846 = %scan3A_643 to %scan3A_645 step %scan3A_646 iter_args(%scan3A_847 = %broadcast_in_dim3A_640, %scan3A_848 = %broadcast_in_dim3A_642) -> (vector<16xf32>, vector<16xf32>)  : i32 {
      %mul3A_849 = arith.constant 512 : i32
      %mul3A_850 = arith.muli %scan3A_846, %mul3A_849 : i32
      %get3A = arith.index_cast %mul3A_850 : i32 to index
      %get3A_851 = tpu.vector_load %arg5[%get3A] {strides = array<i32>} : memref<32768xf32, #tpu.memory_space<vmem>>, vector<16xf32>,
      %add3A_852 = arith.addf %scan3A_847, %get3A_851 : vector<16xf32>
      %mul3A_853 = arith.mulf %get3A_851, %get3A_851 : vector<16xf32>
      %add3A_854 = arith.addf %scan3A_848, %mul3A_853 : vector<16xf32>
      scf.yield %add3A_852, %add3A_854 : vector<16xf32>, vector<16xf32>
    }
    %scan3A_648 = arith.constant 64 : i32
    %reduce_sum3A_649 = arith.constant true
    %reduce_sum3A_650 = vector.broadcast %reduce_sum3A_649 : i1 to vector<16xi1>
    %reduce_sum3A_651 = tpu.scan <sum>, %scan3A_647#0 masked %reduce_sum3A_650 : vector<16xf32>, vector<16xi1> -> vector<16xf32>
    %reduce_sum3A_652 = vector.extract %reduce_sum3A_651[15] : f32 from vector<16xf32>
    %mul3A_653 = arith.constant 9.765625E-4 : f32
    %mul3A_654 = arith.mulf %reduce_sum3A_652, %mul3A_653 : f32
    %reduce_sum3A_655 = arith.constant true
    %reduce_sum3A_656 = vector.broadcast %reduce_sum3A_655 : i1 to vector<16xi1>
    %reduce_sum3A_657 = tpu.scan <sum>, %scan3A_647#1 masked %reduce_sum3A_656 : vector<16xf32>, vector<16xi1> -> vector<16xf32>
    %reduce_sum3A_658 = vector.extract %reduce_sum3A_657[15] : f32 from vector<16xf32>
    %mul3A_659 = arith.constant 9.765625E-4 : f32
    %mul3A_660 = arith.mulf %reduce_sum3A_658, %mul3A_659 : f32
    %mul3A_661 = arith.mulf %mul3A_654, %mul3A_654 : f32
    %sub3A_662 = arith.subf %mul3A_660, %mul3A_661 : f32
    %max3A_663 = arith.constant 9.99999996E-13 : f32
    %max3A_664 = arith.maximumf %sub3A_662, %max3A_663 : f32
    %min3A_665 = arith.constant 2.000000e+00 : f32
    %min3A_666 = arith.minimumf %max3A_664, %min3A_665 : f32
    %broadcast_in_dim3A_667 = vector.broadcast %min3A_666 : f32 to vector<16xf32>
    %broadcast_in_dim3A_668 = arith.constant 1.000000e+00 : f32
    %broadcast_in_dim3A_669 = vector.broadcast %broadcast_in_dim3A_668 : f32 to vector<16xf32>
    %scan3A_670 = arith.constant 0 : i32
    %scan3A_671 = arith.constant 12 : i32
    %scan3A_672 = arith.addi %scan3A_670, %scan3A_671 : i32
    %scan3A_673 = arith.constant 1 : i32
    %scan3A_674 = scf.for %scan3A_846 = %scan3A_670 to %scan3A_672 step %scan3A_673 iter_args(%scan3A_847 = %broadcast_in_dim3A_669) -> (vector<16xf32>)  : i32 {
      %mul3A_848 = arith.constant 5.000000e-01 : f32
      %mul3A_849 = vector.broadcast %mul3A_848 : f32 to vector<16xf32>
      %mul3A_850 = arith.mulf %mul3A_849, %broadcast_in_dim3A_667 : vector<16xf32>
      %mul3A_851 = arith.mulf %mul3A_850, %scan3A_847 : vector<16xf32>
      %mul3A_852 = arith.mulf %mul3A_851, %scan3A_847 : vector<16xf32>
      %sub3A_853 = arith.constant 1.500000e+00 : f32
      %sub3A_854 = vector.broadcast %sub3A_853 : f32 to vector<16xf32>
      %sub3A_855 = arith.subf %sub3A_854, %mul3A_852 : vector<16xf32>
      %mul3A_856 = arith.mulf %scan3A_847, %sub3A_855 : vector<16xf32>
      scf.yield %mul3A_856 : vector<16xf32>
    }
    %scan3A_675 = arith.constant 12 : i32
    %mul3A_676 = arith.mulf %broadcast_in_dim3A_667, %scan3A_674 : vector<16xf32>
    %broadcast_in_dim3A_677 = vector.broadcast %mul3A_654 : f32 to vector<16xf32>
    %mul3A_678 = arith.constant 2.000000e+00 : f32
    %mul3A_679 = vector.broadcast %mul3A_678 : f32 to vector<16xf32>
    %mul3A_680 = arith.mulf %mul3A_679, %mul3A_676 : vector<16xf32>
    %add3A_681 = arith.addf %broadcast_in_dim3A_677, %mul3A_680 : vector<16xf32>
    %bitcast_convert_type3A_682 = tpu.bitcast %add3A_681 : vector<16xf32> -> vector<16xi32>
    %shift_right_arithmetic3A_683 = arith.constant 31 : i32
    %shift_right_arithmetic3A_684 = vector.broadcast %shift_right_arithmetic3A_683 : i32 to vector<16xi32>
    %shift_right_arithmetic3A_685 = arith.shrsi %bitcast_convert_type3A_682, %shift_right_arithmetic3A_684 : vector<16xi32>
    %and3A_686 = arith.constant 2147483647 : i32
    %and3A_687 = vector.broadcast %and3A_686 : i32 to vector<16xi32>
    %and3A_688 = arith.andi %shift_right_arithmetic3A_685, %and3A_687 : vector<16xi32>
    %xor3A_689 = arith.xori %bitcast_convert_type3A_682, %and3A_688 : vector<16xi32>
    %broadcast_in_dim3A_690 = arith.constant 4096 : i32
    %broadcast_in_dim3A_691 = vector.broadcast %broadcast_in_dim3A_690 : i32 to vector<16xi32>
    %broadcast_in_dim3A_692 = arith.constant 0 : i32
    %broadcast_in_dim3A_693 = vector.broadcast %broadcast_in_dim3A_692 : i32 to vector<16xi32>
    %broadcast_in_dim3A_694 = arith.constant -2147483648 : i32
    %broadcast_in_dim3A_695 = vector.broadcast %broadcast_in_dim3A_694 : i32 to vector<16xi32>
    %scan3A_696 = arith.constant 0 : i32
    %scan3A_697 = arith.constant 512 : i32
    %scan3A_698 = arith.addi %scan3A_696, %scan3A_697 : i32
    %scan3A_699 = arith.constant 1 : i32
    %scan3A_700:2 = scf.for %scan3A_846 = %scan3A_696 to %scan3A_698 step %scan3A_699 iter_args(%scan3A_847 = %broadcast_in_dim3A_693, %scan3A_848 = %broadcast_in_dim3A_695) -> (vector<16xi32>, vector<16xi32>)  : i32 {
      %mul3A_849 = arith.constant 4 : i32
      %mul3A_850 = arith.muli %scan3A_846, %mul3A_849 : i32
      %add3A_851 = arith.constant 0 : i32
      %add3A_852 = arith.addi %mul3A_850, %add3A_851 : i32
      %mul3A_853 = arith.constant 16 : i32
      %mul3A_854 = arith.muli %add3A_852, %mul3A_853 : i32
      %get3A = arith.index_cast %mul3A_854 : i32 to index
      %get3A_855 = tpu.vector_load %arg5[%get3A] {strides = array<i32>} : memref<32768xf32, #tpu.memory_space<vmem>>, vector<16xf32>,
      %bitcast_convert_type3A_856 = tpu.bitcast %get3A_855 : vector<16xf32> -> vector<16xi32>
      %shift_right_arithmetic3A_857 = arith.constant 31 : i32
      %shift_right_arithmetic3A_858 = vector.broadcast %shift_right_arithmetic3A_857 : i32 to vector<16xi32>
      %shift_right_arithmetic3A_859 = arith.shrsi %bitcast_convert_type3A_856, %shift_right_arithmetic3A_858 : vector<16xi32>
      %and3A_860 = arith.constant 2147483647 : i32
      %and3A_861 = vector.broadcast %and3A_860 : i32 to vector<16xi32>
      %and3A_862 = arith.andi %shift_right_arithmetic3A_859, %and3A_861 : vector<16xi32>
      %xor3A_863 = arith.xori %bitcast_convert_type3A_856, %and3A_862 : vector<16xi32>
      %max3A_864 = arith.maxsi %scan3A_848, %xor3A_863 : vector<16xi32>
      %gt3A = arith.cmpf ogt, %get3A_855, %add3A_681 : vector<16xf32>
      %convert_element_type3A_865 = arith.extui %gt3A : vector<16xi1> to vector<16xi32>
      %broadcast_in_dim3A_866 = arith.constant true
      %broadcast_in_dim3A_867 = vector.broadcast %broadcast_in_dim3A_866 : i1 to vector<16xi1>
      %masked_cumsum3A = tpu.scan <sum>, %convert_element_type3A_865 masked %broadcast_in_dim3A_867 : vector<16xi32>, vector<16xi1> -> vector<16xi32>
      %sub3A_868 = arith.constant 1 : i32
      %sub3A_869 = vector.broadcast %sub3A_868 : i32 to vector<16xi32>
      %sub3A_870 = arith.subi %masked_cumsum3A, %sub3A_869 : vector<16xi32>
      %add3A_871 = arith.addi %scan3A_847, %sub3A_870 : vector<16xi32>
      %min3A_872 = arith.minsi %add3A_871, %broadcast_in_dim3A_691 : vector<16xi32>
      tpu.vector_store_idx %arg6[%min3A_872], %xor3A_863 masked %gt3A : memref<16448xi32, #tpu.memory_space<vmem>>[vector<16xi32>], vector<16xi32>, vector<16xi1>
      %all_reduce_population_count3A = tpu.all_reduce %gt3A {dim = 0 : i64, kind = #tpu.reduction_kind<sum>} : vector<16xi1> -> vector<16xi32>
      %add3A_873 = arith.addi %scan3A_847, %all_reduce_population_count3A : vector<16xi32>
      %mul3A_874 = arith.constant 4 : i32
      %mul3A_875 = arith.muli %scan3A_846, %mul3A_874 : i32
      %add3A_876 = arith.constant 1 : i32
      %add3A_877 = arith.addi %mul3A_875, %add3A_876 : i32
      %mul3A_878 = arith.constant 16 : i32
      %mul3A_879 = arith.muli %add3A_877, %mul3A_878 : i32
      %get3A_880 = arith.index_cast %mul3A_879 : i32 to index
      %get3A_881 = tpu.vector_load %arg5[%get3A_880] {strides = array<i32>} : memref<32768xf32, #tpu.memory_space<vmem>>, vector<16xf32>,
      %bitcast_convert_type3A_882 = tpu.bitcast %get3A_881 : vector<16xf32> -> vector<16xi32>
      %shift_right_arithmetic3A_883 = arith.constant 31 : i32
      %shift_right_arithmetic3A_884 = vector.broadcast %shift_right_arithmetic3A_883 : i32 to vector<16xi32>
      %shift_right_arithmetic3A_885 = arith.shrsi %bitcast_convert_type3A_882, %shift_right_arithmetic3A_884 : vector<16xi32>
      %and3A_886 = arith.constant 2147483647 : i32
      %and3A_887 = vector.broadcast %and3A_886 : i32 to vector<16xi32>
      %and3A_888 = arith.andi %shift_right_arithmetic3A_885, %and3A_887 : vector<16xi32>
      %xor3A_889 = arith.xori %bitcast_convert_type3A_882, %and3A_888 : vector<16xi32>
      %max3A_890 = arith.maxsi %max3A_864, %xor3A_889 : vector<16xi32>
      %gt3A_891 = arith.cmpf ogt, %get3A_881, %add3A_681 : vector<16xf32>
      %convert_element_type3A_892 = arith.extui %gt3A_891 : vector<16xi1> to vector<16xi32>
      %broadcast_in_dim3A_893 = arith.constant true
      %broadcast_in_dim3A_894 = vector.broadcast %broadcast_in_dim3A_893 : i1 to vector<16xi1>
      %masked_cumsum3A_895 = tpu.scan <sum>, %convert_element_type3A_892 masked %broadcast_in_dim3A_894 : vector<16xi32>, vector<16xi1> -> vector<16xi32>
      %sub3A_896 = arith.constant 1 : i32
      %sub3A_897 = vector.broadcast %sub3A_896 : i32 to vector<16xi32>
      %sub3A_898 = arith.subi %masked_cumsum3A_895, %sub3A_897 : vector<16xi32>
      %add3A_899 = arith.addi %add3A_873, %sub3A_898 : vector<16xi32>
      %min3A_900 = arith.minsi %add3A_899, %broadcast_in_dim3A_691 : vector<16xi32>
      tpu.vector_store_idx %arg6[%min3A_900], %xor3A_889 masked %gt3A_891 : memref<16448xi32, #tpu.memory_space<vmem>>[vector<16xi32>], vector<16xi32>, vector<16xi1>
      %all_reduce_population_count3A_901 = tpu.all_reduce %gt3A_891 {dim = 0 : i64, kind = #tpu.reduction_kind<sum>} : vector<16xi1> -> vector<16xi32>
      %add3A_902 = arith.addi %add3A_873, %all_reduce_population_count3A_901 : vector<16xi32>
      %mul3A_903 = arith.constant 4 : i32
      %mul3A_904 = arith.muli %scan3A_846, %mul3A_903 : i32
      %add3A_905 = arith.constant 2 : i32
      %add3A_906 = arith.addi %mul3A_904, %add3A_905 : i32
      %mul3A_907 = arith.constant 16 : i32
      %mul3A_908 = arith.muli %add3A_906, %mul3A_907 : i32
      %get3A_909 = arith.index_cast %mul3A_908 : i32 to index
      %get3A_910 = tpu.vector_load %arg5[%get3A_909] {strides = array<i32>} : memref<32768xf32, #tpu.memory_space<vmem>>, vector<16xf32>,
      %bitcast_convert_type3A_911 = tpu.bitcast %get3A_910 : vector<16xf32> -> vector<16xi32>
      %shift_right_arithmetic3A_912 = arith.constant 31 : i32
      %shift_right_arithmetic3A_913 = vector.broadcast %shift_right_arithmetic3A_912 : i32 to vector<16xi32>
      %shift_right_arithmetic3A_914 = arith.shrsi %bitcast_convert_type3A_911, %shift_right_arithmetic3A_913 : vector<16xi32>
      %and3A_915 = arith.constant 2147483647 : i32
      %and3A_916 = vector.broadcast %and3A_915 : i32 to vector<16xi32>
      %and3A_917 = arith.andi %shift_right_arithmetic3A_914, %and3A_916 : vector<16xi32>
      %xor3A_918 = arith.xori %bitcast_convert_type3A_911, %and3A_917 : vector<16xi32>
      %max3A_919 = arith.maxsi %max3A_890, %xor3A_918 : vector<16xi32>
      %gt3A_920 = arith.cmpf ogt, %get3A_910, %add3A_681 : vector<16xf32>
      %convert_element_type3A_921 = arith.extui %gt3A_920 : vector<16xi1> to vector<16xi32>
      %broadcast_in_dim3A_922 = arith.constant true
      %broadcast_in_dim3A_923 = vector.broadcast %broadcast_in_dim3A_922 : i1 to vector<16xi1>
      %masked_cumsum3A_924 = tpu.scan <sum>, %convert_element_type3A_921 masked %broadcast_in_dim3A_923 : vector<16xi32>, vector<16xi1> -> vector<16xi32>
      %sub3A_925 = arith.constant 1 : i32
      %sub3A_926 = vector.broadcast %sub3A_925 : i32 to vector<16xi32>
      %sub3A_927 = arith.subi %masked_cumsum3A_924, %sub3A_926 : vector<16xi32>
      %add3A_928 = arith.addi %add3A_902, %sub3A_927 : vector<16xi32>
      %min3A_929 = arith.minsi %add3A_928, %broadcast_in_dim3A_691 : vector<16xi32>
      tpu.vector_store_idx %arg6[%min3A_929], %xor3A_918 masked %gt3A_920 : memref<16448xi32, #tpu.memory_space<vmem>>[vector<16xi32>], vector<16xi32>, vector<16xi1>
      %all_reduce_population_count3A_930 = tpu.all_reduce %gt3A_920 {dim = 0 : i64, kind = #tpu.reduction_kind<sum>} : vector<16xi1> -> vector<16xi32>
      %add3A_931 = arith.addi %add3A_902, %all_reduce_population_count3A_930 : vector<16xi32>
      %mul3A_932 = arith.constant 4 : i32
      %mul3A_933 = arith.muli %scan3A_846, %mul3A_932 : i32
      %add3A_934 = arith.constant 3 : i32
      %add3A_935 = arith.addi %mul3A_933, %add3A_934 : i32
      %mul3A_936 = arith.constant 16 : i32
      %mul3A_937 = arith.muli %add3A_935, %mul3A_936 : i32
      %get3A_938 = arith.index_cast %mul3A_937 : i32 to index
      %get3A_939 = tpu.vector_load %arg5[%get3A_938] {strides = array<i32>} : memref<32768xf32, #tpu.memory_space<vmem>>, vector<16xf32>,
      %bitcast_convert_type3A_940 = tpu.bitcast %get3A_939 : vector<16xf32> -> vector<16xi32>
      %shift_right_arithmetic3A_941 = arith.constant 31 : i32
      %shift_right_arithmetic3A_942 = vector.broadcast %shift_right_arithmetic3A_941 : i32 to vector<16xi32>
      %shift_right_arithmetic3A_943 = arith.shrsi %bitcast_convert_type3A_940, %shift_right_arithmetic3A_942 : vector<16xi32>
      %and3A_944 = arith.constant 2147483647 : i32
      %and3A_945 = vector.broadcast %and3A_944 : i32 to vector<16xi32>
      %and3A_946 = arith.andi %shift_right_arithmetic3A_943, %and3A_945 : vector<16xi32>
      %xor3A_947 = arith.xori %bitcast_convert_type3A_940, %and3A_946 : vector<16xi32>
      %max3A_948 = arith.maxsi %max3A_919, %xor3A_947 : vector<16xi32>
      %gt3A_949 = arith.cmpf ogt, %get3A_939, %add3A_681 : vector<16xf32>
      %convert_element_type3A_950 = arith.extui %gt3A_949 : vector<16xi1> to vector<16xi32>
      %broadcast_in_dim3A_951 = arith.constant true
      %broadcast_in_dim3A_952 = vector.broadcast %broadcast_in_dim3A_951 : i1 to vector<16xi1>
      %masked_cumsum3A_953 = tpu.scan <sum>, %convert_element_type3A_950 masked %broadcast_in_dim3A_952 : vector<16xi32>, vector<16xi1> -> vector<16xi32>
      %sub3A_954 = arith.constant 1 : i32
      %sub3A_955 = vector.broadcast %sub3A_954 : i32 to vector<16xi32>
      %sub3A_956 = arith.subi %masked_cumsum3A_953, %sub3A_955 : vector<16xi32>
      %add3A_957 = arith.addi %add3A_931, %sub3A_956 : vector<16xi32>
      %min3A_958 = arith.minsi %add3A_957, %broadcast_in_dim3A_691 : vector<16xi32>
      tpu.vector_store_idx %arg6[%min3A_958], %xor3A_947 masked %gt3A_949 : memref<16448xi32, #tpu.memory_space<vmem>>[vector<16xi32>], vector<16xi32>, vector<16xi1>
      %all_reduce_population_count3A_959 = tpu.all_reduce %gt3A_949 {dim = 0 : i64, kind = #tpu.reduction_kind<sum>} : vector<16xi1> -> vector<16xi32>
      %add3A_960 = arith.addi %add3A_931, %all_reduce_population_count3A_959 : vector<16xi32>
      scf.yield %add3A_960, %max3A_948 : vector<16xi32>, vector<16xi32>
    }
    %scan3A_701 = arith.constant 512 : i32
    %reduce_max3A_702 = arith.constant true
    %reduce_max3A_703 = vector.broadcast %reduce_max3A_702 : i1 to vector<16xi1>
    %reduce_max3A_704 = arith.constant -2147483648 : i32
    %reduce_max3A_705 = vector.broadcast %reduce_max3A_704 : i32 to vector<16xi32>
    %reduce_max3A_706 = arith.xori %scan3A_700#0, %reduce_max3A_705 : vector<16xi32>
    %reduce_max3A_707 = tpu.scan <max>, %reduce_max3A_706 masked %reduce_max3A_703 : vector<16xi32>, vector<16xi1> -> vector<16xi32>
    %reduce_max3A_708 = arith.xori %reduce_max3A_707, %reduce_max3A_705 : vector<16xi32>
    %reduce_max3A_709 = vector.extract %reduce_max3A_708[15] : i32 from vector<16xi32>
    %reduce_max3A_710 = arith.constant true
    %reduce_max3A_711 = vector.broadcast %reduce_max3A_710 : i1 to vector<16xi1>
    %reduce_max3A_712 = arith.constant -2147483648 : i32
    %reduce_max3A_713 = vector.broadcast %reduce_max3A_712 : i32 to vector<16xi32>
    %reduce_max3A_714 = arith.xori %scan3A_700#1, %reduce_max3A_713 : vector<16xi32>
    %reduce_max3A_715 = tpu.scan <max>, %reduce_max3A_714 masked %reduce_max3A_711 : vector<16xi32>, vector<16xi1> -> vector<16xi32>
    %reduce_max3A_716 = arith.xori %reduce_max3A_715, %reduce_max3A_713 : vector<16xi32>
    %reduce_max3A_717 = vector.extract %reduce_max3A_716[15] : i32 from vector<16xi32>
    %broadcast_in_dim3A_718 = vector.broadcast %reduce_max3A_717 : i32 to vector<16xi32>
    %ge3A_719 = arith.constant 256 : i32
    %ge3A_720 = arith.cmpi sge, %reduce_max3A_709, %ge3A_719 : i32
    %le3A_721 = arith.constant 4096 : i32
    %le3A_722 = arith.cmpi sle, %reduce_max3A_709, %le3A_721 : i32
    %and3A_723 = arith.andi %ge3A_720, %le3A_722 : i1
    %broadcast_in_dim3A_724 = arith.constant -2147483648 : i32
    %broadcast_in_dim3A_725 = vector.broadcast %broadcast_in_dim3A_724 : i32 to vector<16xi32>
    %min3A_726 = arith.constant 4096 : i32
    %min3A_727 = arith.minsi %reduce_max3A_709, %min3A_726 : i32
    %add3A_728 = arith.constant 0 : i32
    %add3A_729 = arith.addi %min3A_727, %add3A_728 : i32
    %lt3A_730 = arith.constant 0 : i32
    %lt3A_731 = vector.broadcast %lt3A_730 : i32 to vector<16xi32>
    %lt3A_732 = arith.cmpi slt, %broadcast_in_dim3A_725, %lt3A_731 : vector<16xi32>
    %swap3A_733 = arith.index_cast %add3A_729 : i32 to index
    %swap3A_734 = tpu.vector_load %arg6[%swap3A_733] masked %lt3A_732 {strides = array<i32>} : memref<16448xi32, #tpu.memory_space<vmem>>, vector<16xi32>, vector<16xi1>
    tpu.vector_store %arg6[%swap3A_733], %broadcast_in_dim3A_725 masked %lt3A_732 {strides = array<i32>} : memref<16448xi32, #tpu.memory_space<vmem>>, vector<16xi32>, vector<16xi1>
    %add3A_735 = arith.constant 16 : i32
    %add3A_736 = arith.addi %min3A_727, %add3A_735 : i32
    %lt3A_737 = arith.constant 0 : i32
    %lt3A_738 = vector.broadcast %lt3A_737 : i32 to vector<16xi32>
    %lt3A_739 = arith.cmpi slt, %broadcast_in_dim3A_725, %lt3A_738 : vector<16xi32>
    %swap3A_740 = arith.index_cast %add3A_736 : i32 to index
    %swap3A_741 = tpu.vector_load %arg6[%swap3A_740] masked %lt3A_739 {strides = array<i32>} : memref<16448xi32, #tpu.memory_space<vmem>>, vector<16xi32>, vector<16xi1>
    tpu.vector_store %arg6[%swap3A_740], %broadcast_in_dim3A_725 masked %lt3A_739 {strides = array<i32>} : memref<16448xi32, #tpu.memory_space<vmem>>, vector<16xi32>, vector<16xi1>
    %add3A_742 = arith.constant 32 : i32
    %add3A_743 = arith.addi %min3A_727, %add3A_742 : i32
    %lt3A_744 = arith.constant 0 : i32
    %lt3A_745 = vector.broadcast %lt3A_744 : i32 to vector<16xi32>
    %lt3A_746 = arith.cmpi slt, %broadcast_in_dim3A_725, %lt3A_745 : vector<16xi32>
    %swap3A_747 = arith.index_cast %add3A_743 : i32 to index
    %swap3A_748 = tpu.vector_load %arg6[%swap3A_747] masked %lt3A_746 {strides = array<i32>} : memref<16448xi32, #tpu.memory_space<vmem>>, vector<16xi32>, vector<16xi1>
    tpu.vector_store %arg6[%swap3A_747], %broadcast_in_dim3A_725 masked %lt3A_746 {strides = array<i32>} : memref<16448xi32, #tpu.memory_space<vmem>>, vector<16xi32>, vector<16xi1>
    %add3A_749 = arith.constant 48 : i32
    %add3A_750 = arith.addi %min3A_727, %add3A_749 : i32
    %lt3A_751 = arith.constant 0 : i32
    %lt3A_752 = vector.broadcast %lt3A_751 : i32 to vector<16xi32>
    %lt3A_753 = arith.cmpi slt, %broadcast_in_dim3A_725, %lt3A_752 : vector<16xi32>
    %swap3A_754 = arith.index_cast %add3A_750 : i32 to index
    %swap3A_755 = tpu.vector_load %arg6[%swap3A_754] masked %lt3A_753 {strides = array<i32>} : memref<16448xi32, #tpu.memory_space<vmem>>, vector<16xi32>, vector<16xi1>
    tpu.vector_store %arg6[%swap3A_754], %broadcast_in_dim3A_725 masked %lt3A_753 {strides = array<i32>} : memref<16448xi32, #tpu.memory_space<vmem>>, vector<16xi32>, vector<16xi1>
    %add3A_756 = arith.constant 63 : i32
    %add3A_757 = arith.addi %min3A_727, %add3A_756 : i32
    %shift_right_arithmetic3A_758 = arith.constant 6 : i32
    %shift_right_arithmetic3A_759 = arith.shrsi %add3A_757, %shift_right_arithmetic3A_758 : i32
    %scan3A_760 = arith.constant 0 : i32
    %scan3A_761 = arith.constant 27 : i32
    %scan3A_762 = arith.addi %scan3A_760, %scan3A_761 : i32
    %scan3A_763 = arith.constant 1 : i32
    %scan3A_764:2 = scf.for %scan3A_846 = %scan3A_760 to %scan3A_762 step %scan3A_763 iter_args(%scan3A_847 = %xor3A_689, %scan3A_848 = %broadcast_in_dim3A_718) -> (vector<16xi32>, vector<16xi32>)  : i32 {
      %shift_right_arithmetic3A_849 = arith.constant 1 : i32
      %shift_right_arithmetic3A_850 = vector.broadcast %shift_right_arithmetic3A_849 : i32 to vector<16xi32>
      %shift_right_arithmetic3A_851 = arith.shrsi %scan3A_847, %shift_right_arithmetic3A_850 : vector<16xi32>
      %shift_right_arithmetic3A_852 = arith.constant 1 : i32
      %shift_right_arithmetic3A_853 = vector.broadcast %shift_right_arithmetic3A_852 : i32 to vector<16xi32>
      %shift_right_arithmetic3A_854 = arith.shrsi %scan3A_848, %shift_right_arithmetic3A_853 : vector<16xi32>
      %add3A_855 = arith.addi %shift_right_arithmetic3A_851, %shift_right_arithmetic3A_854 : vector<16xi32>
      %and3A_856 = arith.andi %scan3A_847, %scan3A_848 : vector<16xi32>
      %and3A_857 = arith.constant 1 : i32
      %and3A_858 = vector.broadcast %and3A_857 : i32 to vector<16xi32>
      %and3A_859 = arith.andi %and3A_856, %and3A_858 : vector<16xi32>
      %add3A_860 = arith.addi %add3A_855, %and3A_859 : vector<16xi32>
      %while3A_861 = arith.constant 0 : i32
      %while3A_862 = arith.subi %shift_right_arithmetic3A_759, %while3A_861 : i32
      %while3A_863 = arith.addi %while3A_861, %while3A_862 : i32
      %while3A_864 = arith.constant 1 : i32
      %while3A_865 = arith.divsi %while3A_862, %while3A_864 : i32
      %while3A_866 = arith.muli %while3A_865, %while3A_864 : i32
      %while3A_867 = arith.addi %while3A_861, %while3A_866 : i32
      %while3A_868 = arith.constant 1 : i32
      %while3A_869 = scf.for %while3A_884 = %while3A_861 to %while3A_867 step %while3A_868 iter_args(%while3A_885 = %broadcast_in_dim3A_3) -> (vector<16xi32>)  : i32 {
        %mul3A_886 = arith.constant 64 : i32
        %mul3A_887 = arith.muli %while3A_884, %mul3A_886 : i32
        %add3A_888 = arith.constant 0 : i32
        %add3A_889 = arith.addi %mul3A_887, %add3A_888 : i32
        %get3A = arith.index_cast %add3A_889 : i32 to index
        %get3A_890 = tpu.vector_load %arg6[%get3A] {strides = array<i32>} : memref<16448xi32, #tpu.memory_space<vmem>>, vector<16xi32>,
        %gt3A = arith.cmpi sgt, %get3A_890, %add3A_860 : vector<16xi32>
        %convert_element_type3A_891 = arith.extui %gt3A : vector<16xi1> to vector<16xi32>
        %add3A_892 = arith.addi %while3A_885, %convert_element_type3A_891 : vector<16xi32>
        %mul3A_893 = arith.constant 64 : i32
        %mul3A_894 = arith.muli %while3A_884, %mul3A_893 : i32
        %add3A_895 = arith.constant 16 : i32
        %add3A_896 = arith.addi %mul3A_894, %add3A_895 : i32
        %get3A_897 = arith.index_cast %add3A_896 : i32 to index
        %get3A_898 = tpu.vector_load %arg6[%get3A_897] {strides = array<i32>} : memref<16448xi32, #tpu.memory_space<vmem>>, vector<16xi32>,
        %gt3A_899 = arith.cmpi sgt, %get3A_898, %add3A_860 : vector<16xi32>
        %convert_element_type3A_900 = arith.extui %gt3A_899 : vector<16xi1> to vector<16xi32>
        %add3A_901 = arith.addi %add3A_892, %convert_element_type3A_900 : vector<16xi32>
        %mul3A_902 = arith.constant 64 : i32
        %mul3A_903 = arith.muli %while3A_884, %mul3A_902 : i32
        %add3A_904 = arith.constant 32 : i32
        %add3A_905 = arith.addi %mul3A_903, %add3A_904 : i32
        %get3A_906 = arith.index_cast %add3A_905 : i32 to index
        %get3A_907 = tpu.vector_load %arg6[%get3A_906] {strides = array<i32>} : memref<16448xi32, #tpu.memory_space<vmem>>, vector<16xi32>,
        %gt3A_908 = arith.cmpi sgt, %get3A_907, %add3A_860 : vector<16xi32>
        %convert_element_type3A_909 = arith.extui %gt3A_908 : vector<16xi1> to vector<16xi32>
        %add3A_910 = arith.addi %add3A_901, %convert_element_type3A_909 : vector<16xi32>
        %mul3A_911 = arith.constant 64 : i32
        %mul3A_912 = arith.muli %while3A_884, %mul3A_911 : i32
        %add3A_913 = arith.constant 48 : i32
        %add3A_914 = arith.addi %mul3A_912, %add3A_913 : i32
        %get3A_915 = arith.index_cast %add3A_914 : i32 to index
        %get3A_916 = tpu.vector_load %arg6[%get3A_915] {strides = array<i32>} : memref<16448xi32, #tpu.memory_space<vmem>>, vector<16xi32>,
        %gt3A_917 = arith.cmpi sgt, %get3A_916, %add3A_860 : vector<16xi32>
        %convert_element_type3A_918 = arith.extui %gt3A_917 : vector<16xi1> to vector<16xi32>
        %add3A_919 = arith.addi %add3A_910, %convert_element_type3A_918 : vector<16xi32>
        scf.yield %add3A_919 : vector<16xi32>
      }
      %while3A_870 = arith.constant 1 : i32
      %while3A_871 = scf.for %while3A_884 = %while3A_867 to %while3A_863 step %while3A_870 iter_args(%while3A_885 = %while3A_869) -> (vector<16xi32>)  : i32 {
        %mul3A_886 = arith.constant 64 : i32
        %mul3A_887 = arith.muli %while3A_884, %mul3A_886 : i32
        %add3A_888 = arith.constant 0 : i32
        %add3A_889 = arith.addi %mul3A_887, %add3A_888 : i32
        %get3A = arith.index_cast %add3A_889 : i32 to index
        %get3A_890 = tpu.vector_load %arg6[%get3A] {strides = array<i32>} : memref<16448xi32, #tpu.memory_space<vmem>>, vector<16xi32>,
        %gt3A = arith.cmpi sgt, %get3A_890, %add3A_860 : vector<16xi32>
        %convert_element_type3A_891 = arith.extui %gt3A : vector<16xi1> to vector<16xi32>
        %add3A_892 = arith.addi %while3A_885, %convert_element_type3A_891 : vector<16xi32>
        %mul3A_893 = arith.constant 64 : i32
        %mul3A_894 = arith.muli %while3A_884, %mul3A_893 : i32
        %add3A_895 = arith.constant 16 : i32
        %add3A_896 = arith.addi %mul3A_894, %add3A_895 : i32
        %get3A_897 = arith.index_cast %add3A_896 : i32 to index
        %get3A_898 = tpu.vector_load %arg6[%get3A_897] {strides = array<i32>} : memref<16448xi32, #tpu.memory_space<vmem>>, vector<16xi32>,
        %gt3A_899 = arith.cmpi sgt, %get3A_898, %add3A_860 : vector<16xi32>
        %convert_element_type3A_900 = arith.extui %gt3A_899 : vector<16xi1> to vector<16xi32>
        %add3A_901 = arith.addi %add3A_892, %convert_element_type3A_900 : vector<16xi32>
        %mul3A_902 = arith.constant 64 : i32
        %mul3A_903 = arith.muli %while3A_884, %mul3A_902 : i32
        %add3A_904 = arith.constant 32 : i32
        %add3A_905 = arith.addi %mul3A_903, %add3A_904 : i32
        %get3A_906 = arith.index_cast %add3A_905 : i32 to index
        %get3A_907 = tpu.vector_load %arg6[%get3A_906] {strides = array<i32>} : memref<16448xi32, #tpu.memory_space<vmem>>, vector<16xi32>,
        %gt3A_908 = arith.cmpi sgt, %get3A_907, %add3A_860 : vector<16xi32>
        %convert_element_type3A_909 = arith.extui %gt3A_908 : vector<16xi1> to vector<16xi32>
        %add3A_910 = arith.addi %add3A_901, %convert_element_type3A_909 : vector<16xi32>
        %mul3A_911 = arith.constant 64 : i32
        %mul3A_912 = arith.muli %while3A_884, %mul3A_911 : i32
        %add3A_913 = arith.constant 48 : i32
        %add3A_914 = arith.addi %mul3A_912, %add3A_913 : i32
        %get3A_915 = arith.index_cast %add3A_914 : i32 to index
        %get3A_916 = tpu.vector_load %arg6[%get3A_915] {strides = array<i32>} : memref<16448xi32, #tpu.memory_space<vmem>>, vector<16xi32>,
        %gt3A_917 = arith.cmpi sgt, %get3A_916, %add3A_860 : vector<16xi32>
        %convert_element_type3A_918 = arith.extui %gt3A_917 : vector<16xi1> to vector<16xi32>
        %add3A_919 = arith.addi %add3A_910, %convert_element_type3A_918 : vector<16xi32>
        scf.yield %add3A_919 : vector<16xi32>
      }
      %reduce_sum3A_872 = arith.constant true
      %reduce_sum3A_873 = vector.broadcast %reduce_sum3A_872 : i1 to vector<16xi1>
      %reduce_sum3A_874 = tpu.scan <sum>, %while3A_871 masked %reduce_sum3A_873 : vector<16xi32>, vector<16xi1> -> vector<16xi32>
      %reduce_sum3A_875 = vector.extract %reduce_sum3A_874[15] : i32 from vector<16xi32>
      %ge3A_876 = arith.constant 256 : i32
      %ge3A_877 = arith.cmpi sge, %reduce_sum3A_875, %ge3A_876 : i32
      %broadcast_in_dim3A_878 = vector.broadcast %ge3A_877 : i1 to vector<16xi1>
      %add3A_879 = arith.constant 1 : i32
      %add3A_880 = vector.broadcast %add3A_879 : i32 to vector<16xi32>
      %add3A_881 = arith.addi %add3A_860, %add3A_880 : vector<16xi32>
      %select_n3A_882 = arith.select %broadcast_in_dim3A_878, %add3A_881, %scan3A_847 : vector<16xi1>, vector<16xi32>
      %select_n3A_883 = arith.select %broadcast_in_dim3A_878, %scan3A_848, %add3A_860 : vector<16xi1>, vector<16xi32>
      scf.yield %select_n3A_882, %select_n3A_883 : vector<16xi32>, vector<16xi32>
    }
    %scan3A_765 = arith.constant 27 : i32
    %eq3A_766 = arith.cmpi eq, %scan3A_764#0, %scan3A_764#1 : vector<16xi32>
    %reduce_and3A_767 = arith.constant 1.000000e+00 : f32
    %reduce_and3A_768 = arith.constant 0.000000e+00 : f32
    %reduce_and3A_769 = vector.broadcast %reduce_and3A_767 : f32 to vector<16xf32>
    %reduce_and3A_770 = vector.broadcast %reduce_and3A_768 : f32 to vector<16xf32>
    %reduce_and3A_771 = arith.select %eq3A_766, %reduce_and3A_769, %reduce_and3A_770 : vector<16xi1>, vector<16xf32>
    %reduce_and3A_772 = arith.constant true
    %reduce_and3A_773 = vector.broadcast %reduce_and3A_772 : i1 to vector<16xi1>
    %reduce_and3A_774 = tpu.scan <min>, %reduce_and3A_771 masked %reduce_and3A_773 : vector<16xf32>, vector<16xi1> -> vector<16xf32>
    %reduce_and3A_775 = vector.extract %reduce_and3A_774[15] : f32 from vector<16xf32>
    %reduce_and3A_776 = arith.constant 0.000000e+00 : f32
    %reduce_and3A_777 = arith.cmpf ogt, %reduce_and3A_775, %reduce_and3A_776 : f32
    %and3A_778 = arith.andi %and3A_723, %reduce_and3A_777 : i1
    %while3A_779 = arith.constant 0 : i32
    %while3A_780 = arith.subi %shift_right_arithmetic3A_759, %while3A_779 : i32
    %while3A_781 = arith.addi %while3A_779, %while3A_780 : i32
    %while3A_782 = arith.constant 1 : i32
    %while3A_783 = arith.divsi %while3A_780, %while3A_782 : i32
    %while3A_784 = arith.muli %while3A_783, %while3A_782 : i32
    %while3A_785 = arith.addi %while3A_779, %while3A_784 : i32
    %while3A_786 = arith.constant 1 : i32
    %while3A_787:2 = scf.for %while3A_846 = %while3A_779 to %while3A_785 step %while3A_786 iter_args(%while3A_847 = %broadcast_in_dim3A_3, %while3A_848 = %broadcast_in_dim3A_3) -> (vector<16xi32>, vector<16xi32>)  : i32 {
      %mul3A_849 = arith.constant 64 : i32
      %mul3A_850 = arith.muli %while3A_846, %mul3A_849 : i32
      %add3A_851 = arith.constant 0 : i32
      %add3A_852 = arith.addi %mul3A_850, %add3A_851 : i32
      %get3A = arith.index_cast %add3A_852 : i32 to index
      %get3A_853 = tpu.vector_load %arg6[%get3A] {strides = array<i32>} : memref<16448xi32, #tpu.memory_space<vmem>>, vector<16xi32>,
      %gt3A = arith.cmpi sgt, %get3A_853, %scan3A_764#0 : vector<16xi32>
      %convert_element_type3A_854 = arith.extui %gt3A : vector<16xi1> to vector<16xi32>
      %add3A_855 = arith.addi %while3A_847, %convert_element_type3A_854 : vector<16xi32>
      %eq3A_856 = arith.cmpi eq, %get3A_853, %scan3A_764#0 : vector<16xi32>
      %convert_element_type3A_857 = arith.extui %eq3A_856 : vector<16xi1> to vector<16xi32>
      %add3A_858 = arith.addi %while3A_848, %convert_element_type3A_857 : vector<16xi32>
      %mul3A_859 = arith.constant 64 : i32
      %mul3A_860 = arith.muli %while3A_846, %mul3A_859 : i32
      %add3A_861 = arith.constant 16 : i32
      %add3A_862 = arith.addi %mul3A_860, %add3A_861 : i32
      %get3A_863 = arith.index_cast %add3A_862 : i32 to index
      %get3A_864 = tpu.vector_load %arg6[%get3A_863] {strides = array<i32>} : memref<16448xi32, #tpu.memory_space<vmem>>, vector<16xi32>,
      %gt3A_865 = arith.cmpi sgt, %get3A_864, %scan3A_764#0 : vector<16xi32>
      %convert_element_type3A_866 = arith.extui %gt3A_865 : vector<16xi1> to vector<16xi32>
      %add3A_867 = arith.addi %add3A_855, %convert_element_type3A_866 : vector<16xi32>
      %eq3A_868 = arith.cmpi eq, %get3A_864, %scan3A_764#0 : vector<16xi32>
      %convert_element_type3A_869 = arith.extui %eq3A_868 : vector<16xi1> to vector<16xi32>
      %add3A_870 = arith.addi %add3A_858, %convert_element_type3A_869 : vector<16xi32>
      %mul3A_871 = arith.constant 64 : i32
      %mul3A_872 = arith.muli %while3A_846, %mul3A_871 : i32
      %add3A_873 = arith.constant 32 : i32
      %add3A_874 = arith.addi %mul3A_872, %add3A_873 : i32
      %get3A_875 = arith.index_cast %add3A_874 : i32 to index
      %get3A_876 = tpu.vector_load %arg6[%get3A_875] {strides = array<i32>} : memref<16448xi32, #tpu.memory_space<vmem>>, vector<16xi32>,
      %gt3A_877 = arith.cmpi sgt, %get3A_876, %scan3A_764#0 : vector<16xi32>
      %convert_element_type3A_878 = arith.extui %gt3A_877 : vector<16xi1> to vector<16xi32>
      %add3A_879 = arith.addi %add3A_867, %convert_element_type3A_878 : vector<16xi32>
      %eq3A_880 = arith.cmpi eq, %get3A_876, %scan3A_764#0 : vector<16xi32>
      %convert_element_type3A_881 = arith.extui %eq3A_880 : vector<16xi1> to vector<16xi32>
      %add3A_882 = arith.addi %add3A_870, %convert_element_type3A_881 : vector<16xi32>
      %mul3A_883 = arith.constant 64 : i32
      %mul3A_884 = arith.muli %while3A_846, %mul3A_883 : i32
      %add3A_885 = arith.constant 48 : i32
      %add3A_886 = arith.addi %mul3A_884, %add3A_885 : i32
      %get3A_887 = arith.index_cast %add3A_886 : i32 to index
      %get3A_888 = tpu.vector_load %arg6[%get3A_887] {strides = array<i32>} : memref<16448xi32, #tpu.memory_space<vmem>>, vector<16xi32>,
      %gt3A_889 = arith.cmpi sgt, %get3A_888, %scan3A_764#0 : vector<16xi32>
      %convert_element_type3A_890 = arith.extui %gt3A_889 : vector<16xi1> to vector<16xi32>
      %add3A_891 = arith.addi %add3A_879, %convert_element_type3A_890 : vector<16xi32>
      %eq3A_892 = arith.cmpi eq, %get3A_888, %scan3A_764#0 : vector<16xi32>
      %convert_element_type3A_893 = arith.extui %eq3A_892 : vector<16xi1> to vector<16xi32>
      %add3A_894 = arith.addi %add3A_882, %convert_element_type3A_893 : vector<16xi32>
      scf.yield %add3A_891, %add3A_894 : vector<16xi32>, vector<16xi32>
    }
    %while3A_788 = arith.constant 1 : i32
    %while3A_789:2 = scf.for %while3A_846 = %while3A_785 to %while3A_781 step %while3A_788 iter_args(%while3A_847 = %while3A_787#0, %while3A_848 = %while3A_787#1) -> (vector<16xi32>, vector<16xi32>)  : i32 {
      %mul3A_849 = arith.constant 64 : i32
      %mul3A_850 = arith.muli %while3A_846, %mul3A_849 : i32
      %add3A_851 = arith.constant 0 : i32
      %add3A_852 = arith.addi %mul3A_850, %add3A_851 : i32
      %get3A = arith.index_cast %add3A_852 : i32 to index
      %get3A_853 = tpu.vector_load %arg6[%get3A] {strides = array<i32>} : memref<16448xi32, #tpu.memory_space<vmem>>, vector<16xi32>,
      %gt3A = arith.cmpi sgt, %get3A_853, %scan3A_764#0 : vector<16xi32>
      %convert_element_type3A_854 = arith.extui %gt3A : vector<16xi1> to vector<16xi32>
      %add3A_855 = arith.addi %while3A_847, %convert_element_type3A_854 : vector<16xi32>
      %eq3A_856 = arith.cmpi eq, %get3A_853, %scan3A_764#0 : vector<16xi32>
      %convert_element_type3A_857 = arith.extui %eq3A_856 : vector<16xi1> to vector<16xi32>
      %add3A_858 = arith.addi %while3A_848, %convert_element_type3A_857 : vector<16xi32>
      %mul3A_859 = arith.constant 64 : i32
      %mul3A_860 = arith.muli %while3A_846, %mul3A_859 : i32
      %add3A_861 = arith.constant 16 : i32
      %add3A_862 = arith.addi %mul3A_860, %add3A_861 : i32
      %get3A_863 = arith.index_cast %add3A_862 : i32 to index
      %get3A_864 = tpu.vector_load %arg6[%get3A_863] {strides = array<i32>} : memref<16448xi32, #tpu.memory_space<vmem>>, vector<16xi32>,
      %gt3A_865 = arith.cmpi sgt, %get3A_864, %scan3A_764#0 : vector<16xi32>
      %convert_element_type3A_866 = arith.extui %gt3A_865 : vector<16xi1> to vector<16xi32>
      %add3A_867 = arith.addi %add3A_855, %convert_element_type3A_866 : vector<16xi32>
      %eq3A_868 = arith.cmpi eq, %get3A_864, %scan3A_764#0 : vector<16xi32>
      %convert_element_type3A_869 = arith.extui %eq3A_868 : vector<16xi1> to vector<16xi32>
      %add3A_870 = arith.addi %add3A_858, %convert_element_type3A_869 : vector<16xi32>
      %mul3A_871 = arith.constant 64 : i32
      %mul3A_872 = arith.muli %while3A_846, %mul3A_871 : i32
      %add3A_873 = arith.constant 32 : i32
      %add3A_874 = arith.addi %mul3A_872, %add3A_873 : i32
      %get3A_875 = arith.index_cast %add3A_874 : i32 to index
      %get3A_876 = tpu.vector_load %arg6[%get3A_875] {strides = array<i32>} : memref<16448xi32, #tpu.memory_space<vmem>>, vector<16xi32>,
      %gt3A_877 = arith.cmpi sgt, %get3A_876, %scan3A_764#0 : vector<16xi32>
      %convert_element_type3A_878 = arith.extui %gt3A_877 : vector<16xi1> to vector<16xi32>
      %add3A_879 = arith.addi %add3A_867, %convert_element_type3A_878 : vector<16xi32>
      %eq3A_880 = arith.cmpi eq, %get3A_876, %scan3A_764#0 : vector<16xi32>
      %convert_element_type3A_881 = arith.extui %eq3A_880 : vector<16xi1> to vector<16xi32>
      %add3A_882 = arith.addi %add3A_870, %convert_element_type3A_881 : vector<16xi32>
      %mul3A_883 = arith.constant 64 : i32
      %mul3A_884 = arith.muli %while3A_846, %mul3A_883 : i32
      %add3A_885 = arith.constant 48 : i32
      %add3A_886 = arith.addi %mul3A_884, %add3A_885 : i32
      %get3A_887 = arith.index_cast %add3A_886 : i32 to index
      %get3A_888 = tpu.vector_load %arg6[%get3A_887] {strides = array<i32>} : memref<16448xi32, #tpu.memory_space<vmem>>, vector<16xi32>,
      %gt3A_889 = arith.cmpi sgt, %get3A_888, %scan3A_764#0 : vector<16xi32>
      %convert_element_type3A_890 = arith.extui %gt3A_889 : vector<16xi1> to vector<16xi32>
      %add3A_891 = arith.addi %add3A_879, %convert_element_type3A_890 : vector<16xi32>
      %eq3A_892 = arith.cmpi eq, %get3A_888, %scan3A_764#0 : vector<16xi32>
      %convert_element_type3A_893 = arith.extui %eq3A_892 : vector<16xi1> to vector<16xi32>
      %add3A_894 = arith.addi %add3A_882, %convert_element_type3A_893 : vector<16xi32>
      scf.yield %add3A_891, %add3A_894 : vector<16xi32>, vector<16xi32>
    }
    %reduce_sum3A_790 = arith.constant true
    %reduce_sum3A_791 = vector.broadcast %reduce_sum3A_790 : i1 to vector<16xi1>
    %reduce_sum3A_792 = tpu.scan <sum>, %while3A_789#0 masked %reduce_sum3A_791 : vector<16xi32>, vector<16xi1> -> vector<16xi32>
    %reduce_sum3A_793 = vector.extract %reduce_sum3A_792[15] : i32 from vector<16xi32>
    %reduce_sum3A_794 = arith.constant true
    %reduce_sum3A_795 = vector.broadcast %reduce_sum3A_794 : i1 to vector<16xi1>
    %reduce_sum3A_796 = tpu.scan <sum>, %while3A_789#1 masked %reduce_sum3A_795 : vector<16xi32>, vector<16xi1> -> vector<16xi32>
    %reduce_sum3A_797 = vector.extract %reduce_sum3A_796[15] : i32 from vector<16xi32>
    %sub3A_798 = arith.constant 256 : i32
    %sub3A_799 = arith.subi %sub3A_798, %reduce_sum3A_793 : i32
    %lt3A_800 = arith.constant 0 : i32
    %lt3A_801 = vector.broadcast %lt3A_800 : i32 to vector<16xi32>
    %lt3A_802 = arith.cmpi slt, %scan3A_764#0, %lt3A_801 : vector<16xi32>
    %xor3A_803 = arith.constant 2147483647 : i32
    %xor3A_804 = vector.broadcast %xor3A_803 : i32 to vector<16xi32>
    %xor3A_805 = arith.xori %scan3A_764#0, %xor3A_804 : vector<16xi32>
    %select_n3A_806 = arith.select %lt3A_802, %xor3A_805, %scan3A_764#0 : vector<16xi1>, vector<16xi32>
    %bitcast_convert_type3A_807 = tpu.bitcast %select_n3A_806 : vector<16xi32> -> vector<16xf32>
    %eq3A_808 = arith.constant 0 : i32
    %eq3A_809 = vector.broadcast %eq3A_808 : i32 to vector<16xi32>
    %eq3A_810 = arith.cmpi eq, %iota3A, %eq3A_809 : vector<16xi32>
    %jit3A_811 = arith.constant 0.000000e+00 : f32
    %broadcast_in_dim3A_812 = vector.broadcast %jit3A_811 : f32 to vector<16xf32>
    %select_n3A_813 = arith.select %eq3A_810, %bitcast_convert_type3A_807, %broadcast_in_dim3A_812 : vector<16xi1>, vector<16xf32>
    %eq3A_814 = arith.constant 1 : i32
    %eq3A_815 = vector.broadcast %eq3A_814 : i32 to vector<16xi32>
    %eq3A_816 = arith.cmpi eq, %iota3A, %eq3A_815 : vector<16xi32>
    %convert_element_type3A_817 = arith.sitofp %sub3A_799 : i32 to f32
    %broadcast_in_dim3A_818 = vector.broadcast %convert_element_type3A_817 : f32 to vector<16xf32>
    %select_n3A_819 = arith.select %eq3A_816, %broadcast_in_dim3A_818, %select_n3A_813 : vector<16xi1>, vector<16xf32>
    %eq3A_820 = arith.constant 2 : i32
    %eq3A_821 = vector.broadcast %eq3A_820 : i32 to vector<16xi32>
    %eq3A_822 = arith.cmpi eq, %iota3A, %eq3A_821 : vector<16xi32>
    %jit3A_823 = arith.constant 1.000000e+00 : f32
    %jit3A_824 = arith.constant 0.000000e+00 : f32
    %select_n3A_825 = arith.select %and3A_778, %jit3A_823, %jit3A_824 : f32
    %broadcast_in_dim3A_826 = vector.broadcast %select_n3A_825 : f32 to vector<16xf32>
    %select_n3A_827 = arith.select %eq3A_822, %broadcast_in_dim3A_826, %select_n3A_819 : vector<16xi1>, vector<16xf32>
    %eq3A_828 = arith.constant 3 : i32
    %eq3A_829 = vector.broadcast %eq3A_828 : i32 to vector<16xi32>
    %eq3A_830 = arith.cmpi eq, %iota3A, %eq3A_829 : vector<16xi32>
    %convert_element_type3A_831 = arith.sitofp %reduce_sum3A_797 : i32 to f32
    %broadcast_in_dim3A_832 = vector.broadcast %convert_element_type3A_831 : f32 to vector<16xf32>
    %select_n3A_833 = arith.select %eq3A_830, %broadcast_in_dim3A_832, %select_n3A_827 : vector<16xi1>, vector<16xf32>
    %swap3A_834 = arith.constant 3 : i32
    %swap3A_835 = arith.index_cast %swap3A_834 : i32 to index
    %swap3A_836 = arith.constant 0 : index
    %swap3A_837 = tpu.vector_load %arg7[%swap3A_835, %swap3A_836] {strides = array<i32>} : memref<4x16xf32, #tpu.memory_space<vmem>>, vector<16xf32>,
    tpu.vector_store %arg7[%swap3A_835, %swap3A_836], %select_n3A_833 {strides = array<i32>} : memref<4x16xf32, #tpu.memory_space<vmem>>, vector<16xf32>,
    %dma_start3A_838 = arith.constant 0 : i32
    %dma_start3A_839 = tpu.memref_slice %arg3[%mul3A_2, %dma_start3A_838] : memref<128x16xf32, #tpu.memory_space<hbm>> -> memref<4x16xf32, #tpu.memory_space<hbm>>
    %dma_start3A_840 = arith.constant 0 : i32
    %dma_start3A_841 = tpu.memref_slice %arg3[%mul3A_2, %dma_start3A_840] : memref<128x16xf32, #tpu.memory_space<hbm>> -> memref<4x16xf32, #tpu.memory_space<hbm>>
    tpu.enqueue_dma source(%arg7 : memref<4x16xf32, #tpu.memory_space<vmem>>) target(%dma_start3A_841 : memref<4x16xf32, #tpu.memory_space<hbm>>) target_semaphore(%arg8 : memref<!tpu.dma_semaphore, #tpu.memory_space<semaphore_mem>>)
    %dma_wait3A_842 = arith.constant 0 : i32
    %dma_wait3A_843 = tpu.memref_slice %arg3[%mul3A_2, %dma_wait3A_842] : memref<128x16xf32, #tpu.memory_space<hbm>> -> memref<4x16xf32, #tpu.memory_space<hbm>>
    %dma_wait3A_844 = arith.constant 0 : i32
    %dma_wait3A_845 = tpu.memref_slice %arg3[%mul3A_2, %dma_wait3A_844] : memref<128x16xf32, #tpu.memory_space<hbm>> -> memref<4x16xf32, #tpu.memory_space<hbm>>
    tpu.wait_dma2 semaphore(%arg8 : memref<!tpu.dma_semaphore, #tpu.memory_space<semaphore_mem>>) src(%arg7 : memref<4x16xf32, #tpu.memory_space<vmem>>) dst(%dma_wait3A_845 : memref<4x16xf32, #tpu.memory_space<hbm>>)
    return
  }
}

module attributes {stable_mosaic.version = 14 : i64} {
  func.func @_tc_mask_body(%arg0: i32, %arg1: memref<8x32768xf32, #tpu.memory_space<vmem>>, %arg2: memref<8x16xf32, #tpu.memory_space<vmem>>, %arg3: memref<8x32768xf32, #tpu.memory_space<vmem>>) attributes {dimension_semantics = [#tpu.dimension_semantics<arbitrary>], iteration_bounds = array<i64: 16>, scalar_prefetch = 0 : i64, scratch_operands = 0 : i64, tpu.core_type = #tpu.core_type<tc>, window_params = [{transform_indices = @transform_0, window_bounds = array<i64: 8, 32768>}, {transform_indices = @transform_1, window_bounds = array<i64: 8, 16>}, {transform_indices = @transform_2, window_bounds = array<i64: 8, 32768>}]} {
    %get3A = arith.constant 0 : index
    %get3A_0 = arith.constant 0 : index
    %get3A_1 = vector.load %arg1[%get3A, %get3A_0] : memref<8x32768xf32, #tpu.memory_space<vmem>>, vector<8x32768xf32>
    %get3A_2 = arith.constant 0 : index
    %get3A_3 = arith.constant 0 : index
    %get3A_4 = vector.load %arg2[%get3A_2, %get3A_3] : memref<8x16xf32, #tpu.memory_space<vmem>>, vector<8x16xf32>
    %slice3A = vector.extract_strided_slice %get3A_4 {offsets = [0, 2], sizes = [8, 1], strides = [1, 1]} : vector<8x16xf32> to vector<8x1xf32>
    %gt3A = arith.constant 5.000000e-01 : f32
    %gt3A_5 = vector.broadcast %gt3A : f32 to vector<8x1xf32>
    %gt3A_6 = arith.cmpf ogt, %slice3A, %gt3A_5 : vector<8x1xf32>
    %reduce_and3A = arith.constant 1.000000e+00 : f32
    %reduce_and3A_7 = arith.constant 0.000000e+00 : f32
    %reduce_and3A_8 = vector.broadcast %reduce_and3A : f32 to vector<8x1xf32>
    %reduce_and3A_9 = vector.broadcast %reduce_and3A_7 : f32 to vector<8x1xf32>
    %reduce_and3A_10 = arith.select %gt3A_6, %reduce_and3A_8, %reduce_and3A_9 : vector<8x1xi1>, vector<8x1xf32>
    %reduce_and3A_11 = vector.shape_cast %reduce_and3A_10 : vector<8x1xf32> to vector<1x8x1xf32>
    %reduce_and3A_12 = arith.constant dense<0x7F800000> : vector<1xf32>
    %reduce_and3A_13 = vector.multi_reduction <minimumf>, %reduce_and3A_11, %reduce_and3A_12 [1, 2] : vector<1x8x1xf32> to vector<1xf32>
    %reduce_and3A_14 = vector.shape_cast %reduce_and3A_13 : vector<1xf32> to vector<1x1x1xf32>
    %reduce_and3A_15 = vector.extract %reduce_and3A_14[0, 0, 0] : f32 from vector<1x1x1xf32>
    %reduce_and3A_16 = arith.constant 0.000000e+00 : f32
    %reduce_and3A_17 = arith.cmpf ogt, %reduce_and3A_15, %reduce_and3A_16 : f32
    %convert_element_type3A = arith.extui %reduce_and3A_17 : i1 to i32
    %cond3A = arith.constant 0 : i32
    %cond3A_18 = arith.cmpi ne, %convert_element_type3A, %cond3A : i32
    %cond3A_19 = scf.if %cond3A_18 -> (vector<8x32768xf32>) {
      %slice3A_22 = vector.extract_strided_slice %get3A_4 {offsets = [0, 0], sizes = [8, 1], strides = [1, 1]} : vector<8x16xf32> to vector<8x1xf32>
      %slice3A_23 = vector.extract_strided_slice %get3A_4 {offsets = [0, 1], sizes = [8, 1], strides = [1, 1]} : vector<8x16xf32> to vector<8x1xf32>
      %convert_element_type3A_24 = arith.fptosi %slice3A_23 : vector<8x1xf32> to vector<8x1xi32>
      %slice3A_25 = vector.extract_strided_slice %get3A_4 {offsets = [0, 3], sizes = [8, 1], strides = [1, 1]} : vector<8x16xf32> to vector<8x1xf32>
      %convert_element_type3A_26 = arith.fptosi %slice3A_25 : vector<8x1xf32> to vector<8x1xi32>
      %gt3A_27 = vector.broadcast %slice3A_22 : vector<8x1xf32> to vector<8x32768xf32>
      %gt3A_28 = arith.cmpf ogt, %get3A_1, %gt3A_27 : vector<8x32768xf32>
      %eq3A = vector.broadcast %slice3A_22 : vector<8x1xf32> to vector<8x32768xf32>
      %eq3A_29 = arith.cmpf oeq, %get3A_1, %eq3A : vector<8x32768xf32>
      %gt3A_30 = arith.cmpi sgt, %convert_element_type3A_26, %convert_element_type3A_24 : vector<8x1xi32>
      %reduce_or3A = arith.constant 1.000000e+00 : f32
      %reduce_or3A_31 = arith.constant 0.000000e+00 : f32
      %reduce_or3A_32 = vector.broadcast %reduce_or3A : f32 to vector<8x1xf32>
      %reduce_or3A_33 = vector.broadcast %reduce_or3A_31 : f32 to vector<8x1xf32>
      %reduce_or3A_34 = arith.select %gt3A_30, %reduce_or3A_32, %reduce_or3A_33 : vector<8x1xi1>, vector<8x1xf32>
      %reduce_or3A_35 = vector.shape_cast %reduce_or3A_34 : vector<8x1xf32> to vector<1x8x1xf32>
      %reduce_or3A_36 = arith.constant dense<0xFF800000> : vector<1xf32>
      %reduce_or3A_37 = vector.multi_reduction <maximumf>, %reduce_or3A_35, %reduce_or3A_36 [1, 2] : vector<1x8x1xf32> to vector<1xf32>
      %reduce_or3A_38 = vector.shape_cast %reduce_or3A_37 : vector<1xf32> to vector<1x1x1xf32>
      %reduce_or3A_39 = vector.extract %reduce_or3A_38[0, 0, 0] : f32 from vector<1x1x1xf32>
      %reduce_or3A_40 = arith.constant 0.000000e+00 : f32
      %reduce_or3A_41 = arith.cmpf ogt, %reduce_or3A_39, %reduce_or3A_40 : f32
      %convert_element_type3A_42 = arith.extui %reduce_or3A_41 : i1 to i32
      %cond3A_43 = arith.constant 0 : i32
      %cond3A_44 = arith.cmpi ne, %convert_element_type3A_42, %cond3A_43 : i32
      %cond3A_45 = scf.if %cond3A_44 -> (vector<8x1xi32>) {
        %iota3A_49 = tpu.iota {dimensions = array<i32: 1>} : vector<8x32768xi32>
        %broadcast_in_dim3A_50 = arith.constant 0 : i32
        %broadcast_in_dim3A_51 = vector.broadcast %broadcast_in_dim3A_50 : i32 to vector<8x1xi32>
        %broadcast_in_dim3A_52 = arith.constant 32768 : i32
        %broadcast_in_dim3A_53 = vector.broadcast %broadcast_in_dim3A_52 : i32 to vector<8x1xi32>
        %scan3A = arith.constant 0 : i32
        %scan3A_54 = arith.constant 15 : i32
        %scan3A_55 = arith.addi %scan3A, %scan3A_54 : i32
        %scan3A_56 = arith.constant 1 : i32
        %scan3A_57:2 = scf.for %scan3A_58 = %scan3A to %scan3A_55 step %scan3A_56 iter_args(%scan3A_59 = %broadcast_in_dim3A_51, %scan3A_60 = %broadcast_in_dim3A_53) -> (vector<8x1xi32>, vector<8x1xi32>)  : i32 {
          %add3A = arith.addi %scan3A_59, %scan3A_60 : vector<8x1xi32>
          %jit3A_61 = arith.constant 2 : i32
          %div3A = vector.broadcast %jit3A_61 : i32 to vector<8x1xi32>
          %div3A_62 = arith.divsi %add3A, %div3A : vector<8x1xi32>
          %sign3A = arith.constant 0 : i32
          %sign3A_63 = vector.broadcast %sign3A : i32 to vector<8x1xi32>
          %sign3A_64 = arith.cmpi sgt, %add3A, %sign3A_63 : vector<8x1xi32>
          %sign3A_65 = arith.extui %sign3A_64 : vector<8x1xi1> to vector<8x1xi32>
          %sign3A_66 = arith.constant 0 : i32
          %sign3A_67 = vector.broadcast %sign3A_66 : i32 to vector<8x1xi32>
          %sign3A_68 = arith.cmpi slt, %add3A, %sign3A_67 : vector<8x1xi32>
          %sign3A_69 = arith.extui %sign3A_68 : vector<8x1xi1> to vector<8x1xi32>
          %sign3A_70 = arith.subi %sign3A_65, %sign3A_69 : vector<8x1xi32>
          %sign3A_71 = arith.constant 0 : i32
          %sign3A_72 = arith.cmpi sgt, %jit3A_61, %sign3A_71 : i32
          %sign3A_73 = arith.extui %sign3A_72 : i1 to i32
          %sign3A_74 = arith.constant 0 : i32
          %sign3A_75 = arith.cmpi slt, %jit3A_61, %sign3A_74 : i32
          %sign3A_76 = arith.extui %sign3A_75 : i1 to i32
          %sign3A_77 = arith.subi %sign3A_73, %sign3A_76 : i32
          %ne3A = vector.broadcast %sign3A_77 : i32 to vector<8x1xi32>
          %ne3A_78 = arith.cmpi ne, %sign3A_70, %ne3A : vector<8x1xi32>
          %rem3A = vector.broadcast %jit3A_61 : i32 to vector<8x1xi32>
          %rem3A_79 = arith.remsi %add3A, %rem3A : vector<8x1xi32>
          %ne3A_80 = arith.constant 0 : i32
          %ne3A_81 = vector.broadcast %ne3A_80 : i32 to vector<8x1xi32>
          %ne3A_82 = arith.cmpi ne, %rem3A_79, %ne3A_81 : vector<8x1xi32>
          %and3A_83 = arith.andi %ne3A_78, %ne3A_82 : vector<8x1xi1>
          %sub3A = arith.constant 1 : i32
          %sub3A_84 = vector.broadcast %sub3A : i32 to vector<8x1xi32>
          %sub3A_85 = arith.subi %div3A_62, %sub3A_84 : vector<8x1xi32>
          %select_n3A_86 = arith.select %and3A_83, %sub3A_85, %div3A_62 : vector<8x1xi1>, vector<8x1xi32>
          %ge3A_87 = vector.broadcast %select_n3A_86 : vector<8x1xi32> to vector<8x32768xi32>
          %ge3A_88 = arith.cmpi sge, %iota3A_49, %ge3A_87 : vector<8x32768xi32>
          %and3A_89 = arith.andi %eq3A_29, %ge3A_88 : vector<8x32768xi1>
          %convert_element_type3A_90 = arith.extui %and3A_89 : vector<8x32768xi1> to vector<8x32768xi32>
          %reduce_sum3A = arith.constant dense<0> : vector<8xi32>
          %reduce_sum3A_91 = vector.multi_reduction <add>, %convert_element_type3A_90, %reduce_sum3A [1] : vector<8x32768xi32> to vector<8xi32>
          %broadcast_in_dim3A_92 = vector.shape_cast %reduce_sum3A_91 : vector<8xi32> to vector<8x1xi32>
          %ge3A_93 = arith.cmpi sge, %broadcast_in_dim3A_92, %convert_element_type3A_24 : vector<8x1xi32>
          %select_n3A_94 = arith.select %ge3A_93, %select_n3A_86, %scan3A_59 : vector<8x1xi1>, vector<8x1xi32>
          %select_n3A_95 = arith.select %ge3A_93, %scan3A_60, %select_n3A_86 : vector<8x1xi1>, vector<8x1xi32>
          scf.yield %select_n3A_94, %select_n3A_95 : vector<8x1xi32>, vector<8x1xi32>
        }
        scf.yield %scan3A_57#0 : vector<8x1xi32>
      } else {
        %broadcast_in_dim3A_49 = arith.constant 0 : i32
        %broadcast_in_dim3A_50 = vector.broadcast %broadcast_in_dim3A_49 : i32 to vector<8x1xi32>
        scf.yield %broadcast_in_dim3A_50 : vector<8x1xi32>
      }
      %iota3A = tpu.iota {dimensions = array<i32: 1>} : vector<8x32768xi32>
      %ge3A = vector.broadcast %cond3A_45 : vector<8x1xi32> to vector<8x32768xi32>
      %ge3A_46 = arith.cmpi sge, %iota3A, %ge3A : vector<8x32768xi32>
      %and3A = arith.andi %eq3A_29, %ge3A_46 : vector<8x32768xi1>
      %or3A = arith.ori %gt3A_28, %and3A : vector<8x32768xi1>
      %mul3A = arith.constant 1.280000e+02 : f32
      %mul3A_47 = vector.broadcast %mul3A : f32 to vector<8x32768xf32>
      %mul3A_48 = arith.mulf %get3A_1, %mul3A_47 : vector<8x32768xf32>
      %jit3A = arith.constant 0.000000e+00 : f32
      %broadcast_in_dim3A = vector.broadcast %jit3A : f32 to vector<8x32768xf32>
      %select_n3A = arith.select %or3A, %mul3A_48, %broadcast_in_dim3A : vector<8x32768xi1>, vector<8x32768xf32>
      scf.yield %select_n3A : vector<8x32768xf32>
    } else {
      %bitcast_convert_type3A = tpu.bitcast %get3A_1 : vector<8x32768xf32> -> vector<8x32768xi32>
      %ge3A = arith.constant -2147483648 : i32
      %ge3A_22 = vector.broadcast %ge3A : i32 to vector<8x32768xi32>
      %ge3A_23 = arith.cmpi uge, %bitcast_convert_type3A, %ge3A_22 : vector<8x32768xi32>
      %not3A = arith.constant dense<-1> : vector<8x32768xi32>
      %not3A_24 = arith.xori %bitcast_convert_type3A, %not3A : vector<8x32768xi32>
      %or3A = arith.constant -2147483648 : i32
      %or3A_25 = vector.broadcast %or3A : i32 to vector<8x32768xi32>
      %or3A_26 = arith.ori %bitcast_convert_type3A, %or3A_25 : vector<8x32768xi32>
      %select_n3A = arith.select %ge3A_23, %not3A_24, %or3A_26 : vector<8x32768xi1>, vector<8x32768xi32>
      %broadcast_in_dim3A = arith.constant 0 : i32
      %broadcast_in_dim3A_27 = vector.broadcast %broadcast_in_dim3A : i32 to vector<8x1xi32>
      %broadcast_in_dim3A_28 = arith.constant -1 : i32
      %broadcast_in_dim3A_29 = vector.broadcast %broadcast_in_dim3A_28 : i32 to vector<8x1xi32>
      %scan3A = arith.constant 0 : i32
      %scan3A_30 = arith.constant 32 : i32
      %scan3A_31 = arith.addi %scan3A, %scan3A_30 : i32
      %scan3A_32 = arith.constant 1 : i32
      %scan3A_33:2 = scf.for %scan3A_69 = %scan3A to %scan3A_31 step %scan3A_32 iter_args(%scan3A_70 = %broadcast_in_dim3A_27, %scan3A_71 = %broadcast_in_dim3A_29) -> (vector<8x1xi32>, vector<8x1xi32>)  : i32 {
        %sub3A_72 = arith.subi %scan3A_71, %scan3A_70 : vector<8x1xi32>
        %jit3A_73 = arith.constant 2 : i32
        %div3A = vector.broadcast %jit3A_73 : i32 to vector<8x1xi32>
        %div3A_74 = arith.divui %sub3A_72, %div3A : vector<8x1xi32>
        %add3A = arith.addi %scan3A_70, %div3A_74 : vector<8x1xi32>
        %gt3A_75 = vector.broadcast %add3A : vector<8x1xi32> to vector<8x32768xi32>
        %gt3A_76 = arith.cmpi ugt, %select_n3A, %gt3A_75 : vector<8x32768xi32>
        %convert_element_type3A_77 = arith.extui %gt3A_76 : vector<8x32768xi1> to vector<8x32768xi32>
        %reduce_sum3A_78 = arith.constant dense<0> : vector<8xi32>
        %reduce_sum3A_79 = vector.multi_reduction <add>, %convert_element_type3A_77, %reduce_sum3A_78 [1] : vector<8x32768xi32> to vector<8xi32>
        %broadcast_in_dim3A_80 = vector.shape_cast %reduce_sum3A_79 : vector<8xi32> to vector<8x1xi32>
        %ge3A_81 = arith.constant 256 : i32
        %ge3A_82 = vector.broadcast %ge3A_81 : i32 to vector<8x1xi32>
        %ge3A_83 = arith.cmpi sge, %broadcast_in_dim3A_80, %ge3A_82 : vector<8x1xi32>
        %add3A_84 = arith.constant 1 : i32
        %add3A_85 = vector.broadcast %add3A_84 : i32 to vector<8x1xi32>
        %add3A_86 = arith.addi %add3A, %add3A_85 : vector<8x1xi32>
        %select_n3A_87 = arith.select %ge3A_83, %add3A_86, %scan3A_70 : vector<8x1xi1>, vector<8x1xi32>
        %select_n3A_88 = arith.select %ge3A_83, %scan3A_71, %add3A : vector<8x1xi1>, vector<8x1xi32>
        scf.yield %select_n3A_87, %select_n3A_88 : vector<8x1xi32>, vector<8x1xi32>
      }
      %gt3A_34 = vector.broadcast %scan3A_33#0 : vector<8x1xi32> to vector<8x32768xi32>
      %gt3A_35 = arith.cmpi ugt, %select_n3A, %gt3A_34 : vector<8x32768xi32>
      %convert_element_type3A_36 = arith.extui %gt3A_35 : vector<8x32768xi1> to vector<8x32768xi32>
      %reduce_sum3A = arith.constant dense<0> : vector<8xi32>
      %reduce_sum3A_37 = vector.multi_reduction <add>, %convert_element_type3A_36, %reduce_sum3A [1] : vector<8x32768xi32> to vector<8xi32>
      %broadcast_in_dim3A_38 = vector.shape_cast %reduce_sum3A_37 : vector<8xi32> to vector<8x1xi32>
      %sub3A = arith.constant 256 : i32
      %sub3A_39 = vector.broadcast %sub3A : i32 to vector<8x1xi32>
      %sub3A_40 = arith.subi %sub3A_39, %broadcast_in_dim3A_38 : vector<8x1xi32>
      %eq3A = vector.broadcast %scan3A_33#0 : vector<8x1xi32> to vector<8x32768xi32>
      %eq3A_41 = arith.cmpi eq, %select_n3A, %eq3A : vector<8x32768xi32>
      %convert_element_type3A_42 = arith.extui %eq3A_41 : vector<8x32768xi1> to vector<8x32768xi32>
      %reduce_sum3A_43 = arith.constant dense<0> : vector<8xi32>
      %reduce_sum3A_44 = vector.multi_reduction <add>, %convert_element_type3A_42, %reduce_sum3A_43 [1] : vector<8x32768xi32> to vector<8xi32>
      %broadcast_in_dim3A_45 = vector.shape_cast %reduce_sum3A_44 : vector<8xi32> to vector<8x1xi32>
      %gt3A_46 = arith.cmpi sgt, %broadcast_in_dim3A_45, %sub3A_40 : vector<8x1xi32>
      %reduce_or3A = arith.constant 1.000000e+00 : f32
      %reduce_or3A_47 = arith.constant 0.000000e+00 : f32
      %reduce_or3A_48 = vector.broadcast %reduce_or3A : f32 to vector<8x1xf32>
      %reduce_or3A_49 = vector.broadcast %reduce_or3A_47 : f32 to vector<8x1xf32>
      %reduce_or3A_50 = arith.select %gt3A_46, %reduce_or3A_48, %reduce_or3A_49 : vector<8x1xi1>, vector<8x1xf32>
      %reduce_or3A_51 = vector.shape_cast %reduce_or3A_50 : vector<8x1xf32> to vector<1x8x1xf32>
      %reduce_or3A_52 = arith.constant dense<0xFF800000> : vector<1xf32>
      %reduce_or3A_53 = vector.multi_reduction <maximumf>, %reduce_or3A_51, %reduce_or3A_52 [1, 2] : vector<1x8x1xf32> to vector<1xf32>
      %reduce_or3A_54 = vector.shape_cast %reduce_or3A_53 : vector<1xf32> to vector<1x1x1xf32>
      %reduce_or3A_55 = vector.extract %reduce_or3A_54[0, 0, 0] : f32 from vector<1x1x1xf32>
      %reduce_or3A_56 = arith.constant 0.000000e+00 : f32
      %reduce_or3A_57 = arith.cmpf ogt, %reduce_or3A_55, %reduce_or3A_56 : f32
      %convert_element_type3A_58 = arith.extui %reduce_or3A_57 : i1 to i32
      %cond3A_59 = arith.constant 0 : i32
      %cond3A_60 = arith.cmpi ne, %convert_element_type3A_58, %cond3A_59 : i32
      %cond3A_61 = scf.if %cond3A_60 -> (vector<8x1xi32>) {
        %iota3A_69 = tpu.iota {dimensions = array<i32: 1>} : vector<8x32768xi32>
        %broadcast_in_dim3A_70 = arith.constant 0 : i32
        %broadcast_in_dim3A_71 = vector.broadcast %broadcast_in_dim3A_70 : i32 to vector<8x1xi32>
        %broadcast_in_dim3A_72 = arith.constant 32768 : i32
        %broadcast_in_dim3A_73 = vector.broadcast %broadcast_in_dim3A_72 : i32 to vector<8x1xi32>
        %scan3A_74 = arith.constant 0 : i32
        %scan3A_75 = arith.constant 15 : i32
        %scan3A_76 = arith.addi %scan3A_74, %scan3A_75 : i32
        %scan3A_77 = arith.constant 1 : i32
        %scan3A_78:2 = scf.for %scan3A_79 = %scan3A_74 to %scan3A_76 step %scan3A_77 iter_args(%scan3A_80 = %broadcast_in_dim3A_71, %scan3A_81 = %broadcast_in_dim3A_73) -> (vector<8x1xi32>, vector<8x1xi32>)  : i32 {
          %add3A = arith.addi %scan3A_80, %scan3A_81 : vector<8x1xi32>
          %jit3A_82 = arith.constant 2 : i32
          %div3A = vector.broadcast %jit3A_82 : i32 to vector<8x1xi32>
          %div3A_83 = arith.divsi %add3A, %div3A : vector<8x1xi32>
          %sign3A = arith.constant 0 : i32
          %sign3A_84 = vector.broadcast %sign3A : i32 to vector<8x1xi32>
          %sign3A_85 = arith.cmpi sgt, %add3A, %sign3A_84 : vector<8x1xi32>
          %sign3A_86 = arith.extui %sign3A_85 : vector<8x1xi1> to vector<8x1xi32>
          %sign3A_87 = arith.constant 0 : i32
          %sign3A_88 = vector.broadcast %sign3A_87 : i32 to vector<8x1xi32>
          %sign3A_89 = arith.cmpi slt, %add3A, %sign3A_88 : vector<8x1xi32>
          %sign3A_90 = arith.extui %sign3A_89 : vector<8x1xi1> to vector<8x1xi32>
          %sign3A_91 = arith.subi %sign3A_86, %sign3A_90 : vector<8x1xi32>
          %sign3A_92 = arith.constant 0 : i32
          %sign3A_93 = arith.cmpi sgt, %jit3A_82, %sign3A_92 : i32
          %sign3A_94 = arith.extui %sign3A_93 : i1 to i32
          %sign3A_95 = arith.constant 0 : i32
          %sign3A_96 = arith.cmpi slt, %jit3A_82, %sign3A_95 : i32
          %sign3A_97 = arith.extui %sign3A_96 : i1 to i32
          %sign3A_98 = arith.subi %sign3A_94, %sign3A_97 : i32
          %ne3A = vector.broadcast %sign3A_98 : i32 to vector<8x1xi32>
          %ne3A_99 = arith.cmpi ne, %sign3A_91, %ne3A : vector<8x1xi32>
          %rem3A = vector.broadcast %jit3A_82 : i32 to vector<8x1xi32>
          %rem3A_100 = arith.remsi %add3A, %rem3A : vector<8x1xi32>
          %ne3A_101 = arith.constant 0 : i32
          %ne3A_102 = vector.broadcast %ne3A_101 : i32 to vector<8x1xi32>
          %ne3A_103 = arith.cmpi ne, %rem3A_100, %ne3A_102 : vector<8x1xi32>
          %and3A_104 = arith.andi %ne3A_99, %ne3A_103 : vector<8x1xi1>
          %sub3A_105 = arith.constant 1 : i32
          %sub3A_106 = vector.broadcast %sub3A_105 : i32 to vector<8x1xi32>
          %sub3A_107 = arith.subi %div3A_83, %sub3A_106 : vector<8x1xi32>
          %select_n3A_108 = arith.select %and3A_104, %sub3A_107, %div3A_83 : vector<8x1xi1>, vector<8x1xi32>
          %ge3A_109 = vector.broadcast %select_n3A_108 : vector<8x1xi32> to vector<8x32768xi32>
          %ge3A_110 = arith.cmpi sge, %iota3A_69, %ge3A_109 : vector<8x32768xi32>
          %and3A_111 = arith.andi %eq3A_41, %ge3A_110 : vector<8x32768xi1>
          %convert_element_type3A_112 = arith.extui %and3A_111 : vector<8x32768xi1> to vector<8x32768xi32>
          %reduce_sum3A_113 = arith.constant dense<0> : vector<8xi32>
          %reduce_sum3A_114 = vector.multi_reduction <add>, %convert_element_type3A_112, %reduce_sum3A_113 [1] : vector<8x32768xi32> to vector<8xi32>
          %broadcast_in_dim3A_115 = vector.shape_cast %reduce_sum3A_114 : vector<8xi32> to vector<8x1xi32>
          %ge3A_116 = arith.cmpi sge, %broadcast_in_dim3A_115, %sub3A_40 : vector<8x1xi32>
          %select_n3A_117 = arith.select %ge3A_116, %select_n3A_108, %scan3A_80 : vector<8x1xi1>, vector<8x1xi32>
          %select_n3A_118 = arith.select %ge3A_116, %scan3A_81, %select_n3A_108 : vector<8x1xi1>, vector<8x1xi32>
          scf.yield %select_n3A_117, %select_n3A_118 : vector<8x1xi32>, vector<8x1xi32>
        }
        scf.yield %scan3A_78#0 : vector<8x1xi32>
      } else {
        %broadcast_in_dim3A_69 = arith.constant 0 : i32
        %broadcast_in_dim3A_70 = vector.broadcast %broadcast_in_dim3A_69 : i32 to vector<8x1xi32>
        scf.yield %broadcast_in_dim3A_70 : vector<8x1xi32>
      }
      %iota3A = tpu.iota {dimensions = array<i32: 1>} : vector<8x32768xi32>
      %ge3A_62 = vector.broadcast %cond3A_61 : vector<8x1xi32> to vector<8x32768xi32>
      %ge3A_63 = arith.cmpi sge, %iota3A, %ge3A_62 : vector<8x32768xi32>
      %and3A = arith.andi %eq3A_41, %ge3A_63 : vector<8x32768xi1>
      %or3A_64 = arith.ori %gt3A_35, %and3A : vector<8x32768xi1>
      %mul3A = arith.constant 1.280000e+02 : f32
      %mul3A_65 = vector.broadcast %mul3A : f32 to vector<8x32768xf32>
      %mul3A_66 = arith.mulf %get3A_1, %mul3A_65 : vector<8x32768xf32>
      %jit3A = arith.constant 0.000000e+00 : f32
      %broadcast_in_dim3A_67 = vector.broadcast %jit3A : f32 to vector<8x32768xf32>
      %select_n3A_68 = arith.select %or3A_64, %mul3A_66, %broadcast_in_dim3A_67 : vector<8x32768xi1>, vector<8x32768xf32>
      scf.yield %select_n3A_68 : vector<8x32768xf32>
    }
    %swap3A = arith.constant 0 : index
    %swap3A_20 = arith.constant 0 : index
    %swap3A_21 = vector.load %arg3[%swap3A, %swap3A_20] : memref<8x32768xf32, #tpu.memory_space<vmem>>, vector<8x32768xf32>
    tpu.vector_store %arg3[%swap3A, %swap3A_20], %cond3A_19 {strides = array<i32>} : memref<8x32768xf32, #tpu.memory_space<vmem>>, vector<8x32768xf32>,
    return
  }
  func.func @transform_0(%arg0: i32) -> (i32, i32) {
    %c0_i32 = arith.constant 0 : i32
    %c0_i32_0 = arith.constant 0 : i32
    return %arg0, %c0_i32 : i32, i32
  }
  func.func @transform_1(%arg0: i32) -> (i32, i32) {
    %c0_i32 = arith.constant 0 : i32
    %c0_i32_0 = arith.constant 0 : i32
    return %arg0, %c0_i32 : i32, i32
  }
  func.func @transform_2(%arg0: i32) -> (i32, i32) {
    %c0_i32 = arith.constant 0 : i32
    %c0_i32_0 = arith.constant 0 : i32
    return %arg0, %c0_i32 : i32, i32
  }
}

</mosaic_0001>

<sc_bundles>
// kernel: kernel.4.cloned.1.call-start
scs
__scs_entry_jumppad:
0x0: {  	(pc) =	sbr.rel $0x88, $3  }
0x1: {  	(tag) =	ssettag $0x0;
	lr =	simm.s32 $0x1  }
0x2: {  	[smem:$0x3FA0] =	sst lr;
	_ =	strace $0xD0000000  }
0x3: {  	_ = 	snop  }
0x4: {  	_ = 	snop  }
0x5: {  	_ = 	snop  }
0x6: {  	_ = 	snop  }
0x7: {  	_ = 	snop  }
__scs_overlays_trampoline_lowered:
0x8: {  	[smem:$0x3FAF] =	sst s0  }
0x9: {  	[smem:$0x3FB0] =	sst s1  }
0xa: {  	[smem:$0x3FB1] =	sst s2  }
0xb: {  	[smem:$0x3FB2] =	sst s3  }
0xc: {  	[smem:$0x3FB3] =	sst s4  }
0xd: {  	[smem:$0x3FB4] =	sst s5  }
0xe: {  	[smem:$0x3FB5] =	sst s6  }
0xf: {  	[smem:$0x3FB6] =	sst s7  }
0x10: {  	[smem:$0x3FB7] =	sst s8  }
0x11: {  	[smem:$0x3FB8] =	sst s9;
	s0 =	simm.s32 @!p0 $0x0  }
0x12: {  	s1 =	sld [smem:$0x3F9E];
	s0 =	simm.s32 @p0 $0x1  }
0x13: {  	[smem:$0x3FB9] =	sst s0;
	s0 =	simm.s32 @!p1 $0x0  }
0x14: {  	s2 =	sld [smem:$0x3F9D];
	s0 =	simm.s32 @p1 $0x1  }
0x15: {  	[smem:$0x3FBA] =	sst s0;
	s0 =	simm.s32 @!p2 $0x0  }
0x16: {  	s3 =	sld [smem:$0x3FDB];
	s0 =	simm.s32 @p2 $0x1  }
0x17: {  	s4 =	simm.s32 $0x1BF5;
	[smem:$0x3FBC] =	sst s0  }
0x18: {  	s0 =	sld [smem:$0x3F9F];
	_ =	swait.ge [sflag:s4], $0x0  }
0x19: {  	s7 =	sld [smem:$0x3FA0]  }
0x1a: {  	s8 =	sadd.s32 $0xFFFFE003, lr  }
0x1b: {  	s9 =	sadd.s32 $0xFFFFFEF7, lr;
	s5 =	simm.s32 $0xFFFFFFFF;
	p2 =	slt.u32 s8, $0xFFFFF086  }
0x1c: {  	p1 =	slt.u32 s9, $0xF7A;
	s5 =	simm.s32 @!p2 $0x0  }
0x1d: {  	s5 =	simm.s32 @p1 $0x1;
	p0 =	seq.s32 s7, s2  }
0x1e: {  	s7 =	smul.u32 @!p0 $0xF7A, s2;
	p2 =	seq.s32 @!p0 s5, $0x0  }
0x1f: {  	s9 =	smul.u32 $0xF7A, s1;
	s8 =	simm.s32 @!p0 $0x1BF5;
	p2 =	por !p2, p0  }
0x20: {  	[sflag:s8] =	ssyncset.s32 @!p0 $0xFFFFF086;
	s6 =	sadd.s32 @!p0 s3, s7;
	s7 =	simm.s32 @!p0 $0x108  }
0x21: {  	s3 =	sadd.s32 s3, s9;
	s6 =	sadd.s32 @!p0 $0x88, s6;
	s7 =	simm.s32 @p2 $0x1082  }
0x22: {  	[simem:s7], [sflag:s8] =	dma.local @!p0 [hbm:s6], $0xF7A  }
0x23: {  	s9 =	sor.u32 $0xD0000000, s2;
	s6 =	simm.s32 $0x108;
	_ =	swait.ge @!p0 [sflag:s8], $0x0  }
0x24: {  	s3 =	sadd.s32 $0x88, s3;
	s6 =	simm.s32 @!p1 $0x1082;
	[sflag:s4] =	ssyncset.s32 $0xFFFFF086  }
0x25: {  	[simem:s6], [sflag:s4] =	dma.local [hbm:s3], $0xF7A  }
0x26: {  	[smem:$0x3FA0] =	sst s1;
	(tag) =	ssettag s2;
	_ =	strace s9  }
0x27: {  	s1 =	sld [smem:$0x3FB0]  }
0x28: {  	s2 =	sld [smem:$0x3FB1]  }
0x29: {  	s4 =	sld [smem:$0x3FB3]  }
0x2a: {  	p0 =	seq.s32 s5, $0x0;
	s5 =	sld [smem:$0x3FB4]  }
0x2b: {  	s6 =	sld [smem:$0x3FB5]  }
0x2c: {  	s7 =	sld [smem:$0x3FB6]  }
0x2d: {  	s3 =	simm.s32 $0x108;
	s8 =	sld [smem:$0x3FB7]  }
0x2e: {  	s3 =	simm.s32 @!p0 $0x1082;
	s9 =	sld [smem:$0x3FB8]  }
0x2f: {  	lr =	sadd.s32 s0, s3;
	s0 =	sld [smem:$0x3FAF]  }
0x30: {  	s3 =	sld [smem:$0x3FB2]  }
0x31: {  	[smem:$0x3FBB] =	sst s10  }
0x32: {  	s10 =	sld [smem:$0x3FB9];
	_ =	sdelay $0x3  }
0x33: {  	p0 =	seq.s32 s10, $0x1;
	s10 =	sld [smem:$0x3FBB];
	_ =	sdelay $0x3  }
0x34: {  	[smem:$0x3FBB] =	sst s10  }
0x35: {  	s10 =	sld [smem:$0x3FBA];
	_ =	sdelay $0x3  }
0x36: {  	p1 =	seq.s32 s10, $0x1;
	s10 =	sld [smem:$0x3FBB];
	_ =	sdelay $0x3  }
0x37: {  	[smem:$0x3FBB] =	sst s10  }
0x38: {  	s10 =	sld [smem:$0x3FBC]  }
0x39: {  	_ = 	snop;
	(pc) =	sbr.ind lr, $3  }
0x3a: {  	_ = 	snop  }
0x3b: {  	_ = 	snop  }
0x3c: {  	p2 =	seq.s32 s10, $0x1;
	s10 =	sld [smem:$0x3FBB]  }
0x3d: {  	_ =	shalt  }
0x3e: {  	_ =	shalt  }
0x3f: {  	_ =	shalt  }
0x40: {  	_ =	shalt  }
0x41: {  	_ =	shalt  }
0x42: {  	_ =	shalt  }
0x43: {  	_ =	shalt  }
0x44: {  	_ =	shalt  }
0x45: {  	_ =	shalt  }
0x46: {  	_ =	shalt  }
0x47: {  	_ =	shalt  }
0x48: {  	_ =	shalt  }
0x49: {  	_ =	shalt  }
0x4a: {  	_ =	shalt  }
0x4b: {  	_ =	shalt  }
0x4c: {  	_ =	shalt  }
0x4d: {  	_ =	shalt  }
0x4e: {  	_ =	shalt  }
0x4f: {  	_ =	shalt  }
0x50: {  	_ =	shalt  }
0x51: {  	_ =	shalt  }
0x52: {  	_ =	shalt  }
0x53: {  	_ =	shalt  }
0x54: {  	_ =	shalt  }
0x55: {  	_ =	shalt  }
0x56: {  	_ =	shalt  }
0x57: {  	_ =	shalt  }
0x58: {  	_ =	shalt  }
0x59: {  	_ =	shalt  }
0x5a: {  	_ =	shalt  }
0x5b: {  	_ =	shalt  }
0x5c: {  	_ =	shalt  }
0x5d: {  	_ =	shalt  }
0x5e: {  	_ =	shalt  }
0x5f: {  	_ =	shalt  }
0x60: {  	_ =	shalt  }
0x61: {  	_ =	shalt  }
0x62: {  	_ =	shalt  }
0x63: {  	_ =	shalt  }
0x64: {  	_ =	shalt  }
0x65: {  	_ =	shalt  }
0x66: {  	_ =	shalt  }
0x67: {  	_ =	shalt  }
0x68: {  	_ =	shalt  }
0x69: {  	_ =	shalt  }
0x6a: {  	_ =	shalt  }
0x6b: {  	_ =	shalt  }
0x6c: {  	_ =	shalt  }
0x6d: {  	_ =	shalt  }
0x6e: {  	_ =	shalt  }
0x6f: {  	_ =	shalt  }
0x70: {  	_ =	shalt  }
0x71: {  	_ =	shalt  }
0x72: {  	_ =	shalt  }
0x73: {  	_ =	shalt  }
0x74: {  	_ =	shalt  }
0x75: {  	_ =	shalt  }
0x76: {  	_ =	shalt  }
0x77: {  	_ =	shalt  }
0x78: {  	_ =	shalt  }
0x79: {  	_ =	shalt  }
0x7a: {  	_ =	shalt  }
0x7b: {  	_ =	shalt  }
0x7c: {  	_ =	shalt  }
0x7d: {  	_ =	shalt  }
0x7e: {  	_ =	shalt  }
0x7f: {  	_ =	shalt  }
0x80: {  	_ =	shalt  }
0x81: {  	_ =	shalt  }
0x82: {  	_ =	shalt  }
0x83: {  	_ =	shalt  }
0x84: {  	_ =	shalt  }
0x85: {  	_ =	shalt  }
0x86: {  	_ =	shalt  }
0x87: {  	_ =	shalt  }
.Lfunc_end0:
.L_simem_size_0:
called_computation_lowered:
.L_overlay_start_0:
0x88: {  	s2 =	sld [smem:$0x3FD9]  }
0x89: {  	s3 =	sld [smem:$0x3FFE];
	_ =	sdelay $0x1  }
0x8a: {  	s1 =	srdreg.scid  }
0x8b: {  	s0 =	sand.u32 $0x1, s1  }
0x8c: {  	s18 =	sshll.u32 s0, $0xA;
	s2 =	sadd.s32 s3, s2  }
0x8d: {  	s2 =	sadd.s32 s2, s18  }
0x8e: {  	[smem:$0x3FC7] =	sst s2  }
0x8f: {  	_ = 	snop  }
0x90: {  	s2 =	sld [smem:$0x3FC9]  }
0x91: {  	s19 =	sld [smem:$0x3FD0];
	(tm) =	ssettm $0x1  }
0x92: {  	s4 =	sld [smem:$0x3FFB];
	_ =	sdelay $0x3  }
0x93: {  	_ =	strace s4  }
0x94: {  	s4 =	sld [smem:$0x3FFC];
	_ =	sdelay $0x3  }
0x95: {  	_ =	strace s4  }
0x96: {  	s4 =	sld [smem:$0x3FFD];
	_ =	sdelay $0x3  }
0x97: {  	_ =	strace s4  }
0x98: {  	_ =	strace $0x8FFFFFFF  }
0x99: {  	s20 =	sld [smem:$0x3FDB];
	_ =	sdelay $0x1  }
0x9a: {  	s5 =	simm.s32 $_scs_section_size  }
0x9b: {  	s6 =	simm.s32 $_size__tile_overlayer_lowered;
	s7 =	simm.s32 $_tile_overlayer_lowered  }
0x9c: {  	s23 =	simm.s32 $0x1BFF;
	s22 =	sshll.u32 s7, $0x1;
	s4 =	sadd.s32 s5, s20  }
0x9d: {  	s8 =	simm.s32 $0x0;
	s21 =	sshll.u32 s6, $0x1;
	s6 =	sadd.s32 s22, s4  }
0x9e: {  	[timem:s8], [sflag:s23] =	dma.local [hbm:s6], s21  }
0x9f: {  	_ =	swait.ge [sflag:s23], s21  }
0xa0: {  	s5 =	ssub.s32 $0x0, s21;
	[sflag:s23] =	ssyncset.done $0x0  }
0xa1: {  	[sflag:s23] =	ssyncadd.s32 s5;
	_ =	sdelay $0x1  }
0xa2: {  	s24 =	simm.s32 $0x1B8B  }
0xa3: {  	_ =	swait.ge [sflag:s24], $0x1  }
0xa4: {  	[sflag:s24] =	ssyncset.done $0x0  }
0xa5: {  	s25 =	simm.s32 $0x1B8E;
	[sflag:s24] =	ssyncadd.s32 $0xFFFFFFFF  }
0xa6: {  	s26 =	simm.s32 $execute0_lowered;
	[smem:$0x3FD2] =	sst s25  }
0xa7: {  	s5 =	sshll.u32 s26, $0x1;
	_ =	strace $0x80000046;
	[dreg:$0x1] =	wrdreg $0xFFFFFFFF  }
0xa8: {  	s28 =	simm.s32 $_size_execute0_lowered;
	s4 =	sadd.s32 s4, s5;
	[dreg:$0x0] =	wrdreg $0x0  }
0xa9: {  	s5 =	sshll.u32 s28, $0x1;
	[dreg:$0x2] =	wrdreg s4  }
0xaa: {  	[dreg:$0x3] =	wrdreg s5  }
0xab: {  	[dreg:$0x4] =	wrdreg $0xC0  }
0xac: {  	_ =	task [dreg:s8], $0x5FFFF  }
0xad: {  	[dreg:$0x1] =	wrdreg $0xFFFFFFFF  }
0xae: {  	[dreg:$0x0] =	wrdreg $0x60  }
0xaf: {  	[dreg:$0x2] =	wrdreg s2  }
0xb0: {  	[dreg:$0x3] =	wrdreg s19  }
0xb1: {  	[dreg:$0x4] =	wrdreg $0x9  }
0xb2: {  	_ =	task.clear_ibuf [dreg:s8], $0x5FFFF;
	_ =	strace $0x90000046  }
0xb3: {  	s29 =	simm.s32 $0x9;
	_ =	strace $0x80000048  }
0xb4: {  	_ =	swait.ge [sflag:s29], $0x1  }
0xb5: {  	[sflag:s29] =	ssyncadd.s32 $0xFFFFFFFF  }
0xb6: {  	_ =	strace $0x90000048  }
0xb7: {  	_ =	sfence  }
0xb8: {  	s30 =	sld [smem:$0x0];
	_ =	sdelay $0x2  }
0xb9: {  	s31 =	sshll.u32 s1, $0xD;
	s1 =	sshrl.u32 s1, $0x2  }
0xba: {  	s3 =	sand.u32 $0x4000, s31;
	s1 =	sadd.s32 s1, s30  }
0xbb: {  	s0 =	sor.u32 s3, s0;
	s1 =	sshll.u32 s1, $0x11  }
0xbc: {  	s0 =	sor.u32 s1, s0  }
0xbd: {  	s0 =	sadd.s32 $0x8F2B, s0  }
0xbe: {  	[sflag:s0] =	ssyncadd.remote.s32 $0x1  }
0xbf: {  	_ =	sfence.sel $0xFFFF  }
0xc0: {  	[dreg:$0x0] =	wrdreg $0xFFFFFFFF;
	(pc) =	sbr.abs _section_cstart, $3  }
0xc1: {  	[dreg:$0x1] =	wrdreg $0xFFFFFFFF  }
0xc2: {  	_ =	task.clear_ibuf [dreg:s8], $0x2FFFF;
	_ =	strace $0x9FFFFFFF  }
0xc3: {  	(tm) =	ssettm $0x7FFFFFFF  }
tec
execute0_lowered:
.L_overlay_start_1:
0x0: {  	(tag) =	ssettag $0x1  }
0x1: {  	s3 =	rddreg [dreg:$0x0]  }
0x2: {  	s7 =	rddreg [dreg:$0x1]  }
0x3: {  	s0 =	rddreg [dreg:$0x2];
	s4 =	srdreg.scid  }
0x4: {  	s2 =	simm.s32 $0x0;
	s1 =	stileid.u32;
	s10 =	simm.s32 $0x400  }
0x5: {  	s11 =	simm.s32 $0x1;
	s12 =	simm.s32 $0x8000;
	s13 =	simm.s32 $0x10000  }
0x6: {  	s14 =	simm.s32 $0x2;
	s15 =	simm.s32 $0x14080;
	s16 =	simm.s32 $0x0  }
0x7: {  	s4 =	sand.u32 $0x1, s4;
	[smem:$0x7FF] =	sst s2;
	s5 =	sshll.u32 s1, $0x12  }
0x8: {  	s8 =	sshll.u32 s1, $0xA;
	s6 =	sshll.u32 s4, $0x9;
	_ =	strace $0x80000047  }
.Ltmp0:
0x9: {  	s4 =	ssub.s32 $0x2, s4;
	s5 =	sor.u32 s6, s5;
	(pc) =	sbr.rel .LBB2_1-.Ltmp0, $4  }
0xa: {  	s9 =	sshrl.u32 s4, $0x1;
	s29 =	sor.u32 s6, s8;
	s5 =	sshrl.u32 s5, $0x3  }
0xb: {  	s30 =	ssub.s32 s4, s9;
	s31 =	sshrl.u32 s29, $0x3;
	s9 =	simm.s32 $0x80  }
0xc: {  	v0 =	vimm.s32 $0x0;
	v1 =	vimm.s32 $0x80000000;
	s3 =	sadd.s32 s3, s5;
	s7 =	sadd.s32 s7, s31;
	s8 =	smax.u32 s30, $0x1  }
0xd: {  	v2 =	vimm.f32 $0.0e+00;
	vm0 =	vmmov $0x1;
	v3 =	vlaneseq.u32;
	s4 =	sadd.s32 $0x10, s3;
	s5 =	sadd.s32 $0x20, s3;
	s6 =	sadd.s32 $0x30, s3  }
.LBB2_63:
0xe: {  	v6 =	vimm.s32 $0x0  }
.LBB2_69:
0xf: {  	(xrf0) =	vadd.scan.msk.s32 $0xffff, v5;
	_ =	sdelay $0x2  }
0x10: {  	(xrf0) =	vadd.scan.msk.s32 $0xffff, v6;
	_ =	sdelay $0x2  }
0x11: {  	v5, _, _ =	vpop (xrf0)  }
0x12: {  	(v2sf) =	vpush v5, $0xF;
	_ =	sdelay $0x1  }
0x13: {  	v5, _, _ =	vpop (xrf0)  }
0x14: {  	(v2sf) =	vpush v5, $0xF;
	_ =	sdelay $0xb  }
0x15: {  	s17 =	sadd.s32 $0x7FFFFF00, s17;
	p0 =	sgt.f32 s18, $0.0e+00;
	s19 =	spop (v2sf)  }
0x16: {  	vm1 =	vlt.s32 v4, $0x0;
	p1 =	slt.u32 s17, $0xF01;
	v5 =	vxor.u32 $0x7FFFFFFF, v4;
	s29 =	ssub.s32 $0x100, s19  }
0x17: {  	p0 =	por !p1, !p0;
	v4 =	vsel vm1, v5, v4;
	s17 =	scvt.s32.f32 s29  }
0x18: {  	p0 =	por !p0, !p0;
	vm1 =	veq.s32 v3, $0x1;
	v4 =	vnsel vm0, $0x0, v4;
	s30 =	spop (v2sf);
	s19 =	simm.f32 $1.000000000e+00  }
0x19: {  	s19 =	simm.s32 @!p0 $0x0;
	s31 =	scvt.s32.f32 s30;
	v4 =	vsel vm1, s17, v4;
	vm1 =	veq.s32 v3, $0x2  }
0x1a: {  	s16 =	sadd.s32 $0x1, s16;
	v4 =	vsel vm1, s19, v4;
	vm1 =	veq.s32 v3, $0x3  }
0x1b: {  	p0 =	sne.s32 s16, s8;
	v4 =	vsel vm1, s31, v4  }
.Ltmp1:
0x1c: {  	[tilespmem:$0x14200] =	vst v4;
	(pc) =	sbr.rel @!p0 .LBB2_70-.Ltmp1, $4  }
0x1d: {  	[hbm4b:s7+s2] =	stream.linear.scatter [tilespmem:s15], [sflag:$0x1], $0x200, $0x38;
	[tilespmem:$0x14280] =	vst v63  }
0x1e: {  	_ =	swait.ge [sflag:s11], $0x200  }
0x1f: {  	[sflag:s11] =	ssyncset.done $0x0  }
0x20: {  	[sflag:s11] =	ssyncadd.s32 $0xFFFFFE00  }
.LBB2_1:
0x21: {  	[tilespmem:s2], [sflag:$0x1] =	stream.strided.gather [hbm4b:s3+s9], $0x8000, s10, s9, $0x38;
	[tilespmem:$0x14280] =	vst v63  }
0x22: {  	_ =	swait.ge [sflag:s11], $0x8000  }
0x23: {  	[sflag:s11] =	ssyncset.done $0x0  }
0x24: {  	s18 =	simm.s32 $0x0;
	[sflag:s11] =	ssyncadd.s32 $0xFFFF8000  }
0x25: {  	[tilespmem:s12], [sflag:$0x2] =	stream.strided.gather [hbm4b:s4+s9], $0x8000, s10, s9, $0x38;
	[tilespmem:$0x14280] =	vst v63  }
0x26: {  	v6 =	vld [tilespmem:s18+$0x0]  }
0x27: {  	s17 =	simm.s32 $0x800;
	v4 =	vimm.f32 $0.0e+00;
	v5 =	vimm.f32 $0.0e+00  }
.LBB2_2:
0x28: {  	p0 =	sne.s32 s17, $0x1F800  }
.Ltmp2:
0x29: {  	_ = 	snop;
	(pc) =	sbr.rel @p0 .LBB2_2-.Ltmp2, $4  }
0x2a: {  	_ = 	snop  }
0x2b: {  	s18 =	sshra.s32 s17, $0x2;
	s17 =	sadd.s32 $0x800, s17;
	v4 =	vadd.f32 v6, v4;
	v7 =	vmul.f32 v6, v6  }
0x2c: {  	v6 =	vld [tilespmem:s18+$0x0]  }
0x2d: {  	v5 =	vadd.f32 v7, v5  }
0x2e: {  	_ =	sdelay $0x2  }
0x2f: {  	v7 =	vmul.f32 v6, v6  }
0x30: {  	v4 =	vadd.f32 v6, v4  }
0x31: {  	v5 =	vadd.f32 v7, v5  }
0x32: {  	(xrf2) =	vadd.scan.msk.f32 $0xffff, v4  }
0x33: {  	(xrf2) =	vadd.scan.msk.f32 $0xffff, v5;
	_ =	sdelay $0x8  }
0x34: {  	v4, _, _ =	vpop (xrf2)  }
0x35: {  	(v2sf) =	vpush v4, $0xF;
	v4, _, _ =	vpop (xrf2)  }
0x36: {  	(v2sf) =	vpush v4, $0xF;
	_ =	sdelay $0xd  }
0x37: {  	s17 =	spop (v2sf)  }
0x38: {  	s17 =	smul.f32 $9.765625000e-04, s17;
	s18 =	spop (v2sf)  }
0x39: {  	s18 =	smul.f32 $9.765625000e-04, s18  }
0x3a: {  	s19 =	smul.f32 s17, s17;
	_ =	sdelay $0x1  }
0x3b: {  	s18 =	ssub.f32 s18, s19;
	_ =	sdelay $0x1  }
0x3c: {  	s18 =	smax.f32 s18, $9.999999960e-13  }
0x3d: {  	s18 =	smin.f32 s18, $2.000000000e+00  }
0x3e: {  	v4 =	vmov s18  }
0x3f: {  	v4 =	vmul.f32 $5.000000000e-01, v4;
	_ =	sdelay $0x1  }
0x40: {  	v5 =	vsub.f32 $1.500000000e+00, v4;
	_ =	sdelay $0x1  }
0x41: {  	v6 =	vmul.f32 v5, v4;
	_ =	sdelay $0x1  }
0x42: {  	v6 =	vmul.f32 v6, v5;
	_ =	sdelay $0x1  }
0x43: {  	v6 =	vsub.f32 $1.500000000e+00, v6;
	_ =	sdelay $0x1  }
0x44: {  	v5 =	vmul.f32 v6, v5;
	_ =	sdelay $0x1  }
0x45: {  	v6 =	vmul.f32 v5, v4;
	_ =	sdelay $0x1  }
0x46: {  	v6 =	vmul.f32 v6, v5;
	_ =	sdelay $0x1  }
0x47: {  	v6 =	vsub.f32 $1.500000000e+00, v6;
	_ =	sdelay $0x1  }
0x48: {  	v5 =	vmul.f32 v6, v5;
	_ =	sdelay $0x1  }
0x49: {  	v6 =	vmul.f32 v5, v4;
	_ =	sdelay $0x1  }
0x4a: {  	v6 =	vmul.f32 v6, v5;
	_ =	sdelay $0x1  }
0x4b: {  	v6 =	vsub.f32 $1.500000000e+00, v6;
	_ =	sdelay $0x1  }
0x4c: {  	v5 =	vmul.f32 v6, v5;
	_ =	sdelay $0x1  }
0x4d: {  	v6 =	vmul.f32 v5, v4;
	_ =	sdelay $0x1  }
0x4e: {  	v6 =	vmul.f32 v6, v5;
	_ =	sdelay $0x1  }
0x4f: {  	v6 =	vsub.f32 $1.500000000e+00, v6;
	_ =	sdelay $0x1  }
0x50: {  	v5 =	vmul.f32 v6, v5;
	_ =	sdelay $0x1  }
0x51: {  	v6 =	vmul.f32 v5, v4;
	_ =	sdelay $0x1  }
0x52: {  	v6 =	vmul.f32 v6, v5;
	_ =	sdelay $0x1  }
0x53: {  	v6 =	vsub.f32 $1.500000000e+00, v6;
	_ =	sdelay $0x1  }
0x54: {  	v5 =	vmul.f32 v6, v5;
	_ =	sdelay $0x1  }
0x55: {  	v6 =	vmul.f32 v5, v4;
	_ =	sdelay $0x1  }
0x56: {  	v6 =	vmul.f32 v6, v5;
	_ =	sdelay $0x1  }
0x57: {  	v6 =	vsub.f32 $1.500000000e+00, v6;
	_ =	sdelay $0x1  }
0x58: {  	v5 =	vmul.f32 v6, v5;
	_ =	sdelay $0x1  }
0x59: {  	v6 =	vmul.f32 v5, v4;
	_ =	sdelay $0x1  }
0x5a: {  	v6 =	vmul.f32 v6, v5;
	_ =	sdelay $0x1  }
0x5b: {  	v6 =	vsub.f32 $1.500000000e+00, v6;
	_ =	sdelay $0x1  }
0x5c: {  	v5 =	vmul.f32 v6, v5;
	_ =	sdelay $0x1  }
0x5d: {  	v6 =	vmul.f32 v5, v4;
	_ =	sdelay $0x1  }
0x5e: {  	v6 =	vmul.f32 v6, v5;
	_ =	sdelay $0x1  }
0x5f: {  	v6 =	vsub.f32 $1.500000000e+00, v6;
	_ =	sdelay $0x1  }
0x60: {  	v5 =	vmul.f32 v6, v5;
	_ =	sdelay $0x1  }
0x61: {  	v6 =	vmul.f32 v5, v4;
	_ =	sdelay $0x1  }
0x62: {  	v6 =	vmul.f32 v6, v5;
	_ =	sdelay $0x1  }
0x63: {  	v6 =	vsub.f32 $1.500000000e+00, v6;
	_ =	sdelay $0x1  }
0x64: {  	v5 =	vmul.f32 v6, v5;
	_ =	sdelay $0x1  }
0x65: {  	v6 =	vmul.f32 v5, v4;
	_ =	sdelay $0x1  }
0x66: {  	v6 =	vmul.f32 v6, v5;
	_ =	sdelay $0x1  }
0x67: {  	v6 =	vsub.f32 $1.500000000e+00, v6;
	_ =	sdelay $0x1  }
0x68: {  	v5 =	vmul.f32 v6, v5;
	_ =	sdelay $0x1  }
0x69: {  	v4 =	vmul.f32 v5, v4;
	_ =	sdelay $0x1  }
0x6a: {  	v4 =	vmul.f32 v4, v5;
	_ =	sdelay $0x1  }
0x6b: {  	v4 =	vsub.f32 $1.500000000e+00, v4;
	_ =	sdelay $0x1  }
0x6c: {  	v4 =	vmul.f32 v4, v5;
	_ =	sdelay $0x1  }
0x6d: {  	v4 =	vmul.f32 s18, v4;
	_ =	sdelay $0x1  }
0x6e: {  	v4 =	vadd.f32 v4, v4;
	_ =	sdelay $0x1  }
0x6f: {  	v6 =	vimm.s32 $0x0;
	v5 =	vimm.s32 $0x80000000;
	v4 =	vadd.f32 s17, v4;
	s17 =	simm.s32 $0x0  }
.LBB2_4:
0x70: {  	s18 =	sshra.s32 s17, $0x2  }
0x71: {  	v7 =	vld [tilespmem:s18+$0x0];
	_ =	sdelay $0x4  }
0x72: {  	vm1 =	vgt.f32 v7, v4  }
0x73: {  	v8 =	vsel vm1, $0x1, v0  }
0x74: {  	(xrf0) =	vadd.scan.msk.s32 $0xffff, v8;
	_ =	sdelay $0x5  }
0x75: {  	v8, _, _ =	vpop (xrf0)  }
0x76: {  	v8 =	vadd.s32 v8, v6  }
0x77: {  	v8 =	vadd.s32 $0xFFFFFFFF, v8  }
0x78: {  	vm2 =	vlt.s32 v8, $0x1000  }
0x79: {  	v8 =	vnsel vm2, $0x1000, v8;
	_ =	sdelay $0x1  }
0x7a: {  	v9 =	vshra.s32 v7, $0x1F  }
0x7b: {  	v9 =	vand.u32 $0x7FFFFFFF, v9  }
0x7c: {  	v7 =	vxor.u32 v7, v9  }
0x7d: {  	[tilespmem:v8+s13+$0x0] =	vst.idx.msk vm1, v7  }
0x7e: {  	v8 =	vld [tilespmem:s18+$0x10];
	_ =	sdelay $0x4  }
0x7f: {  	vm2 =	vgt.f32 v8, v4  }
0x80: {  	v54 =	vsel vm2, $0x1, v0  }
0x81: {  	(xrf0) =	vadd.scan.msk.s32 $0xffff, v54;
	_ =	sdelay $0x3  }
0x82: {  	v55 =	vmpcnt.ones.xlane vm1;
	_ =	sdelay $0x1  }
0x83: {  	v6 =	vadd.s32 v6, v55;
	v56, _, _ =	vpop (xrf0)  }
0x84: {  	v9 =	vadd.s32 v56, v6  }
0x85: {  	v9 =	vadd.s32 $0xFFFFFFFF, v9  }
0x86: {  	vm1 =	vlt.s32 v9, $0x1000  }
0x87: {  	v9 =	vnsel vm1, $0x1000, v9;
	_ =	sdelay $0x1  }
0x88: {  	v10 =	vshra.s32 v8, $0x1F  }
0x89: {  	v10 =	vand.u32 $0x7FFFFFFF, v10  }
0x8a: {  	v8 =	vxor.u32 v8, v10  }
0x8b: {  	[tilespmem:v9+s13+$0x0] =	vst.idx.msk vm2, v8  }
0x8c: {  	v9 =	vld [tilespmem:s18+$0x20];
	_ =	sdelay $0x4  }
0x8d: {  	vm1 =	vgt.f32 v9, v4  }
0x8e: {  	v57 =	vsel vm1, $0x1, v0  }
0x8f: {  	(xrf0) =	vadd.scan.msk.s32 $0xffff, v57;
	_ =	sdelay $0x3  }
0x90: {  	v58 =	vmpcnt.ones.xlane vm2;
	_ =	sdelay $0x1  }
0x91: {  	v6 =	vadd.s32 v6, v58;
	v59, _, _ =	vpop (xrf0)  }
0x92: {  	v10 =	vadd.s32 v59, v6  }
0x93: {  	v10 =	vadd.s32 $0xFFFFFFFF, v10  }
0x94: {  	vm2 =	vlt.s32 v10, $0x1000  }
0x95: {  	v10 =	vnsel vm2, $0x1000, v10;
	_ =	sdelay $0x1  }
0x96: {  	v11 =	vshra.s32 v9, $0x1F  }
0x97: {  	v11 =	vand.u32 $0x7FFFFFFF, v11  }
0x98: {  	v9 =	vxor.u32 v9, v11  }
0x99: {  	[tilespmem:v10+s13+$0x0] =	vst.idx.msk vm1, v9  }
0x9a: {  	v10 =	vld [tilespmem:s18+$0x30];
	_ =	sdelay $0x4  }
0x9b: {  	vm2 =	vgt.f32 v10, v4  }
0x9c: {  	v60 =	vsel vm2, $0x1, v0  }
0x9d: {  	(xrf0) =	vadd.scan.msk.s32 $0xffff, v60;
	_ =	sdelay $0x3  }
0x9e: {  	v61 =	vmpcnt.ones.xlane vm1;
	_ =	sdelay $0x1  }
0x9f: {  	v6 =	vadd.s32 v6, v61;
	v62, _, _ =	vpop (xrf0)  }
0xa0: {  	v11 =	vadd.s32 v62, v6  }
0xa1: {  	vm1 =	vgt.s32 v5, v7;
	v11 =	vadd.s32 $0xFFFFFFFF, v11  }
0xa2: {  	v5 =	vsel vm1, v5, v7;
	vm1 =	vlt.s32 v11, $0x1000  }
0xa3: {  	p0 =	sne.s32 s17, $0x1FF00;
	v7 =	vnsel vm1, $0x1000, v11;
	vm1 =	vgt.s32 v5, v8  }
.Ltmp3:
0xa4: {  	v5 =	vsel vm1, v5, v8;
	v8 =	vshra.s32 v10, $0x1F;
	(pc) =	sbr.rel @p0 .LBB2_4-.Ltmp3, $4  }
0xa5: {  	vm1 =	vgt.s32 v5, v9;
	v8 =	vand.u32 $0x7FFFFFFF, v8  }
0xa6: {  	v63 =	vmpcnt.ones.xlane vm2;
	v5 =	vsel vm1, v5, v9;
	v8 =	vxor.u32 v10, v8  }
0xa7: {  	vm1 =	vgt.s32 v5, v8  }
0xa8: {  	s17 =	sadd.s32 $0x100, s17;
	v6 =	vadd.s32 v6, v63;
	[tilespmem:v7+s13+$0x0] =	vst.idx.msk vm2, v8;
	v5 =	vsel vm1, v5, v8  }
0xa9: {  	v6 =	vxor.u32 $0x80000000, v6  }
0xaa: {  	(xrf0) =	vmax.scan.msk.u32 $0xffff, v6;
	_ =	sdelay $0x2  }
0xab: {  	v5 =	vxor.u32 $0x80000000, v5;
	_ =	sdelay $0x1  }
0xac: {  	(xrf0) =	vmax.scan.msk.u32 $0xffff, v5  }
0xad: {  	v5, _, _ =	vpop (xrf0)  }
0xae: {  	(v2sf) =	vpush v5, $0xF;
	_ =	sdelay $0x3  }
0xaf: {  	v5, _, _ =	vpop (xrf0)  }
0xb0: {  	(v2sf) =	vpush v5, $0xF;
	_ =	sdelay $0x9  }
0xb1: {  	s17 =	spop (v2sf)  }
0xb2: {  	s18 =	sxor.u32 $0x80000000, s17  }
0xb3: {  	p0 =	slt.s32 s18, $0x1000  }
.Ltmp4:
0xb4: {  	s18 =	simm.s32 @!p0 $0x1000;
	(pc) =	sbr.rel .LBB2_6-.Ltmp4, $4  }
0xb5: {  	[tilespmem:s18+$0x10000] =	vst v1  }
0xb6: {  	v5 =	vshra.s32 v4, $0x1F;
	s19 =	spop (v2sf);
	[tilespmem:s18+$0x10010] =	vst v1;
	s20 =	sadd.s32 $0x3F, s18  }
0xb7: {  	v6 =	vand.u32 $0x7FFFFFFF, v5;
	s21 =	sxor.u32 $0x80000000, s19;
	[tilespmem:s18+$0x10020] =	vst v1;
	s19 =	sshra.s32 s20, $0x6  }
0xb8: {  	v4 =	vxor.u32 v4, v6;
	v5 =	vmov s21;
	[tilespmem:s18+$0x10030] =	vst v1;
	s18 =	simm.s32 $0x0;
	p0 =	slt.s32 s19, $0x1  }
.LBB2_9:
0xb9: {  	v11 =	vsel vm1, $0x1, v0;
	vm1 =	vgt.s32 v9, v6  }
0xba: {  	v9 =	vadd.s32 v11, v10;
	v10 =	vsel vm1, $0x1, v0;
	vm1 =	vgt.s32 v8, v6  }
0xbb: {  	v8 =	vadd.s32 v10, v9;
	v9 =	vsel vm1, $0x1, v0;
	vm1 =	vgt.s32 v7, v6  }
0xbc: {  	v7 =	vadd.s32 v9, v8;
	v8 =	vsel vm1, $0x1, v0  }
0xbd: {  	v10 =	vadd.s32 v8, v7  }
.LBB2_10:
0xbe: {  	(xrf0) =	vadd.scan.msk.s32 $0xffff, v10;
	_ =	sdelay $0x5  }
0xbf: {  	v7, _, _ =	vpop (xrf0)  }
0xc0: {  	(v2sf) =	vpush v7, $0xF;
	_ =	sdelay $0xa  }
0xc1: {  	s18 =	sadd.s32 $0x1, s18  }
0xc2: {  	p2 =	sne.s32 s18, $0x1B  }
.Ltmp5:
0xc3: {  	_ = 	snop;
	(pc) =	sbr.rel @!p2 .LBB2_11-.Ltmp5, $4  }
0xc4: {  	_ = 	snop  }
0xc5: {  	s20 =	spop (v2sf)  }
0xc6: {  	v7 =	vadd.s32 $0x1, v6;
	p1 =	sgt.s32 s20, $0xFF  }
0xc7: {  	v4 =	vpsel p1, v7, v4;
	v5 =	vpsel p1, v5, v6  }
.LBB2_6:
.Ltmp6:
0xc8: {  	(pc) =	sbr.rel @p0 .LBB2_10-.Ltmp6, $4  }
0xc9: {  	_ = 	snop  }
0xca: {  	v6 =	vxor.u32 v5, v4  }
0xcb: {  	v7 =	vand.u32 v5, v4;
	v6 =	vshra.s32 v6, $0x1  }
0xcc: {  	v10 =	vimm.s32 $0x0;
	s21 =	simm.s32 $0x10020;
	v6 =	vadd.s32 v6, v7  }
0xcd: {  	v11 =	vld [tilespmem:s21+$0xFFFFFFE0];
	p1 =	sne.s32 s19, $0x1  }
.Ltmp7:
0xce: {  	v9 =	vld [tilespmem:s21+$0xFFFFFFF0];
	(pc) =	sbr.rel @!p1 .LBB2_9-.Ltmp7, $3  }
0xcf: {  	v8 =	vld [tilespmem:s21+$0x0]  }
0xd0: {  	v7 =	vld [tilespmem:s21+$0x10];
	_ =	sdelay $0x1  }
0xd1: {  	s20 =	sadd.s32 $0xFFFFFFFF, s19;
	s21 =	sadd.s32 $0x40, s21;
	vm1 =	vgt.s32 v11, v6  }
.LBB2_8:
0xd2: {  	v11 =	vld [tilespmem:s21+$0xFFFFFFE0];
	p1 =	sne.s32 s20, $0x1;
	s20 =	sadd.s32 $0xFFFFFFFF, s20;
	v12 =	vsel vm1, $0x1, v0;
	vm1 =	vgt.s32 v9, v6  }
.Ltmp8:
0xd3: {  	v9 =	vld [tilespmem:s21+$0xFFFFFFF0];
	v10 =	vadd.s32 v12, v10;
	v12 =	vsel vm1, $0x1, v0;
	vm1 =	vgt.s32 v8, v6;
	(pc) =	sbr.rel @p1 .LBB2_8-.Ltmp8, $4  }
0xd4: {  	v8 =	vld [tilespmem:s21+$0x0];
	v10 =	vadd.s32 v12, v10;
	v12 =	vsel vm1, $0x1, v0;
	vm1 =	vgt.s32 v7, v6  }
0xd5: {  	v7 =	vld [tilespmem:s21+$0x10];
	v10 =	vadd.s32 v12, v10;
	v12 =	vsel vm1, $0x1, v0  }
0xd6: {  	v10 =	vadd.s32 v12, v10  }
0xd7: {  	s21 =	sadd.s32 $0x40, s21;
	vm1 =	vgt.s32 v11, v6  }
.Ltmp9:
0xd8: {  	_ = 	snop;
	(pc) =	sbr.rel .LBB2_9-.Ltmp9, $1  }
0xd9: {  	_ =	sdelay $0x3  }
.LBB2_11:
0xda: {  	vm1 =	veq.s32 v4, v5  }
0xdb: {  	v5 =	vsel vm1, $0x3F800000, v2  }
0xdc: {  	(xrf0) =	vmin.scan.msk.f32 $0xffff, v5;
	_ =	sdelay $0x5  }
0xdd: {  	v5, _, _ =	vpop (xrf0)  }
0xde: {  	(v2sf) =	vpush v5, $0xF;
	_ =	sdelay $0xa  }
.Ltmp10:
0xdf: {  	_ = 	snop;
	(pc) =	sbr.rel @p0 .LBB2_12-.Ltmp10, $2  }
0xe0: {  	_ =	sdelay $0x2  }
0xe1: {  	s21 =	simm.s32 $0x10020;
	v5 =	vimm.s32 $0x0;
	s18 =	spop (v2sf)  }
0xe2: {  	p1 =	sne.s32 s19, $0x1  }
.Ltmp11:
0xe3: {  	_ = 	snop;
	(pc) =	sbr.rel @!p1 .LBB2_14-.Ltmp11, $4  }
0xe4: {  	v6 =	vld [tilespmem:s21+$0x10]  }
0xe5: {  	v8 =	vld [tilespmem:s21+$0x0]  }
0xe6: {  	v7 =	vld [tilespmem:s21+$0xFFFFFFF0]  }
0xe7: {  	v9 =	vld [tilespmem:s21+$0xFFFFFFE0];
	s20 =	sadd.s32 $0xFFFFFFFF, s19;
	p0 =	por $0x0, $0x0  }
0xe8: {  	_ = 	snop  }
0xe9: {  	vm2 =	vgt.s32 v6, v4  }
0xea: {  	s19 =	sadd.s32 $0x40, s21;
	p1 =	sne.s32 s20, $0x1;
	vm1 =	veq.s32 v6, v4;
	vm3 =	vgt.s32 v8, v4;
	vm4 =	veq.s32 v8, v4  }
.Ltmp12:
0xeb: {  	v6 =	vld [tilespmem:s19+$0x10];
	v10 =	vsel vm2, $0x1, v0;
	vm6 =	vgt.s32 v7, v4;
	vm7 =	veq.s32 v7, v4;
	(pc) =	sbr.rel @!p1 .LBB2_17-.Ltmp12, $4  }
0xec: {  	v8 =	vld [tilespmem:s19+$0x0];
	v11 =	vsel vm3, $0x1, v0;
	vm5 =	vgt.s32 v9, v4;
	vm8 =	veq.s32 v9, v4  }
0xed: {  	v7 =	vld [tilespmem:s19+$0xFFFFFFF0];
	v13 =	vsel vm6, $0x1, v0;
	v9 =	vsel vm5, $0x1, v0;
	v12 =	vsel vm8, $0x1, v0  }
0xee: {  	v16 =	vsel vm7, $0x1, v0;
	v14 =	vadd.s32 v9, v5;
	v15 =	vadd.s32 v12, v5;
	v9 =	vld [tilespmem:s19+$0xFFFFFFE0]  }
0xef: {  	s20 =	sadd.s32 $0xFFFFFFFF, s20;
	p0 =	por $0x1, $0x1;
	v12 =	vadd.s32 v13, v14;
	v13 =	vadd.s32 v16, v15;
	v14 =	vsel vm4, $0x1, v0  }
.LBB2_16:
0xf0: {  	p1 =	sne.s32 s20, $0x1;
	v11 =	vadd.s32 v11, v12;
	v12 =	vadd.s32 v14, v13;
	v13 =	vsel vm1, $0x1, v0  }
0xf1: {  	vm2 =	vgt.s32 v6, v4;
	v14 =	vadd.s32 v10, v11;
	v12 =	vadd.s32 v13, v12  }
0xf2: {  	vm1 =	veq.s32 v6, v4;
	s19 =	sadd.s32 $0x40, s19;
	vm3 =	vgt.s32 v8, v4;
	vm4 =	veq.s32 v8, v4  }
.Ltmp13:
0xf3: {  	vm6 =	vgt.s32 v7, v4;
	vm7 =	veq.s32 v7, v4;
	v6 =	vld [tilespmem:s19+$0x10];
	vm5 =	vgt.s32 v9, v4;
	(pc) =	sbr.rel @p1 .LBB2_16-.Ltmp13, $4  }
0xf4: {  	v10 =	vsel vm2, $0x1, v0;
	v11 =	vsel vm3, $0x1, v0;
	vm8 =	veq.s32 v9, v4;
	v8 =	vld [tilespmem:s19+$0x0]  }
0xf5: {  	v16 =	vsel vm6, $0x1, v0;
	v13 =	vsel vm5, $0x1, v0;
	v15 =	vsel vm8, $0x1, v0;
	v7 =	vld [tilespmem:s19+$0xFFFFFFF0]  }
0xf6: {  	v13 =	vadd.s32 v13, v14;
	v14 =	vadd.s32 v15, v12;
	v15 =	vsel vm7, $0x1, v0;
	v9 =	vld [tilespmem:s19+$0xFFFFFFE0]  }
0xf7: {  	s20 =	sadd.s32 $0xFFFFFFFF, s20;
	v12 =	vadd.s32 v16, v13;
	v13 =	vadd.s32 v15, v14;
	v14 =	vsel vm4, $0x1, v0  }
.LBB2_17:
0xf8: {  	v11 =	vadd.s32 @p0 v11, v12;
	v12 =	vadd.s32 @p0 v14, v13  }
0xf9: {  	v13 =	vsel @p0 vm1, $0x1, v0;
	vm1 =	vgt.s32 v6, v4;
	vm4 =	veq.s32 v6, v4  }
0xfa: {  	v10 =	vadd.s32 @p0 v10, v11;
	v11 =	vadd.s32 @p0 v13, v12;
	vm2 =	vgt.s32 v8, v4  }
0xfb: {  	vm3 =	veq.s32 v8, v4;
	v63 =	vsel vm4, $0x1, v0;
	vm6 =	vgt.s32 v7, v4  }
0xfc: {  	vm7 =	veq.s32 v7, v4;
	v6 =	vsel vm2, $0x1, v0;
	v10 =	vpsel p0, v10, v5  }
0xfd: {  	v5 =	vpsel p0, v11, v5;
	vm5 =	vgt.s32 v9, v4;
	vm8 =	veq.s32 v9, v4  }
.Ltmp14:
0xfe: {  	v60 =	vsel vm6, $0x1, v0;
	v8 =	vsel vm5, $0x1, v0;
	v9 =	vsel vm8, $0x1, v0;
	(pc) =	sbr.rel .LBB2_18-.Ltmp14, $4  }
0xff: {  	v61 =	vsel vm7, $0x1, v0;
	v8 =	vadd.s32 v8, v10;
	v5 =	vadd.s32 v9, v5  }
0x100: {  	v62 =	vsel vm3, $0x1, v0;
	v8 =	vadd.s32 v60, v8;
	v5 =	vadd.s32 v61, v5  }
0x101: {  	v7 =	vsel vm1, $0x1, v0;
	v6 =	vadd.s32 v6, v8;
	v8 =	vadd.s32 v62, v5  }
0x102: {  	v5 =	vadd.s32 v7, v6;
	v6 =	vadd.s32 v63, v8  }
.LBB2_12:
0x103: {  	v6 =	vimm.s32 $0x0  }
.LBB2_18:
0x104: {  	(xrf0) =	vadd.scan.msk.s32 $0xffff, v5;
	_ =	sdelay $0x2  }
0x105: {  	(xrf0) =	vadd.scan.msk.s32 $0xffff, v6;
	_ =	sdelay $0x2  }
0x106: {  	v5, _, _ =	vpop (xrf0)  }
0x107: {  	(v2sf) =	vpush v5, $0xF;
	_ =	sdelay $0x1  }
0x108: {  	v5, _, _ =	vpop (xrf0)  }
0x109: {  	(v2sf) =	vpush v5, $0xF;
	_ =	sdelay $0xb  }
0x10a: {  	s17 =	sadd.s32 $0x7FFFFF00, s17;
	p0 =	sgt.f32 s18, $0.0e+00;
	s19 =	spop (v2sf)  }
0x10b: {  	vm1 =	vlt.s32 v4, $0x0;
	p1 =	slt.u32 s17, $0xF01;
	v5 =	vxor.u32 $0x7FFFFFFF, v4;
	s26 =	ssub.s32 $0x100, s19  }
0x10c: {  	p0 =	por !p1, !p0;
	v4 =	vsel vm1, v5, v4;
	s17 =	scvt.s32.f32 s26  }
0x10d: {  	p0 =	por !p0, !p0;
	vm1 =	veq.s32 v3, $0x1;
	v4 =	vnsel vm0, $0x0, v4;
	s28 =	spop (v2sf);
	s19 =	simm.f32 $1.000000000e+00  }
0x10e: {  	s19 =	simm.s32 @!p0 $0x0;
	s29 =	scvt.s32.f32 s28;
	v4 =	vsel vm1, s17, v4;
	vm1 =	veq.s32 v3, $0x2  }
0x10f: {  	v4 =	vsel vm1, s19, v4;
	vm1 =	veq.s32 v3, $0x3  }
0x110: {  	v4 =	vsel vm1, s29, v4  }
0x111: {  	[tilespmem:$0x14080] =	vst v4  }
0x112: {  	_ =	swait.ge [sflag:s14], $0x8000  }
0x113: {  	[sflag:s14] =	ssyncset.done $0x0  }
0x114: {  	s30 =	simm.s32 $0x0;
	s31 =	simm.s32 $0x0;
	[sflag:s14] =	ssyncadd.s32 $0xFFFF8000  }
0x115: {  	[tilespmem:s30], [sflag:$0x1] =	stream.strided.gather [hbm4b:s5+s9], $0x8000, s10, s9, $0x38;
	[tilespmem:$0x14280] =	vst v63  }
0x116: {  	v6 =	vld [tilespmem:s31+$0x8000]  }
0x117: {  	v5 =	vimm.f32 $0.0e+00;
	s17 =	simm.s32 $0x800;
	v4 =	vimm.f32 $0.0e+00  }
.LBB2_19:
0x118: {  	p0 =	sne.s32 s17, $0x1F800  }
.Ltmp15:
0x119: {  	_ = 	snop;
	(pc) =	sbr.rel @p0 .LBB2_19-.Ltmp15, $4  }
0x11a: {  	_ = 	snop  }
0x11b: {  	s18 =	sshra.s32 s17, $0x2;
	s17 =	sadd.s32 $0x800, s17;
	v4 =	vadd.f32 v6, v4;
	v7 =	vmul.f32 v6, v6  }
0x11c: {  	v6 =	vld [tilespmem:s18+$0x8000]  }
0x11d: {  	v5 =	vadd.f32 v7, v5  }
0x11e: {  	_ =	sdelay $0x2  }
0x11f: {  	v7 =	vmul.f32 v6, v6  }
0x120: {  	v4 =	vadd.f32 v6, v4  }
0x121: {  	v5 =	vadd.f32 v7, v5  }
0x122: {  	(xrf2) =	vadd.scan.msk.f32 $0xffff, v4  }
0x123: {  	(xrf2) =	vadd.scan.msk.f32 $0xffff, v5;
	_ =	sdelay $0x8  }
0x124: {  	v4, _, _ =	vpop (xrf2)  }
0x125: {  	(v2sf) =	vpush v4, $0xF;
	v4, _, _ =	vpop (xrf2)  }
0x126: {  	(v2sf) =	vpush v4, $0xF;
	_ =	sdelay $0xd  }
0x127: {  	s17 =	spop (v2sf)  }
0x128: {  	s17 =	smul.f32 $9.765625000e-04, s17;
	s18 =	spop (v2sf)  }
0x129: {  	s18 =	smul.f32 $9.765625000e-04, s18  }
0x12a: {  	s19 =	smul.f32 s17, s17;
	_ =	sdelay $0x1  }
0x12b: {  	s18 =	ssub.f32 s18, s19;
	_ =	sdelay $0x1  }
0x12c: {  	s18 =	smax.f32 s18, $9.999999960e-13  }
0x12d: {  	s18 =	smin.f32 s18, $2.000000000e+00  }
0x12e: {  	v4 =	vmov s18  }
0x12f: {  	v4 =	vmul.f32 $5.000000000e-01, v4;
	_ =	sdelay $0x1  }
0x130: {  	v5 =	vsub.f32 $1.500000000e+00, v4;
	_ =	sdelay $0x1  }
0x131: {  	v6 =	vmul.f32 v5, v4;
	_ =	sdelay $0x1  }
0x132: {  	v6 =	vmul.f32 v6, v5;
	_ =	sdelay $0x1  }
0x133: {  	v6 =	vsub.f32 $1.500000000e+00, v6;
	_ =	sdelay $0x1  }
0x134: {  	v5 =	vmul.f32 v6, v5;
	_ =	sdelay $0x1  }
0x135: {  	v6 =	vmul.f32 v5, v4;
	_ =	sdelay $0x1  }
0x136: {  	v6 =	vmul.f32 v6, v5;
	_ =	sdelay $0x1  }
0x137: {  	v6 =	vsub.f32 $1.500000000e+00, v6;
	_ =	sdelay $0x1  }
0x138: {  	v5 =	vmul.f32 v6, v5;
	_ =	sdelay $0x1  }
0x139: {  	v6 =	vmul.f32 v5, v4;
	_ =	sdelay $0x1  }
0x13a: {  	v6 =	vmul.f32 v6, v5;
	_ =	sdelay $0x1  }
0x13b: {  	v6 =	vsub.f32 $1.500000000e+00, v6;
	_ =	sdelay $0x1  }
0x13c: {  	v5 =	vmul.f32 v6, v5;
	_ =	sdelay $0x1  }
0x13d: {  	v6 =	vmul.f32 v5, v4;
	_ =	sdelay $0x1  }
0x13e: {  	v6 =	vmul.f32 v6, v5;
	_ =	sdelay $0x1  }
0x13f: {  	v6 =	vsub.f32 $1.500000000e+00, v6;
	_ =	sdelay $0x1  }
0x140: {  	v5 =	vmul.f32 v6, v5;
	_ =	sdelay $0x1  }
0x141: {  	v6 =	vmul.f32 v5, v4;
	_ =	sdelay $0x1  }
0x142: {  	v6 =	vmul.f32 v6, v5;
	_ =	sdelay $0x1  }
0x143: {  	v6 =	vsub.f32 $1.500000000e+00, v6;
	_ =	sdelay $0x1  }
0x144: {  	v5 =	vmul.f32 v6, v5;
	_ =	sdelay $0x1  }
0x145: {  	v6 =	vmul.f32 v5, v4;
	_ =	sdelay $0x1  }
0x146: {  	v6 =	vmul.f32 v6, v5;
	_ =	sdelay $0x1  }
0x147: {  	v6 =	vsub.f32 $1.500000000e+00, v6;
	_ =	sdelay $0x1  }
0x148: {  	v5 =	vmul.f32 v6, v5;
	_ =	sdelay $0x1  }
0x149: {  	v6 =	vmul.f32 v5, v4;
	_ =	sdelay $0x1  }
0x14a: {  	v6 =	vmul.f32 v6, v5;
	_ =	sdelay $0x1  }
0x14b: {  	v6 =	vsub.f32 $1.500000000e+00, v6;
	_ =	sdelay $0x1  }
0x14c: {  	v5 =	vmul.f32 v6, v5;
	_ =	sdelay $0x1  }
0x14d: {  	v6 =	vmul.f32 v5, v4;
	_ =	sdelay $0x1  }
0x14e: {  	v6 =	vmul.f32 v6, v5;
	_ =	sdelay $0x1  }
0x14f: {  	v6 =	vsub.f32 $1.500000000e+00, v6;
	_ =	sdelay $0x1  }
0x150: {  	v5 =	vmul.f32 v6, v5;
	_ =	sdelay $0x1  }
0x151: {  	v6 =	vmul.f32 v5, v4;
	_ =	sdelay $0x1  }
0x152: {  	v6 =	vmul.f32 v6, v5;
	_ =	sdelay $0x1  }
0x153: {  	v6 =	vsub.f32 $1.500000000e+00, v6;
	_ =	sdelay $0x1  }
0x154: {  	v5 =	vmul.f32 v6, v5;
	_ =	sdelay $0x1  }
0x155: {  	v6 =	vmul.f32 v5, v4;
	_ =	sdelay $0x1  }
0x156: {  	v6 =	vmul.f32 v6, v5;
	_ =	sdelay $0x1  }
0x157: {  	v6 =	vsub.f32 $1.500000000e+00, v6;
	_ =	sdelay $0x1  }
0x158: {  	v5 =	vmul.f32 v6, v5;
	_ =	sdelay $0x1  }
0x159: {  	v4 =	vmul.f32 v5, v4;
	_ =	sdelay $0x1  }
0x15a: {  	v4 =	vmul.f32 v4, v5;
	_ =	sdelay $0x1  }
0x15b: {  	v4 =	vsub.f32 $1.500000000e+00, v4;
	_ =	sdelay $0x1  }
0x15c: {  	v4 =	vmul.f32 v4, v5;
	_ =	sdelay $0x1  }
0x15d: {  	v4 =	vmul.f32 s18, v4;
	_ =	sdelay $0x1  }
0x15e: {  	v4 =	vadd.f32 v4, v4;
	_ =	sdelay $0x1  }
0x15f: {  	v6 =	vimm.s32 $0x0;
	v5 =	vimm.s32 $0x80000000;
	v4 =	vadd.f32 s17, v4;
	s17 =	simm.s32 $0x0  }
.LBB2_21:
0x160: {  	s18 =	sshra.s32 s17, $0x2  }
0x161: {  	v7 =	vld [tilespmem:s18+$0x8000];
	_ =	sdelay $0x4  }
0x162: {  	vm1 =	vgt.f32 v7, v4  }
0x163: {  	v8 =	vsel vm1, $0x1, v0  }
0x164: {  	(xrf0) =	vadd.scan.msk.s32 $0xffff, v8;
	_ =	sdelay $0x5  }
0x165: {  	v8, _, _ =	vpop (xrf0)  }
0x166: {  	v8 =	vadd.s32 v8, v6  }
0x167: {  	v8 =	vadd.s32 $0xFFFFFFFF, v8  }
0x168: {  	vm2 =	vlt.s32 v8, $0x1000  }
0x169: {  	v8 =	vnsel vm2, $0x1000, v8;
	_ =	sdelay $0x1  }
0x16a: {  	v9 =	vshra.s32 v7, $0x1F  }
0x16b: {  	v9 =	vand.u32 $0x7FFFFFFF, v9  }
0x16c: {  	v7 =	vxor.u32 v7, v9  }
0x16d: {  	[tilespmem:v8+s13+$0x0] =	vst.idx.msk vm1, v7  }
0x16e: {  	v8 =	vld [tilespmem:s18+$0x8010];
	_ =	sdelay $0x4  }
0x16f: {  	vm2 =	vgt.f32 v8, v4  }
0x170: {  	v54 =	vsel vm2, $0x1, v0  }
0x171: {  	(xrf0) =	vadd.scan.msk.s32 $0xffff, v54;
	_ =	sdelay $0x3  }
0x172: {  	v55 =	vmpcnt.ones.xlane vm1;
	_ =	sdelay $0x1  }
0x173: {  	v6 =	vadd.s32 v6, v55;
	v56, _, _ =	vpop (xrf0)  }
0x174: {  	v9 =	vadd.s32 v56, v6  }
0x175: {  	v9 =	vadd.s32 $0xFFFFFFFF, v9  }
0x176: {  	vm1 =	vlt.s32 v9, $0x1000  }
0x177: {  	v9 =	vnsel vm1, $0x1000, v9;
	_ =	sdelay $0x1  }
0x178: {  	v10 =	vshra.s32 v8, $0x1F  }
0x179: {  	v10 =	vand.u32 $0x7FFFFFFF, v10  }
0x17a: {  	v8 =	vxor.u32 v8, v10  }
0x17b: {  	[tilespmem:v9+s13+$0x0] =	vst.idx.msk vm2, v8  }
0x17c: {  	v9 =	vld [tilespmem:s18+$0x8020];
	_ =	sdelay $0x4  }
0x17d: {  	vm1 =	vgt.f32 v9, v4  }
0x17e: {  	v57 =	vsel vm1, $0x1, v0  }
0x17f: {  	(xrf0) =	vadd.scan.msk.s32 $0xffff, v57;
	_ =	sdelay $0x3  }
0x180: {  	v58 =	vmpcnt.ones.xlane vm2;
	_ =	sdelay $0x1  }
0x181: {  	v6 =	vadd.s32 v6, v58;
	v59, _, _ =	vpop (xrf0)  }
0x182: {  	v10 =	vadd.s32 v59, v6  }
0x183: {  	v10 =	vadd.s32 $0xFFFFFFFF, v10  }
0x184: {  	vm2 =	vlt.s32 v10, $0x1000  }
0x185: {  	v10 =	vnsel vm2, $0x1000, v10;
	_ =	sdelay $0x1  }
0x186: {  	v11 =	vshra.s32 v9, $0x1F  }
0x187: {  	v11 =	vand.u32 $0x7FFFFFFF, v11  }
0x188: {  	v9 =	vxor.u32 v9, v11  }
0x189: {  	[tilespmem:v10+s13+$0x0] =	vst.idx.msk vm1, v9  }
0x18a: {  	v10 =	vld [tilespmem:s18+$0x8030];
	_ =	sdelay $0x4  }
0x18b: {  	vm2 =	vgt.f32 v10, v4  }
0x18c: {  	v60 =	vsel vm2, $0x1, v0  }
0x18d: {  	(xrf0) =	vadd.scan.msk.s32 $0xffff, v60;
	_ =	sdelay $0x3  }
0x18e: {  	v61 =	vmpcnt.ones.xlane vm1;
	_ =	sdelay $0x1  }
0x18f: {  	v6 =	vadd.s32 v6, v61;
	v62, _, _ =	vpop (xrf0)  }
0x190: {  	v11 =	vadd.s32 v62, v6  }
0x191: {  	vm1 =	vgt.s32 v5, v7;
	v11 =	vadd.s32 $0xFFFFFFFF, v11  }
0x192: {  	v5 =	vsel vm1, v5, v7;
	vm1 =	vlt.s32 v11, $0x1000  }
0x193: {  	p0 =	sne.s32 s17, $0x1FF00;
	v7 =	vnsel vm1, $0x1000, v11;
	vm1 =	vgt.s32 v5, v8  }
.Ltmp16:
0x194: {  	v5 =	vsel vm1, v5, v8;
	v8 =	vshra.s32 v10, $0x1F;
	(pc) =	sbr.rel @p0 .LBB2_21-.Ltmp16, $4  }
0x195: {  	vm1 =	vgt.s32 v5, v9;
	v8 =	vand.u32 $0x7FFFFFFF, v8  }
0x196: {  	v63 =	vmpcnt.ones.xlane vm2;
	v5 =	vsel vm1, v5, v9;
	v8 =	vxor.u32 v10, v8  }
0x197: {  	vm1 =	vgt.s32 v5, v8  }
0x198: {  	s17 =	sadd.s32 $0x100, s17;
	v6 =	vadd.s32 v6, v63;
	[tilespmem:v7+s13+$0x0] =	vst.idx.msk vm2, v8;
	v5 =	vsel vm1, v5, v8  }
0x199: {  	v6 =	vxor.u32 $0x80000000, v6  }
0x19a: {  	(xrf0) =	vmax.scan.msk.u32 $0xffff, v6;
	_ =	sdelay $0x2  }
0x19b: {  	v5 =	vxor.u32 $0x80000000, v5;
	_ =	sdelay $0x1  }
0x19c: {  	(xrf0) =	vmax.scan.msk.u32 $0xffff, v5  }
0x19d: {  	v5, _, _ =	vpop (xrf0)  }
0x19e: {  	(v2sf) =	vpush v5, $0xF;
	_ =	sdelay $0x3  }
0x19f: {  	v5, _, _ =	vpop (xrf0)  }
0x1a0: {  	(v2sf) =	vpush v5, $0xF;
	_ =	sdelay $0x9  }
0x1a1: {  	s17 =	spop (v2sf)  }
0x1a2: {  	s18 =	sxor.u32 $0x80000000, s17  }
0x1a3: {  	p0 =	slt.s32 s18, $0x1000  }
.Ltmp17:
0x1a4: {  	s18 =	simm.s32 @!p0 $0x1000;
	(pc) =	sbr.rel .LBB2_23-.Ltmp17, $4  }
0x1a5: {  	[tilespmem:s18+$0x10000] =	vst v1  }
0x1a6: {  	v5 =	vshra.s32 v4, $0x1F;
	s19 =	spop (v2sf);
	[tilespmem:s18+$0x10010] =	vst v1;
	s20 =	sadd.s32 $0x3F, s18  }
0x1a7: {  	v6 =	vand.u32 $0x7FFFFFFF, v5;
	s21 =	sxor.u32 $0x80000000, s19;
	[tilespmem:s18+$0x10020] =	vst v1;
	s19 =	sshra.s32 s20, $0x6  }
0x1a8: {  	v4 =	vxor.u32 v4, v6;
	v5 =	vmov s21;
	[tilespmem:s18+$0x10030] =	vst v1;
	s18 =	simm.s32 $0x0;
	p0 =	slt.s32 s19, $0x1  }
.LBB2_26:
0x1a9: {  	v11 =	vsel vm1, $0x1, v0;
	vm1 =	vgt.s32 v9, v6  }
0x1aa: {  	v9 =	vadd.s32 v11, v10;
	v10 =	vsel vm1, $0x1, v0;
	vm1 =	vgt.s32 v8, v6  }
0x1ab: {  	v8 =	vadd.s32 v10, v9;
	v9 =	vsel vm1, $0x1, v0;
	vm1 =	vgt.s32 v7, v6  }
0x1ac: {  	v7 =	vadd.s32 v9, v8;
	v8 =	vsel vm1, $0x1, v0  }
0x1ad: {  	v10 =	vadd.s32 v8, v7  }
.LBB2_27:
0x1ae: {  	(xrf0) =	vadd.scan.msk.s32 $0xffff, v10;
	_ =	sdelay $0x5  }
0x1af: {  	v7, _, _ =	vpop (xrf0)  }
0x1b0: {  	(v2sf) =	vpush v7, $0xF;
	_ =	sdelay $0xa  }
0x1b1: {  	s18 =	sadd.s32 $0x1, s18  }
0x1b2: {  	p2 =	sne.s32 s18, $0x1B  }
.Ltmp18:
0x1b3: {  	_ = 	snop;
	(pc) =	sbr.rel @!p2 .LBB2_28-.Ltmp18, $4  }
0x1b4: {  	_ = 	snop  }
0x1b5: {  	s20 =	spop (v2sf)  }
0x1b6: {  	v7 =	vadd.s32 $0x1, v6;
	p1 =	sgt.s32 s20, $0xFF  }
0x1b7: {  	v4 =	vpsel p1, v7, v4;
	v5 =	vpsel p1, v5, v6  }
.LBB2_23:
.Ltmp19:
0x1b8: {  	(pc) =	sbr.rel @p0 .LBB2_27-.Ltmp19, $4  }
0x1b9: {  	_ = 	snop  }
0x1ba: {  	v6 =	vxor.u32 v5, v4  }
0x1bb: {  	v7 =	vand.u32 v5, v4;
	v6 =	vshra.s32 v6, $0x1  }
0x1bc: {  	v10 =	vimm.s32 $0x0;
	s21 =	simm.s32 $0x10020;
	v6 =	vadd.s32 v6, v7  }
0x1bd: {  	v11 =	vld [tilespmem:s21+$0xFFFFFFE0];
	p1 =	sne.s32 s19, $0x1  }
.Ltmp20:
0x1be: {  	v9 =	vld [tilespmem:s21+$0xFFFFFFF0];
	(pc) =	sbr.rel @!p1 .LBB2_26-.Ltmp20, $3  }
0x1bf: {  	v8 =	vld [tilespmem:s21+$0x0]  }
0x1c0: {  	v7 =	vld [tilespmem:s21+$0x10];
	_ =	sdelay $0x1  }
0x1c1: {  	s20 =	sadd.s32 $0xFFFFFFFF, s19;
	s21 =	sadd.s32 $0x40, s21;
	vm1 =	vgt.s32 v11, v6  }
.LBB2_25:
0x1c2: {  	v11 =	vld [tilespmem:s21+$0xFFFFFFE0];
	p1 =	sne.s32 s20, $0x1;
	s20 =	sadd.s32 $0xFFFFFFFF, s20;
	v12 =	vsel vm1, $0x1, v0;
	vm1 =	vgt.s32 v9, v6  }
.Ltmp21:
0x1c3: {  	v9 =	vld [tilespmem:s21+$0xFFFFFFF0];
	v10 =	vadd.s32 v12, v10;
	v12 =	vsel vm1, $0x1, v0;
	vm1 =	vgt.s32 v8, v6;
	(pc) =	sbr.rel @p1 .LBB2_25-.Ltmp21, $4  }
0x1c4: {  	v8 =	vld [tilespmem:s21+$0x0];
	v10 =	vadd.s32 v12, v10;
	v12 =	vsel vm1, $0x1, v0;
	vm1 =	vgt.s32 v7, v6  }
0x1c5: {  	v7 =	vld [tilespmem:s21+$0x10];
	v10 =	vadd.s32 v12, v10;
	v12 =	vsel vm1, $0x1, v0  }
0x1c6: {  	v10 =	vadd.s32 v12, v10  }
0x1c7: {  	s21 =	sadd.s32 $0x40, s21;
	vm1 =	vgt.s32 v11, v6  }
.Ltmp22:
0x1c8: {  	_ = 	snop;
	(pc) =	sbr.rel .LBB2_26-.Ltmp22, $1  }
0x1c9: {  	_ =	sdelay $0x3  }
.LBB2_28:
0x1ca: {  	vm1 =	veq.s32 v4, v5  }
0x1cb: {  	v5 =	vsel vm1, $0x3F800000, v2  }
0x1cc: {  	(xrf0) =	vmin.scan.msk.f32 $0xffff, v5;
	_ =	sdelay $0x5  }
0x1cd: {  	v5, _, _ =	vpop (xrf0)  }
0x1ce: {  	(v2sf) =	vpush v5, $0xF;
	_ =	sdelay $0xa  }
.Ltmp23:
0x1cf: {  	_ = 	snop;
	(pc) =	sbr.rel @p0 .LBB2_29-.Ltmp23, $2  }
0x1d0: {  	_ =	sdelay $0x2  }
0x1d1: {  	s21 =	simm.s32 $0x10020;
	v5 =	vimm.s32 $0x0;
	s18 =	spop (v2sf)  }
0x1d2: {  	p1 =	sne.s32 s19, $0x1  }
.Ltmp24:
0x1d3: {  	_ = 	snop;
	(pc) =	sbr.rel @!p1 .LBB2_31-.Ltmp24, $4  }
0x1d4: {  	v6 =	vld [tilespmem:s21+$0x10]  }
0x1d5: {  	v8 =	vld [tilespmem:s21+$0x0]  }
0x1d6: {  	v7 =	vld [tilespmem:s21+$0xFFFFFFF0]  }
0x1d7: {  	v9 =	vld [tilespmem:s21+$0xFFFFFFE0];
	s20 =	sadd.s32 $0xFFFFFFFF, s19;
	p0 =	por $0x0, $0x0  }
0x1d8: {  	_ = 	snop  }
0x1d9: {  	vm2 =	vgt.s32 v6, v4  }
0x1da: {  	s19 =	sadd.s32 $0x40, s21;
	p1 =	sne.s32 s20, $0x1;
	vm1 =	veq.s32 v6, v4;
	vm3 =	vgt.s32 v8, v4;
	vm4 =	veq.s32 v8, v4  }
.Ltmp25:
0x1db: {  	v6 =	vld [tilespmem:s19+$0x10];
	v10 =	vsel vm2, $0x1, v0;
	vm6 =	vgt.s32 v7, v4;
	vm7 =	veq.s32 v7, v4;
	(pc) =	sbr.rel @!p1 .LBB2_34-.Ltmp25, $4  }
0x1dc: {  	v8 =	vld [tilespmem:s19+$0x0];
	v11 =	vsel vm3, $0x1, v0;
	vm5 =	vgt.s32 v9, v4;
	vm8 =	veq.s32 v9, v4  }
0x1dd: {  	v7 =	vld [tilespmem:s19+$0xFFFFFFF0];
	v13 =	vsel vm6, $0x1, v0;
	v9 =	vsel vm5, $0x1, v0;
	v12 =	vsel vm8, $0x1, v0  }
0x1de: {  	v16 =	vsel vm7, $0x1, v0;
	v14 =	vadd.s32 v9, v5;
	v15 =	vadd.s32 v12, v5;
	v9 =	vld [tilespmem:s19+$0xFFFFFFE0]  }
0x1df: {  	s20 =	sadd.s32 $0xFFFFFFFF, s20;
	p0 =	por $0x1, $0x1;
	v12 =	vadd.s32 v13, v14;
	v13 =	vadd.s32 v16, v15;
	v14 =	vsel vm4, $0x1, v0  }
.LBB2_33:
0x1e0: {  	p1 =	sne.s32 s20, $0x1;
	v11 =	vadd.s32 v11, v12;
	v12 =	vadd.s32 v14, v13;
	v13 =	vsel vm1, $0x1, v0  }
0x1e1: {  	vm2 =	vgt.s32 v6, v4;
	v14 =	vadd.s32 v10, v11;
	v12 =	vadd.s32 v13, v12  }
0x1e2: {  	vm1 =	veq.s32 v6, v4;
	s19 =	sadd.s32 $0x40, s19;
	vm3 =	vgt.s32 v8, v4;
	vm4 =	veq.s32 v8, v4  }
.Ltmp26:
0x1e3: {  	vm6 =	vgt.s32 v7, v4;
	vm7 =	veq.s32 v7, v4;
	v6 =	vld [tilespmem:s19+$0x10];
	vm5 =	vgt.s32 v9, v4;
	(pc) =	sbr.rel @p1 .LBB2_33-.Ltmp26, $4  }
0x1e4: {  	v10 =	vsel vm2, $0x1, v0;
	v11 =	vsel vm3, $0x1, v0;
	vm8 =	veq.s32 v9, v4;
	v8 =	vld [tilespmem:s19+$0x0]  }
0x1e5: {  	v16 =	vsel vm6, $0x1, v0;
	v13 =	vsel vm5, $0x1, v0;
	v15 =	vsel vm8, $0x1, v0;
	v7 =	vld [tilespmem:s19+$0xFFFFFFF0]  }
0x1e6: {  	v13 =	vadd.s32 v13, v14;
	v14 =	vadd.s32 v15, v12;
	v15 =	vsel vm7, $0x1, v0;
	v9 =	vld [tilespmem:s19+$0xFFFFFFE0]  }
0x1e7: {  	s20 =	sadd.s32 $0xFFFFFFFF, s20;
	v12 =	vadd.s32 v16, v13;
	v13 =	vadd.s32 v15, v14;
	v14 =	vsel vm4, $0x1, v0  }
.LBB2_34:
0x1e8: {  	v11 =	vadd.s32 @p0 v11, v12;
	v12 =	vadd.s32 @p0 v14, v13  }
0x1e9: {  	v13 =	vsel @p0 vm1, $0x1, v0;
	vm1 =	vgt.s32 v6, v4;
	vm4 =	veq.s32 v6, v4  }
0x1ea: {  	v10 =	vadd.s32 @p0 v10, v11;
	v11 =	vadd.s32 @p0 v13, v12;
	vm2 =	vgt.s32 v8, v4  }
0x1eb: {  	vm3 =	veq.s32 v8, v4;
	v63 =	vsel vm4, $0x1, v0;
	vm6 =	vgt.s32 v7, v4  }
0x1ec: {  	vm7 =	veq.s32 v7, v4;
	v6 =	vsel vm2, $0x1, v0;
	v10 =	vpsel p0, v10, v5  }
0x1ed: {  	v5 =	vpsel p0, v11, v5;
	vm5 =	vgt.s32 v9, v4;
	vm8 =	veq.s32 v9, v4  }
.Ltmp27:
0x1ee: {  	v60 =	vsel vm6, $0x1, v0;
	v8 =	vsel vm5, $0x1, v0;
	v9 =	vsel vm8, $0x1, v0;
	(pc) =	sbr.rel .LBB2_35-.Ltmp27, $4  }
0x1ef: {  	v61 =	vsel vm7, $0x1, v0;
	v8 =	vadd.s32 v8, v10;
	v5 =	vadd.s32 v9, v5  }
0x1f0: {  	v62 =	vsel vm3, $0x1, v0;
	v8 =	vadd.s32 v60, v8;
	v5 =	vadd.s32 v61, v5  }
0x1f1: {  	v7 =	vsel vm1, $0x1, v0;
	v6 =	vadd.s32 v6, v8;
	v8 =	vadd.s32 v62, v5  }
0x1f2: {  	v5 =	vadd.s32 v7, v6;
	v6 =	vadd.s32 v63, v8  }
.LBB2_29:
0x1f3: {  	v6 =	vimm.s32 $0x0  }
.LBB2_35:
0x1f4: {  	(xrf0) =	vadd.scan.msk.s32 $0xffff, v5;
	_ =	sdelay $0x2  }
0x1f5: {  	(xrf0) =	vadd.scan.msk.s32 $0xffff, v6;
	_ =	sdelay $0x2  }
0x1f6: {  	v5, _, _ =	vpop (xrf0)  }
0x1f7: {  	(v2sf) =	vpush v5, $0xF;
	_ =	sdelay $0x1  }
0x1f8: {  	v5, _, _ =	vpop (xrf0)  }
0x1f9: {  	(v2sf) =	vpush v5, $0xF;
	_ =	sdelay $0xb  }
0x1fa: {  	s17 =	sadd.s32 $0x7FFFFF00, s17;
	p0 =	sgt.f32 s18, $0.0e+00;
	s19 =	spop (v2sf)  }
0x1fb: {  	vm1 =	vlt.s32 v4, $0x0;
	p1 =	slt.u32 s17, $0xF01;
	v5 =	vxor.u32 $0x7FFFFFFF, v4;
	s28 =	ssub.s32 $0x100, s19  }
0x1fc: {  	p0 =	por !p1, !p0;
	v4 =	vsel vm1, v5, v4;
	s17 =	scvt.s32.f32 s28  }
0x1fd: {  	p0 =	por !p0, !p0;
	vm1 =	veq.s32 v3, $0x1;
	v4 =	vnsel vm0, $0x0, v4;
	s29 =	spop (v2sf);
	s19 =	simm.f32 $1.000000000e+00  }
0x1fe: {  	s19 =	simm.s32 @!p0 $0x0;
	s30 =	scvt.s32.f32 s29;
	v4 =	vsel vm1, s17, v4;
	vm1 =	veq.s32 v3, $0x2  }
0x1ff: {  	v4 =	vsel vm1, s19, v4;
	vm1 =	veq.s32 v3, $0x3  }
0x200: {  	v4 =	vsel vm1, s30, v4  }
0x201: {  	[tilespmem:$0x14100] =	vst v4  }
0x202: {  	_ =	swait.ge [sflag:s11], $0x8000  }
0x203: {  	[sflag:s11] =	ssyncset.done $0x0  }
0x204: {  	s31 =	simm.s32 $0x0;
	[sflag:s11] =	ssyncadd.s32 $0xFFFF8000  }
0x205: {  	[tilespmem:s12], [sflag:$0x2] =	stream.strided.gather [hbm4b:s6+s9], $0x8000, s10, s9, $0x38;
	[tilespmem:$0x14280] =	vst v63  }
0x206: {  	v6 =	vld [tilespmem:s31+$0x0]  }
0x207: {  	v5 =	vimm.f32 $0.0e+00;
	s17 =	simm.s32 $0x800;
	v4 =	vimm.f32 $0.0e+00  }
.LBB2_36:
0x208: {  	p0 =	sne.s32 s17, $0x1F800  }
.Ltmp28:
0x209: {  	_ = 	snop;
	(pc) =	sbr.rel @p0 .LBB2_36-.Ltmp28, $4  }
0x20a: {  	_ = 	snop  }
0x20b: {  	s18 =	sshra.s32 s17, $0x2;
	s17 =	sadd.s32 $0x800, s17;
	v4 =	vadd.f32 v6, v4;
	v7 =	vmul.f32 v6, v6  }
0x20c: {  	v6 =	vld [tilespmem:s18+$0x0]  }
0x20d: {  	v5 =	vadd.f32 v7, v5  }
0x20e: {  	_ =	sdelay $0x2  }
0x20f: {  	v7 =	vmul.f32 v6, v6  }
0x210: {  	v4 =	vadd.f32 v6, v4  }
0x211: {  	v5 =	vadd.f32 v7, v5  }
0x212: {  	(xrf2) =	vadd.scan.msk.f32 $0xffff, v4  }
0x213: {  	(xrf2) =	vadd.scan.msk.f32 $0xffff, v5;
	_ =	sdelay $0x8  }
0x214: {  	v4, _, _ =	vpop (xrf2)  }
0x215: {  	(v2sf) =	vpush v4, $0xF;
	v4, _, _ =	vpop (xrf2)  }
0x216: {  	(v2sf) =	vpush v4, $0xF;
	_ =	sdelay $0xd  }
0x217: {  	s17 =	spop (v2sf)  }
0x218: {  	s17 =	smul.f32 $9.765625000e-04, s17;
	s18 =	spop (v2sf)  }
0x219: {  	s18 =	smul.f32 $9.765625000e-04, s18  }
0x21a: {  	s19 =	smul.f32 s17, s17;
	_ =	sdelay $0x1  }
0x21b: {  	s18 =	ssub.f32 s18, s19;
	_ =	sdelay $0x1  }
0x21c: {  	s18 =	smax.f32 s18, $9.999999960e-13  }
0x21d: {  	s18 =	smin.f32 s18, $2.000000000e+00  }
0x21e: {  	v4 =	vmov s18  }
0x21f: {  	v4 =	vmul.f32 $5.000000000e-01, v4;
	_ =	sdelay $0x1  }
0x220: {  	v5 =	vsub.f32 $1.500000000e+00, v4;
	_ =	sdelay $0x1  }
0x221: {  	v6 =	vmul.f32 v5, v4;
	_ =	sdelay $0x1  }
0x222: {  	v6 =	vmul.f32 v6, v5;
	_ =	sdelay $0x1  }
0x223: {  	v6 =	vsub.f32 $1.500000000e+00, v6;
	_ =	sdelay $0x1  }
0x224: {  	v5 =	vmul.f32 v6, v5;
	_ =	sdelay $0x1  }
0x225: {  	v6 =	vmul.f32 v5, v4;
	_ =	sdelay $0x1  }
0x226: {  	v6 =	vmul.f32 v6, v5;
	_ =	sdelay $0x1  }
0x227: {  	v6 =	vsub.f32 $1.500000000e+00, v6;
	_ =	sdelay $0x1  }
0x228: {  	v5 =	vmul.f32 v6, v5;
	_ =	sdelay $0x1  }
0x229: {  	v6 =	vmul.f32 v5, v4;
	_ =	sdelay $0x1  }
0x22a: {  	v6 =	vmul.f32 v6, v5;
	_ =	sdelay $0x1  }
0x22b: {  	v6 =	vsub.f32 $1.500000000e+00, v6;
	_ =	sdelay $0x1  }
0x22c: {  	v5 =	vmul.f32 v6, v5;
	_ =	sdelay $0x1  }
0x22d: {  	v6 =	vmul.f32 v5, v4;
	_ =	sdelay $0x1  }
0x22e: {  	v6 =	vmul.f32 v6, v5;
	_ =	sdelay $0x1  }
0x22f: {  	v6 =	vsub.f32 $1.500000000e+00, v6;
	_ =	sdelay $0x1  }
0x230: {  	v5 =	vmul.f32 v6, v5;
	_ =	sdelay $0x1  }
0x231: {  	v6 =	vmul.f32 v5, v4;
	_ =	sdelay $0x1  }
0x232: {  	v6 =	vmul.f32 v6, v5;
	_ =	sdelay $0x1  }
0x233: {  	v6 =	vsub.f32 $1.500000000e+00, v6;
	_ =	sdelay $0x1  }
0x234: {  	v5 =	vmul.f32 v6, v5;
	_ =	sdelay $0x1  }
0x235: {  	v6 =	vmul.f32 v5, v4;
	_ =	sdelay $0x1  }
0x236: {  	v6 =	vmul.f32 v6, v5;
	_ =	sdelay $0x1  }
0x237: {  	v6 =	vsub.f32 $1.500000000e+00, v6;
	_ =	sdelay $0x1  }
0x238: {  	v5 =	vmul.f32 v6, v5;
	_ =	sdelay $0x1  }
0x239: {  	v6 =	vmul.f32 v5, v4;
	_ =	sdelay $0x1  }
0x23a: {  	v6 =	vmul.f32 v6, v5;
	_ =	sdelay $0x1  }
0x23b: {  	v6 =	vsub.f32 $1.500000000e+00, v6;
	_ =	sdelay $0x1  }
0x23c: {  	v5 =	vmul.f32 v6, v5;
	_ =	sdelay $0x1  }
0x23d: {  	v6 =	vmul.f32 v5, v4;
	_ =	sdelay $0x1  }
0x23e: {  	v6 =	vmul.f32 v6, v5;
	_ =	sdelay $0x1  }
0x23f: {  	v6 =	vsub.f32 $1.500000000e+00, v6;
	_ =	sdelay $0x1  }
0x240: {  	v5 =	vmul.f32 v6, v5;
	_ =	sdelay $0x1  }
0x241: {  	v6 =	vmul.f32 v5, v4;
	_ =	sdelay $0x1  }
0x242: {  	v6 =	vmul.f32 v6, v5;
	_ =	sdelay $0x1  }
0x243: {  	v6 =	vsub.f32 $1.500000000e+00, v6;
	_ =	sdelay $0x1  }
0x244: {  	v5 =	vmul.f32 v6, v5;
	_ =	sdelay $0x1  }
0x245: {  	v6 =	vmul.f32 v5, v4;
	_ =	sdelay $0x1  }
0x246: {  	v6 =	vmul.f32 v6, v5;
	_ =	sdelay $0x1  }
0x247: {  	v6 =	vsub.f32 $1.500000000e+00, v6;
	_ =	sdelay $0x1  }
0x248: {  	v5 =	vmul.f32 v6, v5;
	_ =	sdelay $0x1  }
0x249: {  	v4 =	vmul.f32 v5, v4;
	_ =	sdelay $0x1  }
0x24a: {  	v4 =	vmul.f32 v4, v5;
	_ =	sdelay $0x1  }
0x24b: {  	v4 =	vsub.f32 $1.500000000e+00, v4;
	_ =	sdelay $0x1  }
0x24c: {  	v4 =	vmul.f32 v4, v5;
	_ =	sdelay $0x1  }
0x24d: {  	v4 =	vmul.f32 s18, v4;
	_ =	sdelay $0x1  }
0x24e: {  	v4 =	vadd.f32 v4, v4;
	_ =	sdelay $0x1  }
0x24f: {  	v6 =	vimm.s32 $0x0;
	v5 =	vimm.s32 $0x80000000;
	v4 =	vadd.f32 s17, v4;
	s17 =	simm.s32 $0x0  }
.LBB2_38:
0x250: {  	s18 =	sshra.s32 s17, $0x2  }
0x251: {  	v7 =	vld [tilespmem:s18+$0x0];
	_ =	sdelay $0x4  }
0x252: {  	vm1 =	vgt.f32 v7, v4  }
0x253: {  	v8 =	vsel vm1, $0x1, v0  }
0x254: {  	(xrf0) =	vadd.scan.msk.s32 $0xffff, v8;
	_ =	sdelay $0x5  }
0x255: {  	v8, _, _ =	vpop (xrf0)  }
0x256: {  	v8 =	vadd.s32 v8, v6  }
0x257: {  	v8 =	vadd.s32 $0xFFFFFFFF, v8  }
0x258: {  	vm2 =	vlt.s32 v8, $0x1000  }
0x259: {  	v8 =	vnsel vm2, $0x1000, v8;
	_ =	sdelay $0x1  }
0x25a: {  	v9 =	vshra.s32 v7, $0x1F  }
0x25b: {  	v9 =	vand.u32 $0x7FFFFFFF, v9  }
0x25c: {  	v7 =	vxor.u32 v7, v9  }
0x25d: {  	[tilespmem:v8+s13+$0x0] =	vst.idx.msk vm1, v7  }
0x25e: {  	v8 =	vld [tilespmem:s18+$0x10];
	_ =	sdelay $0x4  }
0x25f: {  	vm2 =	vgt.f32 v8, v4  }
0x260: {  	v54 =	vsel vm2, $0x1, v0  }
0x261: {  	(xrf0) =	vadd.scan.msk.s32 $0xffff, v54;
	_ =	sdelay $0x3  }
0x262: {  	v55 =	vmpcnt.ones.xlane vm1;
	_ =	sdelay $0x1  }
0x263: {  	v6 =	vadd.s32 v6, v55;
	v56, _, _ =	vpop (xrf0)  }
0x264: {  	v9 =	vadd.s32 v56, v6  }
0x265: {  	v9 =	vadd.s32 $0xFFFFFFFF, v9  }
0x266: {  	vm1 =	vlt.s32 v9, $0x1000  }
0x267: {  	v9 =	vnsel vm1, $0x1000, v9;
	_ =	sdelay $0x1  }
0x268: {  	v10 =	vshra.s32 v8, $0x1F  }
0x269: {  	v10 =	vand.u32 $0x7FFFFFFF, v10  }
0x26a: {  	v8 =	vxor.u32 v8, v10  }
0x26b: {  	[tilespmem:v9+s13+$0x0] =	vst.idx.msk vm2, v8  }
0x26c: {  	v9 =	vld [tilespmem:s18+$0x20];
	_ =	sdelay $0x4  }
0x26d: {  	vm1 =	vgt.f32 v9, v4  }
0x26e: {  	v57 =	vsel vm1, $0x1, v0  }
0x26f: {  	(xrf0) =	vadd.scan.msk.s32 $0xffff, v57;
	_ =	sdelay $0x3  }
0x270: {  	v58 =	vmpcnt.ones.xlane vm2;
	_ =	sdelay $0x1  }
0x271: {  	v6 =	vadd.s32 v6, v58;
	v59, _, _ =	vpop (xrf0)  }
0x272: {  	v10 =	vadd.s32 v59, v6  }
0x273: {  	v10 =	vadd.s32 $0xFFFFFFFF, v10  }
0x274: {  	vm2 =	vlt.s32 v10, $0x1000  }
0x275: {  	v10 =	vnsel vm2, $0x1000, v10;
	_ =	sdelay $0x1  }
0x276: {  	v11 =	vshra.s32 v9, $0x1F  }
0x277: {  	v11 =	vand.u32 $0x7FFFFFFF, v11  }
0x278: {  	v9 =	vxor.u32 v9, v11  }
0x279: {  	[tilespmem:v10+s13+$0x0] =	vst.idx.msk vm1, v9  }
0x27a: {  	v10 =	vld [tilespmem:s18+$0x30];
	_ =	sdelay $0x4  }
0x27b: {  	vm2 =	vgt.f32 v10, v4  }
0x27c: {  	v60 =	vsel vm2, $0x1, v0  }
0x27d: {  	(xrf0) =	vadd.scan.msk.s32 $0xffff, v60;
	_ =	sdelay $0x3  }
0x27e: {  	v61 =	vmpcnt.ones.xlane vm1;
	_ =	sdelay $0x1  }
0x27f: {  	v6 =	vadd.s32 v6, v61;
	v62, _, _ =	vpop (xrf0)  }
0x280: {  	v11 =	vadd.s32 v62, v6  }
0x281: {  	vm1 =	vgt.s32 v5, v7;
	v11 =	vadd.s32 $0xFFFFFFFF, v11  }
0x282: {  	v5 =	vsel vm1, v5, v7;
	vm1 =	vlt.s32 v11, $0x1000  }
0x283: {  	p0 =	sne.s32 s17, $0x1FF00;
	v7 =	vnsel vm1, $0x1000, v11;
	vm1 =	vgt.s32 v5, v8  }
.Ltmp29:
0x284: {  	v5 =	vsel vm1, v5, v8;
	v8 =	vshra.s32 v10, $0x1F;
	(pc) =	sbr.rel @p0 .LBB2_38-.Ltmp29, $4  }
0x285: {  	vm1 =	vgt.s32 v5, v9;
	v8 =	vand.u32 $0x7FFFFFFF, v8  }
0x286: {  	v63 =	vmpcnt.ones.xlane vm2;
	v5 =	vsel vm1, v5, v9;
	v8 =	vxor.u32 v10, v8  }
0x287: {  	vm1 =	vgt.s32 v5, v8  }
0x288: {  	s17 =	sadd.s32 $0x100, s17;
	v6 =	vadd.s32 v6, v63;
	[tilespmem:v7+s13+$0x0] =	vst.idx.msk vm2, v8;
	v5 =	vsel vm1, v5, v8  }
0x289: {  	v6 =	vxor.u32 $0x80000000, v6  }
0x28a: {  	(xrf0) =	vmax.scan.msk.u32 $0xffff, v6;
	_ =	sdelay $0x2  }
0x28b: {  	v5 =	vxor.u32 $0x80000000, v5;
	_ =	sdelay $0x1  }
0x28c: {  	(xrf0) =	vmax.scan.msk.u32 $0xffff, v5  }
0x28d: {  	v5, _, _ =	vpop (xrf0)  }
0x28e: {  	(v2sf) =	vpush v5, $0xF;
	_ =	sdelay $0x3  }
0x28f: {  	v5, _, _ =	vpop (xrf0)  }
0x290: {  	(v2sf) =	vpush v5, $0xF;
	_ =	sdelay $0x9  }
0x291: {  	s17 =	spop (v2sf)  }
0x292: {  	s18 =	sxor.u32 $0x80000000, s17  }
0x293: {  	p0 =	slt.s32 s18, $0x1000  }
.Ltmp30:
0x294: {  	s18 =	simm.s32 @!p0 $0x1000;
	(pc) =	sbr.rel .LBB2_40-.Ltmp30, $4  }
0x295: {  	[tilespmem:s18+$0x10000] =	vst v1  }
0x296: {  	v5 =	vshra.s32 v4, $0x1F;
	s19 =	spop (v2sf);
	[tilespmem:s18+$0x10010] =	vst v1;
	s20 =	sadd.s32 $0x3F, s18  }
0x297: {  	v6 =	vand.u32 $0x7FFFFFFF, v5;
	s21 =	sxor.u32 $0x80000000, s19;
	[tilespmem:s18+$0x10020] =	vst v1;
	s19 =	sshra.s32 s20, $0x6  }
0x298: {  	v4 =	vxor.u32 v4, v6;
	v5 =	vmov s21;
	[tilespmem:s18+$0x10030] =	vst v1;
	s18 =	simm.s32 $0x0;
	p0 =	slt.s32 s19, $0x1  }
.LBB2_43:
0x299: {  	v11 =	vsel vm1, $0x1, v0;
	vm1 =	vgt.s32 v9, v6  }
0x29a: {  	v9 =	vadd.s32 v11, v10;
	v10 =	vsel vm1, $0x1, v0;
	vm1 =	vgt.s32 v8, v6  }
0x29b: {  	v8 =	vadd.s32 v10, v9;
	v9 =	vsel vm1, $0x1, v0;
	vm1 =	vgt.s32 v7, v6  }
0x29c: {  	v7 =	vadd.s32 v9, v8;
	v8 =	vsel vm1, $0x1, v0  }
0x29d: {  	v10 =	vadd.s32 v8, v7  }
.LBB2_44:
0x29e: {  	(xrf0) =	vadd.scan.msk.s32 $0xffff, v10;
	_ =	sdelay $0x5  }
0x29f: {  	v7, _, _ =	vpop (xrf0)  }
0x2a0: {  	(v2sf) =	vpush v7, $0xF;
	_ =	sdelay $0xa  }
0x2a1: {  	s18 =	sadd.s32 $0x1, s18  }
0x2a2: {  	p2 =	sne.s32 s18, $0x1B  }
.Ltmp31:
0x2a3: {  	_ = 	snop;
	(pc) =	sbr.rel @!p2 .LBB2_45-.Ltmp31, $4  }
0x2a4: {  	_ = 	snop  }
0x2a5: {  	s20 =	spop (v2sf)  }
0x2a6: {  	v7 =	vadd.s32 $0x1, v6;
	p1 =	sgt.s32 s20, $0xFF  }
0x2a7: {  	v4 =	vpsel p1, v7, v4;
	v5 =	vpsel p1, v5, v6  }
.LBB2_40:
.Ltmp32:
0x2a8: {  	(pc) =	sbr.rel @p0 .LBB2_44-.Ltmp32, $4  }
0x2a9: {  	_ = 	snop  }
0x2aa: {  	v6 =	vxor.u32 v5, v4  }
0x2ab: {  	v7 =	vand.u32 v5, v4;
	v6 =	vshra.s32 v6, $0x1  }
0x2ac: {  	v10 =	vimm.s32 $0x0;
	s21 =	simm.s32 $0x10020;
	v6 =	vadd.s32 v6, v7  }
0x2ad: {  	v11 =	vld [tilespmem:s21+$0xFFFFFFE0];
	p1 =	sne.s32 s19, $0x1  }
.Ltmp33:
0x2ae: {  	v9 =	vld [tilespmem:s21+$0xFFFFFFF0];
	(pc) =	sbr.rel @!p1 .LBB2_43-.Ltmp33, $3  }
0x2af: {  	v8 =	vld [tilespmem:s21+$0x0]  }
0x2b0: {  	v7 =	vld [tilespmem:s21+$0x10];
	_ =	sdelay $0x1  }
0x2b1: {  	s20 =	sadd.s32 $0xFFFFFFFF, s19;
	s21 =	sadd.s32 $0x40, s21;
	vm1 =	vgt.s32 v11, v6  }
.LBB2_42:
0x2b2: {  	v11 =	vld [tilespmem:s21+$0xFFFFFFE0];
	p1 =	sne.s32 s20, $0x1;
	s20 =	sadd.s32 $0xFFFFFFFF, s20;
	v12 =	vsel vm1, $0x1, v0;
	vm1 =	vgt.s32 v9, v6  }
.Ltmp34:
0x2b3: {  	v9 =	vld [tilespmem:s21+$0xFFFFFFF0];
	v10 =	vadd.s32 v12, v10;
	v12 =	vsel vm1, $0x1, v0;
	vm1 =	vgt.s32 v8, v6;
	(pc) =	sbr.rel @p1 .LBB2_42-.Ltmp34, $4  }
0x2b4: {  	v8 =	vld [tilespmem:s21+$0x0];
	v10 =	vadd.s32 v12, v10;
	v12 =	vsel vm1, $0x1, v0;
	vm1 =	vgt.s32 v7, v6  }
0x2b5: {  	v7 =	vld [tilespmem:s21+$0x10];
	v10 =	vadd.s32 v12, v10;
	v12 =	vsel vm1, $0x1, v0  }
0x2b6: {  	v10 =	vadd.s32 v12, v10  }
0x2b7: {  	s21 =	sadd.s32 $0x40, s21;
	vm1 =	vgt.s32 v11, v6  }
.Ltmp35:
0x2b8: {  	_ = 	snop;
	(pc) =	sbr.rel .LBB2_43-.Ltmp35, $1  }
0x2b9: {  	_ =	sdelay $0x3  }
.LBB2_45:
0x2ba: {  	vm1 =	veq.s32 v4, v5  }
0x2bb: {  	v5 =	vsel vm1, $0x3F800000, v2  }
0x2bc: {  	(xrf0) =	vmin.scan.msk.f32 $0xffff, v5;
	_ =	sdelay $0x5  }
0x2bd: {  	v5, _, _ =	vpop (xrf0)  }
0x2be: {  	(v2sf) =	vpush v5, $0xF;
	_ =	sdelay $0xa  }
.Ltmp36:
0x2bf: {  	_ = 	snop;
	(pc) =	sbr.rel @p0 .LBB2_46-.Ltmp36, $2  }
0x2c0: {  	_ =	sdelay $0x2  }
0x2c1: {  	s21 =	simm.s32 $0x10020;
	v5 =	vimm.s32 $0x0;
	s18 =	spop (v2sf)  }
0x2c2: {  	p1 =	sne.s32 s19, $0x1  }
.Ltmp37:
0x2c3: {  	_ = 	snop;
	(pc) =	sbr.rel @!p1 .LBB2_48-.Ltmp37, $4  }
0x2c4: {  	v6 =	vld [tilespmem:s21+$0x10]  }
0x2c5: {  	v8 =	vld [tilespmem:s21+$0x0]  }
0x2c6: {  	v7 =	vld [tilespmem:s21+$0xFFFFFFF0]  }
0x2c7: {  	v9 =	vld [tilespmem:s21+$0xFFFFFFE0];
	s20 =	sadd.s32 $0xFFFFFFFF, s19;
	p0 =	por $0x0, $0x0  }
0x2c8: {  	_ = 	snop  }
0x2c9: {  	vm2 =	vgt.s32 v6, v4  }
0x2ca: {  	s19 =	sadd.s32 $0x40, s21;
	p1 =	sne.s32 s20, $0x1;
	vm1 =	veq.s32 v6, v4;
	vm3 =	vgt.s32 v8, v4;
	vm4 =	veq.s32 v8, v4  }
.Ltmp38:
0x2cb: {  	v6 =	vld [tilespmem:s19+$0x10];
	v10 =	vsel vm2, $0x1, v0;
	vm6 =	vgt.s32 v7, v4;
	vm7 =	veq.s32 v7, v4;
	(pc) =	sbr.rel @!p1 .LBB2_51-.Ltmp38, $4  }
0x2cc: {  	v8 =	vld [tilespmem:s19+$0x0];
	v11 =	vsel vm3, $0x1, v0;
	vm5 =	vgt.s32 v9, v4;
	vm8 =	veq.s32 v9, v4  }
0x2cd: {  	v7 =	vld [tilespmem:s19+$0xFFFFFFF0];
	v13 =	vsel vm6, $0x1, v0;
	v9 =	vsel vm5, $0x1, v0;
	v12 =	vsel vm8, $0x1, v0  }
0x2ce: {  	v16 =	vsel vm7, $0x1, v0;
	v14 =	vadd.s32 v9, v5;
	v15 =	vadd.s32 v12, v5;
	v9 =	vld [tilespmem:s19+$0xFFFFFFE0]  }
0x2cf: {  	s20 =	sadd.s32 $0xFFFFFFFF, s20;
	p0 =	por $0x1, $0x1;
	v12 =	vadd.s32 v13, v14;
	v13 =	vadd.s32 v16, v15;
	v14 =	vsel vm4, $0x1, v0  }
.LBB2_50:
0x2d0: {  	p1 =	sne.s32 s20, $0x1;
	v11 =	vadd.s32 v11, v12;
	v12 =	vadd.s32 v14, v13;
	v13 =	vsel vm1, $0x1, v0  }
0x2d1: {  	vm2 =	vgt.s32 v6, v4;
	v14 =	vadd.s32 v10, v11;
	v12 =	vadd.s32 v13, v12  }
0x2d2: {  	vm1 =	veq.s32 v6, v4;
	s19 =	sadd.s32 $0x40, s19;
	vm3 =	vgt.s32 v8, v4;
	vm4 =	veq.s32 v8, v4  }
.Ltmp39:
0x2d3: {  	vm6 =	vgt.s32 v7, v4;
	vm7 =	veq.s32 v7, v4;
	v6 =	vld [tilespmem:s19+$0x10];
	vm5 =	vgt.s32 v9, v4;
	(pc) =	sbr.rel @p1 .LBB2_50-.Ltmp39, $4  }
0x2d4: {  	v10 =	vsel vm2, $0x1, v0;
	v11 =	vsel vm3, $0x1, v0;
	vm8 =	veq.s32 v9, v4;
	v8 =	vld [tilespmem:s19+$0x0]  }
0x2d5: {  	v16 =	vsel vm6, $0x1, v0;
	v13 =	vsel vm5, $0x1, v0;
	v15 =	vsel vm8, $0x1, v0;
	v7 =	vld [tilespmem:s19+$0xFFFFFFF0]  }
0x2d6: {  	v13 =	vadd.s32 v13, v14;
	v14 =	vadd.s32 v15, v12;
	v15 =	vsel vm7, $0x1, v0;
	v9 =	vld [tilespmem:s19+$0xFFFFFFE0]  }
0x2d7: {  	s20 =	sadd.s32 $0xFFFFFFFF, s20;
	v12 =	vadd.s32 v16, v13;
	v13 =	vadd.s32 v15, v14;
	v14 =	vsel vm4, $0x1, v0  }
.LBB2_51:
0x2d8: {  	v11 =	vadd.s32 @p0 v11, v12;
	v12 =	vadd.s32 @p0 v14, v13  }
0x2d9: {  	v13 =	vsel @p0 vm1, $0x1, v0;
	vm1 =	vgt.s32 v6, v4;
	vm4 =	veq.s32 v6, v4  }
0x2da: {  	v10 =	vadd.s32 @p0 v10, v11;
	v11 =	vadd.s32 @p0 v13, v12;
	vm2 =	vgt.s32 v8, v4  }
0x2db: {  	vm3 =	veq.s32 v8, v4;
	v63 =	vsel vm4, $0x1, v0;
	vm6 =	vgt.s32 v7, v4  }
0x2dc: {  	vm7 =	veq.s32 v7, v4;
	v6 =	vsel vm2, $0x1, v0;
	v10 =	vpsel p0, v10, v5  }
0x2dd: {  	v5 =	vpsel p0, v11, v5;
	vm5 =	vgt.s32 v9, v4;
	vm8 =	veq.s32 v9, v4  }
.Ltmp40:
0x2de: {  	v60 =	vsel vm6, $0x1, v0;
	v8 =	vsel vm5, $0x1, v0;
	v9 =	vsel vm8, $0x1, v0;
	(pc) =	sbr.rel .LBB2_52-.Ltmp40, $4  }
0x2df: {  	v61 =	vsel vm7, $0x1, v0;
	v8 =	vadd.s32 v8, v10;
	v5 =	vadd.s32 v9, v5  }
0x2e0: {  	v62 =	vsel vm3, $0x1, v0;
	v8 =	vadd.s32 v60, v8;
	v5 =	vadd.s32 v61, v5  }
0x2e1: {  	v7 =	vsel vm1, $0x1, v0;
	v6 =	vadd.s32 v6, v8;
	v8 =	vadd.s32 v62, v5  }
0x2e2: {  	v5 =	vadd.s32 v7, v6;
	v6 =	vadd.s32 v63, v8  }
.LBB2_46:
0x2e3: {  	v6 =	vimm.s32 $0x0  }
.LBB2_52:
0x2e4: {  	(xrf0) =	vadd.scan.msk.s32 $0xffff, v5;
	_ =	sdelay $0x2  }
0x2e5: {  	(xrf0) =	vadd.scan.msk.s32 $0xffff, v6;
	_ =	sdelay $0x2  }
0x2e6: {  	v5, _, _ =	vpop (xrf0)  }
0x2e7: {  	(v2sf) =	vpush v5, $0xF;
	_ =	sdelay $0x1  }
0x2e8: {  	v5, _, _ =	vpop (xrf0)  }
0x2e9: {  	(v2sf) =	vpush v5, $0xF;
	_ =	sdelay $0xb  }
0x2ea: {  	s17 =	sadd.s32 $0x7FFFFF00, s17;
	p0 =	sgt.f32 s18, $0.0e+00;
	s19 =	spop (v2sf)  }
0x2eb: {  	vm1 =	vlt.s32 v4, $0x0;
	p1 =	slt.u32 s17, $0xF01;
	v5 =	vxor.u32 $0x7FFFFFFF, v4;
	s28 =	ssub.s32 $0x100, s19  }
0x2ec: {  	p0 =	por !p1, !p0;
	v4 =	vsel vm1, v5, v4;
	s17 =	scvt.s32.f32 s28  }
0x2ed: {  	p0 =	por !p0, !p0;
	vm1 =	veq.s32 v3, $0x1;
	v4 =	vnsel vm0, $0x0, v4;
	s29 =	spop (v2sf);
	s19 =	simm.f32 $1.000000000e+00  }
0x2ee: {  	s19 =	simm.s32 @!p0 $0x0;
	s30 =	scvt.s32.f32 s29;
	v4 =	vsel vm1, s17, v4;
	vm1 =	veq.s32 v3, $0x2  }
0x2ef: {  	v4 =	vsel vm1, s19, v4;
	vm1 =	veq.s32 v3, $0x3  }
0x2f0: {  	v4 =	vsel vm1, s30, v4  }
0x2f1: {  	[tilespmem:$0x14180] =	vst v4  }
0x2f2: {  	_ =	swait.ge [sflag:s14], $0x8000  }
0x2f3: {  	[sflag:s14] =	ssyncset.done $0x0  }
0x2f4: {  	s31 =	simm.s32 $0x0;
	[sflag:s14] =	ssyncadd.s32 $0xFFFF8000  }
0x2f5: {  	v6 =	vld [tilespmem:s31+$0x8000]  }
0x2f6: {  	v5 =	vimm.f32 $0.0e+00;
	s17 =	simm.s32 $0x800;
	v4 =	vimm.f32 $0.0e+00  }
.LBB2_53:
0x2f7: {  	p0 =	sne.s32 s17, $0x1F800  }
.Ltmp41:
0x2f8: {  	_ = 	snop;
	(pc) =	sbr.rel @p0 .LBB2_53-.Ltmp41, $4  }
0x2f9: {  	_ = 	snop  }
0x2fa: {  	s18 =	sshra.s32 s17, $0x2;
	s17 =	sadd.s32 $0x800, s17;
	v4 =	vadd.f32 v6, v4;
	v7 =	vmul.f32 v6, v6  }
0x2fb: {  	v6 =	vld [tilespmem:s18+$0x8000]  }
0x2fc: {  	v5 =	vadd.f32 v7, v5  }
0x2fd: {  	_ =	sdelay $0x2  }
0x2fe: {  	v7 =	vmul.f32 v6, v6  }
0x2ff: {  	v4 =	vadd.f32 v6, v4  }
0x300: {  	v5 =	vadd.f32 v7, v5  }
0x301: {  	(xrf2) =	vadd.scan.msk.f32 $0xffff, v4  }
0x302: {  	(xrf2) =	vadd.scan.msk.f32 $0xffff, v5;
	_ =	sdelay $0x8  }
0x303: {  	v4, _, _ =	vpop (xrf2)  }
0x304: {  	(v2sf) =	vpush v4, $0xF;
	v4, _, _ =	vpop (xrf2)  }
0x305: {  	(v2sf) =	vpush v4, $0xF;
	_ =	sdelay $0xd  }
0x306: {  	s17 =	spop (v2sf)  }
0x307: {  	s17 =	smul.f32 $9.765625000e-04, s17;
	s18 =	spop (v2sf)  }
0x308: {  	s18 =	smul.f32 $9.765625000e-04, s18  }
0x309: {  	s19 =	smul.f32 s17, s17;
	_ =	sdelay $0x1  }
0x30a: {  	s18 =	ssub.f32 s18, s19;
	_ =	sdelay $0x1  }
0x30b: {  	s18 =	smax.f32 s18, $9.999999960e-13  }
0x30c: {  	s18 =	smin.f32 s18, $2.000000000e+00  }
0x30d: {  	v4 =	vmov s18  }
0x30e: {  	v4 =	vmul.f32 $5.000000000e-01, v4;
	_ =	sdelay $0x1  }
0x30f: {  	v5 =	vsub.f32 $1.500000000e+00, v4;
	_ =	sdelay $0x1  }
0x310: {  	v6 =	vmul.f32 v5, v4;
	_ =	sdelay $0x1  }
0x311: {  	v6 =	vmul.f32 v6, v5;
	_ =	sdelay $0x1  }
0x312: {  	v6 =	vsub.f32 $1.500000000e+00, v6;
	_ =	sdelay $0x1  }
0x313: {  	v5 =	vmul.f32 v6, v5;
	_ =	sdelay $0x1  }
0x314: {  	v6 =	vmul.f32 v5, v4;
	_ =	sdelay $0x1  }
0x315: {  	v6 =	vmul.f32 v6, v5;
	_ =	sdelay $0x1  }
0x316: {  	v6 =	vsub.f32 $1.500000000e+00, v6;
	_ =	sdelay $0x1  }
0x317: {  	v5 =	vmul.f32 v6, v5;
	_ =	sdelay $0x1  }
0x318: {  	v6 =	vmul.f32 v5, v4;
	_ =	sdelay $0x1  }
0x319: {  	v6 =	vmul.f32 v6, v5;
	_ =	sdelay $0x1  }
0x31a: {  	v6 =	vsub.f32 $1.500000000e+00, v6;
	_ =	sdelay $0x1  }
0x31b: {  	v5 =	vmul.f32 v6, v5;
	_ =	sdelay $0x1  }
0x31c: {  	v6 =	vmul.f32 v5, v4;
	_ =	sdelay $0x1  }
0x31d: {  	v6 =	vmul.f32 v6, v5;
	_ =	sdelay $0x1  }
0x31e: {  	v6 =	vsub.f32 $1.500000000e+00, v6;
	_ =	sdelay $0x1  }
0x31f: {  	v5 =	vmul.f32 v6, v5;
	_ =	sdelay $0x1  }
0x320: {  	v6 =	vmul.f32 v5, v4;
	_ =	sdelay $0x1  }
0x321: {  	v6 =	vmul.f32 v6, v5;
	_ =	sdelay $0x1  }
0x322: {  	v6 =	vsub.f32 $1.500000000e+00, v6;
	_ =	sdelay $0x1  }
0x323: {  	v5 =	vmul.f32 v6, v5;
	_ =	sdelay $0x1  }
0x324: {  	v6 =	vmul.f32 v5, v4;
	_ =	sdelay $0x1  }
0x325: {  	v6 =	vmul.f32 v6, v5;
	_ =	sdelay $0x1  }
0x326: {  	v6 =	vsub.f32 $1.500000000e+00, v6;
	_ =	sdelay $0x1  }
0x327: {  	v5 =	vmul.f32 v6, v5;
	_ =	sdelay $0x1  }
0x328: {  	v6 =	vmul.f32 v5, v4;
	_ =	sdelay $0x1  }
0x329: {  	v6 =	vmul.f32 v6, v5;
	_ =	sdelay $0x1  }
0x32a: {  	v6 =	vsub.f32 $1.500000000e+00, v6;
	_ =	sdelay $0x1  }
0x32b: {  	v5 =	vmul.f32 v6, v5;
	_ =	sdelay $0x1  }
0x32c: {  	v6 =	vmul.f32 v5, v4;
	_ =	sdelay $0x1  }
0x32d: {  	v6 =	vmul.f32 v6, v5;
	_ =	sdelay $0x1  }
0x32e: {  	v6 =	vsub.f32 $1.500000000e+00, v6;
	_ =	sdelay $0x1  }
0x32f: {  	v5 =	vmul.f32 v6, v5;
	_ =	sdelay $0x1  }
0x330: {  	v6 =	vmul.f32 v5, v4;
	_ =	sdelay $0x1  }
0x331: {  	v6 =	vmul.f32 v6, v5;
	_ =	sdelay $0x1  }
0x332: {  	v6 =	vsub.f32 $1.500000000e+00, v6;
	_ =	sdelay $0x1  }
0x333: {  	v5 =	vmul.f32 v6, v5;
	_ =	sdelay $0x1  }
0x334: {  	v6 =	vmul.f32 v5, v4;
	_ =	sdelay $0x1  }
0x335: {  	v6 =	vmul.f32 v6, v5;
	_ =	sdelay $0x1  }
0x336: {  	v6 =	vsub.f32 $1.500000000e+00, v6;
	_ =	sdelay $0x1  }
0x337: {  	v5 =	vmul.f32 v6, v5;
	_ =	sdelay $0x1  }
0x338: {  	v4 =	vmul.f32 v5, v4;
	_ =	sdelay $0x1  }
0x339: {  	v4 =	vmul.f32 v4, v5;
	_ =	sdelay $0x1  }
0x33a: {  	v4 =	vsub.f32 $1.500000000e+00, v4;
	_ =	sdelay $0x1  }
0x33b: {  	v4 =	vmul.f32 v4, v5;
	_ =	sdelay $0x1  }
0x33c: {  	v4 =	vmul.f32 s18, v4;
	_ =	sdelay $0x1  }
0x33d: {  	v4 =	vadd.f32 v4, v4;
	_ =	sdelay $0x1  }
0x33e: {  	v6 =	vimm.s32 $0x0;
	v5 =	vimm.s32 $0x80000000;
	v4 =	vadd.f32 s17, v4;
	s17 =	simm.s32 $0x0  }
.LBB2_55:
0x33f: {  	s18 =	sshra.s32 s17, $0x2  }
0x340: {  	v7 =	vld [tilespmem:s18+$0x8000];
	_ =	sdelay $0x4  }
0x341: {  	vm1 =	vgt.f32 v7, v4  }
0x342: {  	v8 =	vsel vm1, $0x1, v0  }
0x343: {  	(xrf0) =	vadd.scan.msk.s32 $0xffff, v8;
	_ =	sdelay $0x5  }
0x344: {  	v8, _, _ =	vpop (xrf0)  }
0x345: {  	v8 =	vadd.s32 v8, v6  }
0x346: {  	v8 =	vadd.s32 $0xFFFFFFFF, v8  }
0x347: {  	vm2 =	vlt.s32 v8, $0x1000  }
0x348: {  	v8 =	vnsel vm2, $0x1000, v8;
	_ =	sdelay $0x1  }
0x349: {  	v9 =	vshra.s32 v7, $0x1F  }
0x34a: {  	v9 =	vand.u32 $0x7FFFFFFF, v9  }
0x34b: {  	v7 =	vxor.u32 v7, v9  }
0x34c: {  	[tilespmem:v8+s13+$0x0] =	vst.idx.msk vm1, v7  }
0x34d: {  	v8 =	vld [tilespmem:s18+$0x8010];
	_ =	sdelay $0x4  }
0x34e: {  	vm2 =	vgt.f32 v8, v4  }
0x34f: {  	v54 =	vsel vm2, $0x1, v0  }
0x350: {  	(xrf0) =	vadd.scan.msk.s32 $0xffff, v54;
	_ =	sdelay $0x3  }
0x351: {  	v55 =	vmpcnt.ones.xlane vm1;
	_ =	sdelay $0x1  }
0x352: {  	v6 =	vadd.s32 v6, v55;
	v56, _, _ =	vpop (xrf0)  }
0x353: {  	v9 =	vadd.s32 v56, v6  }
0x354: {  	v9 =	vadd.s32 $0xFFFFFFFF, v9  }
0x355: {  	vm1 =	vlt.s32 v9, $0x1000  }
0x356: {  	v9 =	vnsel vm1, $0x1000, v9;
	_ =	sdelay $0x1  }
0x357: {  	v10 =	vshra.s32 v8, $0x1F  }
0x358: {  	v10 =	vand.u32 $0x7FFFFFFF, v10  }
0x359: {  	v8 =	vxor.u32 v8, v10  }
0x35a: {  	[tilespmem:v9+s13+$0x0] =	vst.idx.msk vm2, v8  }
0x35b: {  	v9 =	vld [tilespmem:s18+$0x8020];
	_ =	sdelay $0x4  }
0x35c: {  	vm1 =	vgt.f32 v9, v4  }
0x35d: {  	v57 =	vsel vm1, $0x1, v0  }
0x35e: {  	(xrf0) =	vadd.scan.msk.s32 $0xffff, v57;
	_ =	sdelay $0x3  }
0x35f: {  	v58 =	vmpcnt.ones.xlane vm2;
	_ =	sdelay $0x1  }
0x360: {  	v6 =	vadd.s32 v6, v58;
	v59, _, _ =	vpop (xrf0)  }
0x361: {  	v10 =	vadd.s32 v59, v6  }
0x362: {  	v10 =	vadd.s32 $0xFFFFFFFF, v10  }
0x363: {  	vm2 =	vlt.s32 v10, $0x1000  }
0x364: {  	v10 =	vnsel vm2, $0x1000, v10;
	_ =	sdelay $0x1  }
0x365: {  	v11 =	vshra.s32 v9, $0x1F  }
0x366: {  	v11 =	vand.u32 $0x7FFFFFFF, v11  }
0x367: {  	v9 =	vxor.u32 v9, v11  }
0x368: {  	[tilespmem:v10+s13+$0x0] =	vst.idx.msk vm1, v9  }
0x369: {  	v10 =	vld [tilespmem:s18+$0x8030];
	_ =	sdelay $0x4  }
0x36a: {  	vm2 =	vgt.f32 v10, v4  }
0x36b: {  	v60 =	vsel vm2, $0x1, v0  }
0x36c: {  	(xrf0) =	vadd.scan.msk.s32 $0xffff, v60;
	_ =	sdelay $0x3  }
0x36d: {  	v61 =	vmpcnt.ones.xlane vm1;
	_ =	sdelay $0x1  }
0x36e: {  	v6 =	vadd.s32 v6, v61;
	v62, _, _ =	vpop (xrf0)  }
0x36f: {  	v11 =	vadd.s32 v62, v6  }
0x370: {  	vm1 =	vgt.s32 v5, v7;
	v11 =	vadd.s32 $0xFFFFFFFF, v11  }
0x371: {  	v5 =	vsel vm1, v5, v7;
	vm1 =	vlt.s32 v11, $0x1000  }
0x372: {  	p0 =	sne.s32 s17, $0x1FF00;
	v7 =	vnsel vm1, $0x1000, v11;
	vm1 =	vgt.s32 v5, v8  }
.Ltmp42:
0x373: {  	v5 =	vsel vm1, v5, v8;
	v8 =	vshra.s32 v10, $0x1F;
	(pc) =	sbr.rel @p0 .LBB2_55-.Ltmp42, $4  }
0x374: {  	vm1 =	vgt.s32 v5, v9;
	v8 =	vand.u32 $0x7FFFFFFF, v8  }
0x375: {  	v63 =	vmpcnt.ones.xlane vm2;
	v5 =	vsel vm1, v5, v9;
	v8 =	vxor.u32 v10, v8  }
0x376: {  	vm1 =	vgt.s32 v5, v8  }
0x377: {  	s17 =	sadd.s32 $0x100, s17;
	v6 =	vadd.s32 v6, v63;
	[tilespmem:v7+s13+$0x0] =	vst.idx.msk vm2, v8;
	v5 =	vsel vm1, v5, v8  }
0x378: {  	v6 =	vxor.u32 $0x80000000, v6  }
0x379: {  	(xrf0) =	vmax.scan.msk.u32 $0xffff, v6;
	_ =	sdelay $0x2  }
0x37a: {  	v5 =	vxor.u32 $0x80000000, v5;
	_ =	sdelay $0x1  }
0x37b: {  	(xrf0) =	vmax.scan.msk.u32 $0xffff, v5  }
0x37c: {  	v5, _, _ =	vpop (xrf0)  }
0x37d: {  	(v2sf) =	vpush v5, $0xF;
	_ =	sdelay $0x3  }
0x37e: {  	v5, _, _ =	vpop (xrf0)  }
0x37f: {  	(v2sf) =	vpush v5, $0xF;
	_ =	sdelay $0x9  }
0x380: {  	s17 =	spop (v2sf)  }
0x381: {  	s18 =	sxor.u32 $0x80000000, s17  }
0x382: {  	p0 =	slt.s32 s18, $0x1000  }
.Ltmp43:
0x383: {  	s18 =	simm.s32 @!p0 $0x1000;
	(pc) =	sbr.rel .LBB2_57-.Ltmp43, $4  }
0x384: {  	[tilespmem:s18+$0x10000] =	vst v1  }
0x385: {  	v5 =	vshra.s32 v4, $0x1F;
	s19 =	spop (v2sf);
	[tilespmem:s18+$0x10010] =	vst v1;
	s20 =	sadd.s32 $0x3F, s18  }
0x386: {  	v6 =	vand.u32 $0x7FFFFFFF, v5;
	s21 =	sxor.u32 $0x80000000, s19;
	[tilespmem:s18+$0x10020] =	vst v1;
	s19 =	sshra.s32 s20, $0x6  }
0x387: {  	v4 =	vxor.u32 v4, v6;
	v5 =	vmov s21;
	[tilespmem:s18+$0x10030] =	vst v1;
	s18 =	simm.s32 $0x0;
	p0 =	slt.s32 s19, $0x1  }
.LBB2_60:
0x388: {  	v11 =	vsel vm1, $0x1, v0;
	vm1 =	vgt.s32 v9, v6  }
0x389: {  	v9 =	vadd.s32 v11, v10;
	v10 =	vsel vm1, $0x1, v0;
	vm1 =	vgt.s32 v8, v6  }
0x38a: {  	v8 =	vadd.s32 v10, v9;
	v9 =	vsel vm1, $0x1, v0;
	vm1 =	vgt.s32 v7, v6  }
0x38b: {  	v7 =	vadd.s32 v9, v8;
	v8 =	vsel vm1, $0x1, v0  }
0x38c: {  	v10 =	vadd.s32 v8, v7  }
.LBB2_61:
0x38d: {  	(xrf0) =	vadd.scan.msk.s32 $0xffff, v10;
	_ =	sdelay $0x5  }
0x38e: {  	v7, _, _ =	vpop (xrf0)  }
0x38f: {  	(v2sf) =	vpush v7, $0xF;
	_ =	sdelay $0xa  }
0x390: {  	s18 =	sadd.s32 $0x1, s18  }
0x391: {  	p2 =	sne.s32 s18, $0x1B  }
.Ltmp44:
0x392: {  	_ = 	snop;
	(pc) =	sbr.rel @!p2 .LBB2_62-.Ltmp44, $4  }
0x393: {  	_ = 	snop  }
0x394: {  	s20 =	spop (v2sf)  }
0x395: {  	v7 =	vadd.s32 $0x1, v6;
	p1 =	sgt.s32 s20, $0xFF  }
0x396: {  	v4 =	vpsel p1, v7, v4;
	v5 =	vpsel p1, v5, v6  }
.LBB2_57:
.Ltmp45:
0x397: {  	(pc) =	sbr.rel @p0 .LBB2_61-.Ltmp45, $4  }
0x398: {  	_ = 	snop  }
0x399: {  	v6 =	vxor.u32 v5, v4  }
0x39a: {  	v7 =	vand.u32 v5, v4;
	v6 =	vshra.s32 v6, $0x1  }
0x39b: {  	v10 =	vimm.s32 $0x0;
	s21 =	simm.s32 $0x10020;
	v6 =	vadd.s32 v6, v7  }
0x39c: {  	v11 =	vld [tilespmem:s21+$0xFFFFFFE0];
	p1 =	sne.s32 s19, $0x1  }
.Ltmp46:
0x39d: {  	v9 =	vld [tilespmem:s21+$0xFFFFFFF0];
	(pc) =	sbr.rel @!p1 .LBB2_60-.Ltmp46, $3  }
0x39e: {  	v8 =	vld [tilespmem:s21+$0x0]  }
0x39f: {  	v7 =	vld [tilespmem:s21+$0x10];
	_ =	sdelay $0x1  }
0x3a0: {  	s20 =	sadd.s32 $0xFFFFFFFF, s19;
	s21 =	sadd.s32 $0x40, s21;
	vm1 =	vgt.s32 v11, v6  }
.LBB2_59:
0x3a1: {  	v11 =	vld [tilespmem:s21+$0xFFFFFFE0];
	p1 =	sne.s32 s20, $0x1;
	s20 =	sadd.s32 $0xFFFFFFFF, s20;
	v12 =	vsel vm1, $0x1, v0;
	vm1 =	vgt.s32 v9, v6  }
.Ltmp47:
0x3a2: {  	v9 =	vld [tilespmem:s21+$0xFFFFFFF0];
	v10 =	vadd.s32 v12, v10;
	v12 =	vsel vm1, $0x1, v0;
	vm1 =	vgt.s32 v8, v6;
	(pc) =	sbr.rel @p1 .LBB2_59-.Ltmp47, $4  }
0x3a3: {  	v8 =	vld [tilespmem:s21+$0x0];
	v10 =	vadd.s32 v12, v10;
	v12 =	vsel vm1, $0x1, v0;
	vm1 =	vgt.s32 v7, v6  }
0x3a4: {  	v7 =	vld [tilespmem:s21+$0x10];
	v10 =	vadd.s32 v12, v10;
	v12 =	vsel vm1, $0x1, v0  }
0x3a5: {  	v10 =	vadd.s32 v12, v10  }
0x3a6: {  	s21 =	sadd.s32 $0x40, s21;
	vm1 =	vgt.s32 v11, v6  }
.Ltmp48:
0x3a7: {  	_ = 	snop;
	(pc) =	sbr.rel .LBB2_60-.Ltmp48, $1  }
0x3a8: {  	_ =	sdelay $0x3  }
.LBB2_62:
0x3a9: {  	vm1 =	veq.s32 v4, v5  }
0x3aa: {  	v5 =	vsel vm1, $0x3F800000, v2  }
0x3ab: {  	(xrf0) =	vmin.scan.msk.f32 $0xffff, v5;
	_ =	sdelay $0x5  }
0x3ac: {  	v5, _, _ =	vpop (xrf0)  }
0x3ad: {  	(v2sf) =	vpush v5, $0xF;
	_ =	sdelay $0xa  }
.Ltmp49:
0x3ae: {  	_ = 	snop;
	(pc) =	sbr.rel @p0 .LBB2_63-.Ltmp49, $2  }
0x3af: {  	_ =	sdelay $0x2  }
0x3b0: {  	s21 =	simm.s32 $0x10020;
	v5 =	vimm.s32 $0x0;
	s18 =	spop (v2sf)  }
0x3b1: {  	p1 =	sne.s32 s19, $0x1  }
.Ltmp50:
0x3b2: {  	_ = 	snop;
	(pc) =	sbr.rel @!p1 .LBB2_65-.Ltmp50, $4  }
0x3b3: {  	v6 =	vld [tilespmem:s21+$0x10]  }
0x3b4: {  	v8 =	vld [tilespmem:s21+$0x0]  }
0x3b5: {  	v7 =	vld [tilespmem:s21+$0xFFFFFFF0]  }
0x3b6: {  	v9 =	vld [tilespmem:s21+$0xFFFFFFE0];
	s20 =	sadd.s32 $0xFFFFFFFF, s19;
	p0 =	por $0x0, $0x0  }
0x3b7: {  	_ = 	snop  }
0x3b8: {  	vm2 =	vgt.s32 v6, v4  }
0x3b9: {  	s19 =	sadd.s32 $0x40, s21;
	p1 =	sne.s32 s20, $0x1;
	vm1 =	veq.s32 v6, v4;
	vm3 =	vgt.s32 v8, v4;
	vm4 =	veq.s32 v8, v4  }
.Ltmp51:
0x3ba: {  	v6 =	vld [tilespmem:s19+$0x10];
	v10 =	vsel vm2, $0x1, v0;
	vm6 =	vgt.s32 v7, v4;
	vm7 =	veq.s32 v7, v4;
	(pc) =	sbr.rel @!p1 .LBB2_68-.Ltmp51, $4  }
0x3bb: {  	v8 =	vld [tilespmem:s19+$0x0];
	v11 =	vsel vm3, $0x1, v0;
	vm5 =	vgt.s32 v9, v4;
	vm8 =	veq.s32 v9, v4  }
0x3bc: {  	v7 =	vld [tilespmem:s19+$0xFFFFFFF0];
	v13 =	vsel vm6, $0x1, v0;
	v9 =	vsel vm5, $0x1, v0;
	v12 =	vsel vm8, $0x1, v0  }
0x3bd: {  	v16 =	vsel vm7, $0x1, v0;
	v14 =	vadd.s32 v9, v5;
	v15 =	vadd.s32 v12, v5;
	v9 =	vld [tilespmem:s19+$0xFFFFFFE0]  }
0x3be: {  	s20 =	sadd.s32 $0xFFFFFFFF, s20;
	p0 =	por $0x1, $0x1;
	v12 =	vadd.s32 v13, v14;
	v13 =	vadd.s32 v16, v15;
	v14 =	vsel vm4, $0x1, v0  }
.LBB2_67:
0x3bf: {  	p1 =	sne.s32 s20, $0x1;
	v11 =	vadd.s32 v11, v12;
	v12 =	vadd.s32 v14, v13;
	v13 =	vsel vm1, $0x1, v0  }
0x3c0: {  	vm2 =	vgt.s32 v6, v4;
	v14 =	vadd.s32 v10, v11;
	v12 =	vadd.s32 v13, v12  }
0x3c1: {  	vm1 =	veq.s32 v6, v4;
	s19 =	sadd.s32 $0x40, s19;
	vm3 =	vgt.s32 v8, v4;
	vm4 =	veq.s32 v8, v4  }
.Ltmp52:
0x3c2: {  	vm6 =	vgt.s32 v7, v4;
	vm7 =	veq.s32 v7, v4;
	v6 =	vld [tilespmem:s19+$0x10];
	vm5 =	vgt.s32 v9, v4;
	(pc) =	sbr.rel @p1 .LBB2_67-.Ltmp52, $4  }
0x3c3: {  	v10 =	vsel vm2, $0x1, v0;
	v11 =	vsel vm3, $0x1, v0;
	vm8 =	veq.s32 v9, v4;
	v8 =	vld [tilespmem:s19+$0x0]  }
0x3c4: {  	v16 =	vsel vm6, $0x1, v0;
	v13 =	vsel vm5, $0x1, v0;
	v15 =	vsel vm8, $0x1, v0;
	v7 =	vld [tilespmem:s19+$0xFFFFFFF0]  }
0x3c5: {  	v13 =	vadd.s32 v13, v14;
	v14 =	vadd.s32 v15, v12;
	v15 =	vsel vm7, $0x1, v0;
	v9 =	vld [tilespmem:s19+$0xFFFFFFE0]  }
0x3c6: {  	s20 =	sadd.s32 $0xFFFFFFFF, s20;
	v12 =	vadd.s32 v16, v13;
	v13 =	vadd.s32 v15, v14;
	v14 =	vsel vm4, $0x1, v0  }
.LBB2_68:
0x3c7: {  	v11 =	vadd.s32 @p0 v11, v12;
	v12 =	vadd.s32 @p0 v14, v13  }
0x3c8: {  	v13 =	vsel @p0 vm1, $0x1, v0;
	vm1 =	vgt.s32 v6, v4;
	vm4 =	veq.s32 v6, v4  }
0x3c9: {  	v10 =	vadd.s32 @p0 v10, v11;
	v11 =	vadd.s32 @p0 v13, v12;
	vm2 =	vgt.s32 v8, v4  }
0x3ca: {  	vm3 =	veq.s32 v8, v4;
	v63 =	vsel vm4, $0x1, v0;
	vm6 =	vgt.s32 v7, v4  }
0x3cb: {  	vm7 =	veq.s32 v7, v4;
	v6 =	vsel vm2, $0x1, v0;
	v10 =	vpsel p0, v10, v5  }
0x3cc: {  	v5 =	vpsel p0, v11, v5;
	vm5 =	vgt.s32 v9, v4;
	vm8 =	veq.s32 v9, v4  }
.Ltmp53:
0x3cd: {  	v60 =	vsel vm6, $0x1, v0;
	v8 =	vsel vm5, $0x1, v0;
	v9 =	vsel vm8, $0x1, v0;
	(pc) =	sbr.rel .LBB2_69-.Ltmp53, $4  }
0x3ce: {  	v61 =	vsel vm7, $0x1, v0;
	v8 =	vadd.s32 v8, v10;
	v5 =	vadd.s32 v9, v5  }
0x3cf: {  	v62 =	vsel vm3, $0x1, v0;
	v8 =	vadd.s32 v60, v8;
	v5 =	vadd.s32 v61, v5  }
0x3d0: {  	v7 =	vsel vm1, $0x1, v0;
	v6 =	vadd.s32 v6, v8;
	v8 =	vadd.s32 v62, v5  }
0x3d1: {  	v5 =	vadd.s32 v7, v6;
	v6 =	vadd.s32 v63, v8  }
.LBB2_14:
.Ltmp54:
0x3d2: {  	(pc) =	sbr.rel .LBB2_17-.Ltmp54, $2  }
0x3d3: {  	_ =	sdelay $0x2  }
0x3d4: {  	_ = 	snop  }
.LBB2_31:
.Ltmp55:
0x3d5: {  	(pc) =	sbr.rel .LBB2_34-.Ltmp55, $2  }
0x3d6: {  	_ =	sdelay $0x2  }
0x3d7: {  	_ = 	snop  }
.LBB2_48:
.Ltmp56:
0x3d8: {  	(pc) =	sbr.rel .LBB2_51-.Ltmp56, $2  }
0x3d9: {  	_ =	sdelay $0x2  }
0x3da: {  	_ = 	snop  }
.LBB2_65:
.Ltmp57:
0x3db: {  	(pc) =	sbr.rel .LBB2_68-.Ltmp57, $2  }
0x3dc: {  	_ =	sdelay $0x2  }
0x3dd: {  	_ = 	snop  }
.LBB2_70:
0x3de: {  	_ =	sfence.sel $0x180000  }
0x3df: {  	[bflag:$0x0] =	sbarrier.arrive $0xFFFF  }
0x3e0: {  	p0 =	sne.s32 s1, $0x0;
	_ =	strace $0x90000047  }
0x3e1: {  	s0 =	sadd.s32 @!p0 $0x100000, s0;
	[bflag:$0x2] =	sbarrier.arrive $0xFFFF  }
0x3e2: {  	[sflag:s0] =	ssyncadd.tile.s32 @!p0 $0x1;
	_ =	shalt  }
.Lfunc_end2:
_tile_overlayer_lowered:
.L_overlay_start_2:
0x3e3: {  	(tag) =	ssettag $0x2  }
0x3e4: {  	s0 =	rddreg [dreg:$0x0];
	s2 =	stileid.u32  }
0x3e5: {  	s1 =	rddreg [dreg:$0x1];
	p0 =	sne.s32 s2, $0x0  }
0x3e6: {  	s3 =	rddreg [dreg:$0x2];
	[bflag:$0x3] =	sbarrier.arrive $0xFFFF;
	s2 =	simm.s32 @!p0 $0x1C03  }
0x3e7: {  	[timem:s3], [sflag:s2] =	dma.local @!p0 [hbm:s0], s1  }
0x3e8: {  	s0 =	simm.s32 @!p0 $0x3  }
0x3e9: {  	_ =	swait.ge @!p0 [sflag:s0], s1  }
0x3ea: {  	s1 =	ssub.s32 @!p0 $0x0, s1;
	[sflag:s0] =	ssyncset.done @!p0 $0x0  }
0x3eb: {  	[sflag:s0] =	ssyncadd.s32 @!p0 s1  }
0x3ec: {  	[bflag:$0x3] =	sbarrier.arrive $0xFFFF  }
0x3ed: {  	_ =	shalt  }

</sc_bundles>
